<compile_context>
chip_gen: v7x
topology: tpu7x:2x2x1
jax: 0.10.2.dev20260603
libtpu: 0.0.44.dev20260713+nightly
codegen_flags: <defaults>
</compile_context>

<pallas_src>
import functools

import jax
import jax.numpy as jnp
from jax import lax
from jax.experimental import pallas as pl
from jax.experimental.pallas import tpu as pltpu
from jax.experimental.pallas import tpu_sc as plsc

VOCAB = 100000
EMBED = 16
NGRAM = 5
BATCH = 1024
FAN_IN = NGRAM * EMBED

NW = 32
N_IDX = BATCH * NGRAM
PER_W = N_IDX // NW

VB = 6144
GRID_V = (VOCAB + VB - 1) // VB


N_FLAT = PER_W * EMBED
GCH = 128
NG = N_FLAT // GCH
L = 16


def _sc_gather(table_flat, idx):
    mesh = plsc.VectorSubcoreMesh(core_axis_name="c", subcore_axis_name="s")

    @functools.partial(
        pl.kernel,
        out_type=jax.ShapeDtypeStruct((N_IDX * EMBED,), jnp.float32),
        mesh=mesh,
        scratch_types=[
            pltpu.VMEM((PER_W,), jnp.int32),
            pltpu.VMEM((N_FLAT,), jnp.int32),
            pltpu.VMEM((N_FLAT,), jnp.float32),
            pltpu.SemaphoreType.DMA,
        ],
        compiler_params=pltpu.CompilerParams(use_tc_tiling_on_sc=False,
                                             needs_layout_passes=False),
    )
    def k(table_hbm, idx_hbm, out_hbm, idx_v, pos_v, rows_v, sem):
        wid = lax.axis_index("s") * 2 + lax.axis_index("c")
        base = wid * PER_W
        pltpu.sync_copy(idx_hbm.at[pl.ds(base, PER_W)], idx_v)
        lane = lax.iota(jnp.int32, L)
        copies = []
        for g in range(NG):
            for c in range(g * GCH // (L * EMBED), (g + 1) * GCH // (L * EMBED)):
                iv = idx_v[pl.ds(c * L, L)]
                for e in range(EMBED):
                    tgt = lane * EMBED + (c * L * EMBED + e)
                    plsc.store_scatter(pos_v, [tgt], iv + e * VOCAB)
            copies.append(
                pltpu.async_copy(table_hbm.at[pos_v.at[pl.ds(g * GCH, GCH)]],
                                 rows_v.at[pl.ds(g * GCH, GCH)], sem))
        for cp in copies:
            cp.wait()
        pltpu.sync_copy(rows_v, out_hbm.at[pl.ds(base * EMBED, N_FLAT)])

    return k(table_flat, idx)


def _tc_matmul_t(z1a, Wt, brow):
    def body(w_ref, z_ref, b_ref, o_ref):
        w_aug = jnp.concatenate([w_ref[...], b_ref[...]], axis=0)
        o_ref[...] = lax.dot_general(
            w_aug, z_ref[...],
            (((0,), (1,)), ((), ())),
            preferred_element_type=jnp.float32,
        )

    return pl.pallas_call(
        body,
        grid=(GRID_V,),
        in_specs=[
            pl.BlockSpec((FAN_IN, VB), lambda i: (0, i)),
            pl.BlockSpec((BATCH, FAN_IN + 1), lambda i: (0, 0)),
            pl.BlockSpec((1, VB), lambda i: (0, i)),
        ],
        out_specs=pl.BlockSpec((VB, BATCH), lambda i: (i, 0)),
        out_shape=jax.ShapeDtypeStruct((VOCAB, BATCH), jnp.float32),
        compiler_params=pltpu.CompilerParams(
            dimension_semantics=("parallel",),
            vmem_limit_bytes=100 * 1024 * 1024),
    )(Wt, z1a, brow)


def kernel(inputs, emb_table, W1, b1):
    idx = inputs.reshape(-1).astype(jnp.int32)
    rows = _sc_gather(emb_table.T.reshape(-1), idx)
    z1 = rows.reshape(BATCH, FAN_IN)
    z1a = jnp.pad(z1, ((0, 0), (0, 1)), constant_values=1.0)
    out_t = _tc_matmul_t(z1a, W1.T, b1.reshape(1, VOCAB))
    return out_t.T

# --- scband reference (transcript-rebuilt; emitter-appended) ---
"""Pipeline reference for scband-ngram-language-model-50422916055134 (READ-ONLY COPY).

The authoritative reference and input builder live on the scoring server;
editing this copy changes nothing except your own understanding.
"""

import jax, jax.numpy as jnp
import numpy as np

VOCAB = 100000
EMBED_DIM = 16
NGRAM = 5
BATCH = 1024

def setup_inputs(seed: int = 0) -> dict:
    key = jax.random.key(seed)
    k1, k2, k3, k4 = jax.random.split(key, 4)
    inputs = jax.random.randint(k1, (BATCH, NGRAM), 0, VOCAB, dtype=jnp.int64)
    emb_table = jax.random.normal(k2, (VOCAB, EMBED_DIM), dtype=jnp.float32)
    # nn.Linear(ngram*embed_dim, vocab): weight [vocab, ngram*embed_dim], bias [vocab]
    fan_in = NGRAM * EMBED_DIM
    bound = 1.0 / np.sqrt(fan_in)
    W1 = jax.random.uniform(k3, (VOCAB, fan_in), dtype=jnp.float32, minval=-bound, maxval=bound)
    b1 = jax.random.uniform(k4, (VOCAB,), dtype=jnp.float32, minval=-bound, maxval=bound)
    return {"inputs": inputs, "emb_table": emb_table, "W1": W1, "b1": b1}

def reference(inputs, emb_table, W1, b1):
    # Z = self.embeddings(inputs[:, :self.ngram])
    Z = jnp.take(emb_table, inputs[:, :NGRAM], axis=0)  # [B, ngram, embed_dim]
    # z1 = Z.view(Z.size(0), -1)
    z1 = Z.reshape(Z.shape[0], -1)  # [B, ngram*embed_dim]
    # o = self.linear1(z1)
    o = z1 @ W1.T + b1  # [B, vocab]
    return o

if __name__ == "__main__":
    import jax
    _d = setup_inputs()
    print(jax.jit(kernel)(*tuple(_d.values())))

</pallas_src>

<mosaic_0001>
#map = affine_map<(d0, d1) -> (0)>
module attributes {stable_mosaic.version = 14 : i64} {
  func.func @k(%arg0: i32, %arg1: i32, %arg2: memref<1600000xf32, #tpu.memory_space<hbm>>, %arg3: memref<5120xi32, #tpu.memory_space<hbm>>, %arg4: memref<81920xf32, #tpu.memory_space<hbm>>, %arg5: memref<160xi32, #tpu.memory_space<vmem>>, %arg6: memref<2560xi32, #tpu.memory_space<vmem>>, %arg7: memref<2560xf32, #tpu.memory_space<vmem>>, %arg8: memref<!tpu.dma_semaphore, #tpu.memory_space<semaphore_mem>>) attributes {dimension_semantics = [#tpu.dimension_semantics<core_parallel>, #tpu.dimension_semantics<subcore_parallel>], iteration_bounds = array<i64: 2, 16>, scalar_prefetch = 0 : i64, scratch_operands = 4 : i64, tpu.core_type = #tpu.core_type<sc_vector_subcore>, window_params = [{transform_indices = #map}, {transform_indices = #map}, {transform_indices = #map}]} {
    %mul3A = arith.constant 2 : i32
    %mul3A_0 = arith.muli %arg1, %mul3A : i32
    %add3A = arith.addi %mul3A_0, %arg0 : i32
    %mul3A_1 = arith.constant 160 : i32
    %mul3A_2 = arith.muli %add3A, %mul3A_1 : i32
    "tpu.region"() ({
      %run_scoped3A = tpu.sem_alloc : memref<!tpu.dma_semaphore, #tpu.memory_space<semaphore_mem>>
      %dma_start3A_1702 = tpu.memref_slice %arg3[%mul3A_2] : memref<5120xi32, #tpu.memory_space<hbm>> -> memref<160xi32, #tpu.memory_space<hbm>>
      %dma_start3A_1703 = tpu.memref_slice %arg3[%mul3A_2] : memref<5120xi32, #tpu.memory_space<hbm>> -> memref<160xi32, #tpu.memory_space<hbm>>
      tpu.enqueue_dma source(%dma_start3A_1703 : memref<160xi32, #tpu.memory_space<hbm>>) target(%arg5 : memref<160xi32, #tpu.memory_space<vmem>>) target_semaphore(%run_scoped3A : memref<!tpu.dma_semaphore, #tpu.memory_space<semaphore_mem>>)
      %dma_wait3A_1704 = tpu.memref_slice %arg3[%mul3A_2] : memref<5120xi32, #tpu.memory_space<hbm>> -> memref<160xi32, #tpu.memory_space<hbm>>
      %dma_wait3A_1705 = tpu.memref_slice %arg3[%mul3A_2] : memref<5120xi32, #tpu.memory_space<hbm>> -> memref<160xi32, #tpu.memory_space<hbm>>
      tpu.wait_dma2 semaphore(%run_scoped3A : memref<!tpu.dma_semaphore, #tpu.memory_space<semaphore_mem>>) src(%dma_wait3A_1705 : memref<160xi32, #tpu.memory_space<hbm>>) dst(%arg5 : memref<160xi32, #tpu.memory_space<vmem>>)
      tpu.yield
    }) : () -> ()
    %iota3A = tpu.iota {dimensions = array<i32: 0>} : vector<16xi32>
    %dma_start3A = arith.constant 0 : i32
    %dma_start3A_3 = tpu.memref_slice %arg7[%dma_start3A] : memref<2560xf32, #tpu.memory_space<vmem>> -> memref<128xf32, #tpu.memory_space<vmem>>
    %dma_start3A_4 = arith.constant 0 : i32
    %dma_start3A_5 = tpu.memref_slice %arg6[%dma_start3A_4] : memref<2560xi32, #tpu.memory_space<vmem>> -> memref<128xi32, #tpu.memory_space<vmem>>
    %dma_start3A_6 = arith.constant 0 : i32
    %dma_start3A_7 = tpu.memref_slice %arg2[%dma_start3A_6] : memref<1600000xf32, #tpu.memory_space<hbm>> -> memref<1600000xf32, #tpu.memory_space<hbm>>
    tpu.enqueue_indirect_dma source(%dma_start3A_7 : memref<1600000xf32, #tpu.memory_space<hbm>>) target(%dma_start3A_3 : memref<128xf32, #tpu.memory_space<vmem>>) offsets(%dma_start3A_5 : memref<128xi32, #tpu.memory_space<vmem>>) semaphore(%arg8 : memref<!tpu.dma_semaphore, #tpu.memory_space<semaphore_mem>>)
    %get3A = arith.constant 0 : index
    %get3A_8 = tpu.vector_load %arg5[%get3A] {strides = array<i32>} : memref<160xi32, #tpu.memory_space<vmem>>, vector<16xi32>,
    %mul3A_9 = arith.constant 16 : i32
    %mul3A_10 = vector.broadcast %mul3A_9 : i32 to vector<16xi32>
    %mul3A_11 = arith.muli %iota3A, %mul3A_10 : vector<16xi32>
    %add3A_12 = arith.constant 0 : i32
    %add3A_13 = vector.broadcast %add3A_12 : i32 to vector<16xi32>
    %add3A_14 = arith.addi %mul3A_11, %add3A_13 : vector<16xi32>
    %add3A_15 = arith.constant 0 : i32
    %add3A_16 = vector.broadcast %add3A_15 : i32 to vector<16xi32>
    %add3A_17 = arith.addi %get3A_8, %add3A_16 : vector<16xi32>
    tpu.vector_store_idx %arg6[%add3A_14], %add3A_17 : memref<2560xi32, #tpu.memory_space<vmem>>[vector<16xi32>], vector<16xi32>,
    %mul3A_18 = arith.constant 16 : i32
    %mul3A_19 = vector.broadcast %mul3A_18 : i32 to vector<16xi32>
    %mul3A_20 = arith.muli %iota3A, %mul3A_19 : vector<16xi32>
    %add3A_21 = arith.constant 1 : i32
    %add3A_22 = vector.broadcast %add3A_21 : i32 to vector<16xi32>
    %add3A_23 = arith.addi %mul3A_20, %add3A_22 : vector<16xi32>
    %add3A_24 = arith.constant 100000 : i32
    %add3A_25 = vector.broadcast %add3A_24 : i32 to vector<16xi32>
    %add3A_26 = arith.addi %get3A_8, %add3A_25 : vector<16xi32>
    tpu.vector_store_idx %arg6[%add3A_23], %add3A_26 : memref<2560xi32, #tpu.memory_space<vmem>>[vector<16xi32>], vector<16xi32>,
    %mul3A_27 = arith.constant 16 : i32
    %mul3A_28 = vector.broadcast %mul3A_27 : i32 to vector<16xi32>
    %mul3A_29 = arith.muli %iota3A, %mul3A_28 : vector<16xi32>
    %add3A_30 = arith.constant 2 : i32
    %add3A_31 = vector.broadcast %add3A_30 : i32 to vector<16xi32>
    %add3A_32 = arith.addi %mul3A_29, %add3A_31 : vector<16xi32>
    %add3A_33 = arith.constant 200000 : i32
    %add3A_34 = vector.broadcast %add3A_33 : i32 to vector<16xi32>
    %add3A_35 = arith.addi %get3A_8, %add3A_34 : vector<16xi32>
    tpu.vector_store_idx %arg6[%add3A_32], %add3A_35 : memref<2560xi32, #tpu.memory_space<vmem>>[vector<16xi32>], vector<16xi32>,
    %mul3A_36 = arith.constant 16 : i32
    %mul3A_37 = vector.broadcast %mul3A_36 : i32 to vector<16xi32>
    %mul3A_38 = arith.muli %iota3A, %mul3A_37 : vector<16xi32>
    %add3A_39 = arith.constant 3 : i32
    %add3A_40 = vector.broadcast %add3A_39 : i32 to vector<16xi32>
    %add3A_41 = arith.addi %mul3A_38, %add3A_40 : vector<16xi32>
    %add3A_42 = arith.constant 300000 : i32
    %add3A_43 = vector.broadcast %add3A_42 : i32 to vector<16xi32>
    %add3A_44 = arith.addi %get3A_8, %add3A_43 : vector<16xi32>
    tpu.vector_store_idx %arg6[%add3A_41], %add3A_44 : memref<2560xi32, #tpu.memory_space<vmem>>[vector<16xi32>], vector<16xi32>,
    %mul3A_45 = arith.constant 16 : i32
    %mul3A_46 = vector.broadcast %mul3A_45 : i32 to vector<16xi32>
    %mul3A_47 = arith.muli %iota3A, %mul3A_46 : vector<16xi32>
    %add3A_48 = arith.constant 4 : i32
    %add3A_49 = vector.broadcast %add3A_48 : i32 to vector<16xi32>
    %add3A_50 = arith.addi %mul3A_47, %add3A_49 : vector<16xi32>
    %add3A_51 = arith.constant 400000 : i32
    %add3A_52 = vector.broadcast %add3A_51 : i32 to vector<16xi32>
    %add3A_53 = arith.addi %get3A_8, %add3A_52 : vector<16xi32>
    tpu.vector_store_idx %arg6[%add3A_50], %add3A_53 : memref<2560xi32, #tpu.memory_space<vmem>>[vector<16xi32>], vector<16xi32>,
    %mul3A_54 = arith.constant 16 : i32
    %mul3A_55 = vector.broadcast %mul3A_54 : i32 to vector<16xi32>
    %mul3A_56 = arith.muli %iota3A, %mul3A_55 : vector<16xi32>
    %add3A_57 = arith.constant 5 : i32
    %add3A_58 = vector.broadcast %add3A_57 : i32 to vector<16xi32>
    %add3A_59 = arith.addi %mul3A_56, %add3A_58 : vector<16xi32>
    %add3A_60 = arith.constant 500000 : i32
    %add3A_61 = vector.broadcast %add3A_60 : i32 to vector<16xi32>
    %add3A_62 = arith.addi %get3A_8, %add3A_61 : vector<16xi32>
    tpu.vector_store_idx %arg6[%add3A_59], %add3A_62 : memref<2560xi32, #tpu.memory_space<vmem>>[vector<16xi32>], vector<16xi32>,
    %mul3A_63 = arith.constant 16 : i32
    %mul3A_64 = vector.broadcast %mul3A_63 : i32 to vector<16xi32>
    %mul3A_65 = arith.muli %iota3A, %mul3A_64 : vector<16xi32>
    %add3A_66 = arith.constant 6 : i32
    %add3A_67 = vector.broadcast %add3A_66 : i32 to vector<16xi32>
    %add3A_68 = arith.addi %mul3A_65, %add3A_67 : vector<16xi32>
    %add3A_69 = arith.constant 600000 : i32
    %add3A_70 = vector.broadcast %add3A_69 : i32 to vector<16xi32>
    %add3A_71 = arith.addi %get3A_8, %add3A_70 : vector<16xi32>
    tpu.vector_store_idx %arg6[%add3A_68], %add3A_71 : memref<2560xi32, #tpu.memory_space<vmem>>[vector<16xi32>], vector<16xi32>,
    %mul3A_72 = arith.constant 16 : i32
    %mul3A_73 = vector.broadcast %mul3A_72 : i32 to vector<16xi32>
    %mul3A_74 = arith.muli %iota3A, %mul3A_73 : vector<16xi32>
    %add3A_75 = arith.constant 7 : i32
    %add3A_76 = vector.broadcast %add3A_75 : i32 to vector<16xi32>
    %add3A_77 = arith.addi %mul3A_74, %add3A_76 : vector<16xi32>
    %add3A_78 = arith.constant 700000 : i32
    %add3A_79 = vector.broadcast %add3A_78 : i32 to vector<16xi32>
    %add3A_80 = arith.addi %get3A_8, %add3A_79 : vector<16xi32>
    tpu.vector_store_idx %arg6[%add3A_77], %add3A_80 : memref<2560xi32, #tpu.memory_space<vmem>>[vector<16xi32>], vector<16xi32>,
    %mul3A_81 = arith.constant 16 : i32
    %mul3A_82 = vector.broadcast %mul3A_81 : i32 to vector<16xi32>
    %mul3A_83 = arith.muli %iota3A, %mul3A_82 : vector<16xi32>
    %add3A_84 = arith.constant 8 : i32
    %add3A_85 = vector.broadcast %add3A_84 : i32 to vector<16xi32>
    %add3A_86 = arith.addi %mul3A_83, %add3A_85 : vector<16xi32>
    %add3A_87 = arith.constant 800000 : i32
    %add3A_88 = vector.broadcast %add3A_87 : i32 to vector<16xi32>
    %add3A_89 = arith.addi %get3A_8, %add3A_88 : vector<16xi32>
    tpu.vector_store_idx %arg6[%add3A_86], %add3A_89 : memref<2560xi32, #tpu.memory_space<vmem>>[vector<16xi32>], vector<16xi32>,
    %mul3A_90 = arith.constant 16 : i32
    %mul3A_91 = vector.broadcast %mul3A_90 : i32 to vector<16xi32>
    %mul3A_92 = arith.muli %iota3A, %mul3A_91 : vector<16xi32>
    %add3A_93 = arith.constant 9 : i32
    %add3A_94 = vector.broadcast %add3A_93 : i32 to vector<16xi32>
    %add3A_95 = arith.addi %mul3A_92, %add3A_94 : vector<16xi32>
    %add3A_96 = arith.constant 900000 : i32
    %add3A_97 = vector.broadcast %add3A_96 : i32 to vector<16xi32>
    %add3A_98 = arith.addi %get3A_8, %add3A_97 : vector<16xi32>
    tpu.vector_store_idx %arg6[%add3A_95], %add3A_98 : memref<2560xi32, #tpu.memory_space<vmem>>[vector<16xi32>], vector<16xi32>,
    %mul3A_99 = arith.constant 16 : i32
    %mul3A_100 = vector.broadcast %mul3A_99 : i32 to vector<16xi32>
    %mul3A_101 = arith.muli %iota3A, %mul3A_100 : vector<16xi32>
    %add3A_102 = arith.constant 10 : i32
    %add3A_103 = vector.broadcast %add3A_102 : i32 to vector<16xi32>
    %add3A_104 = arith.addi %mul3A_101, %add3A_103 : vector<16xi32>
    %add3A_105 = arith.constant 1000000 : i32
    %add3A_106 = vector.broadcast %add3A_105 : i32 to vector<16xi32>
    %add3A_107 = arith.addi %get3A_8, %add3A_106 : vector<16xi32>
    tpu.vector_store_idx %arg6[%add3A_104], %add3A_107 : memref<2560xi32, #tpu.memory_space<vmem>>[vector<16xi32>], vector<16xi32>,
    %mul3A_108 = arith.constant 16 : i32
    %mul3A_109 = vector.broadcast %mul3A_108 : i32 to vector<16xi32>
    %mul3A_110 = arith.muli %iota3A, %mul3A_109 : vector<16xi32>
    %add3A_111 = arith.constant 11 : i32
    %add3A_112 = vector.broadcast %add3A_111 : i32 to vector<16xi32>
    %add3A_113 = arith.addi %mul3A_110, %add3A_112 : vector<16xi32>
    %add3A_114 = arith.constant 1100000 : i32
    %add3A_115 = vector.broadcast %add3A_114 : i32 to vector<16xi32>
    %add3A_116 = arith.addi %get3A_8, %add3A_115 : vector<16xi32>
    tpu.vector_store_idx %arg6[%add3A_113], %add3A_116 : memref<2560xi32, #tpu.memory_space<vmem>>[vector<16xi32>], vector<16xi32>,
    %mul3A_117 = arith.constant 16 : i32
    %mul3A_118 = vector.broadcast %mul3A_117 : i32 to vector<16xi32>
    %mul3A_119 = arith.muli %iota3A, %mul3A_118 : vector<16xi32>
    %add3A_120 = arith.constant 12 : i32
    %add3A_121 = vector.broadcast %add3A_120 : i32 to vector<16xi32>
    %add3A_122 = arith.addi %mul3A_119, %add3A_121 : vector<16xi32>
    %add3A_123 = arith.constant 1200000 : i32
    %add3A_124 = vector.broadcast %add3A_123 : i32 to vector<16xi32>
    %add3A_125 = arith.addi %get3A_8, %add3A_124 : vector<16xi32>
    tpu.vector_store_idx %arg6[%add3A_122], %add3A_125 : memref<2560xi32, #tpu.memory_space<vmem>>[vector<16xi32>], vector<16xi32>,
    %mul3A_126 = arith.constant 16 : i32
    %mul3A_127 = vector.broadcast %mul3A_126 : i32 to vector<16xi32>
    %mul3A_128 = arith.muli %iota3A, %mul3A_127 : vector<16xi32>
    %add3A_129 = arith.constant 13 : i32
    %add3A_130 = vector.broadcast %add3A_129 : i32 to vector<16xi32>
    %add3A_131 = arith.addi %mul3A_128, %add3A_130 : vector<16xi32>
    %add3A_132 = arith.constant 1300000 : i32
    %add3A_133 = vector.broadcast %add3A_132 : i32 to vector<16xi32>
    %add3A_134 = arith.addi %get3A_8, %add3A_133 : vector<16xi32>
    tpu.vector_store_idx %arg6[%add3A_131], %add3A_134 : memref<2560xi32, #tpu.memory_space<vmem>>[vector<16xi32>], vector<16xi32>,
    %mul3A_135 = arith.constant 16 : i32
    %mul3A_136 = vector.broadcast %mul3A_135 : i32 to vector<16xi32>
    %mul3A_137 = arith.muli %iota3A, %mul3A_136 : vector<16xi32>
    %add3A_138 = arith.constant 14 : i32
    %add3A_139 = vector.broadcast %add3A_138 : i32 to vector<16xi32>
    %add3A_140 = arith.addi %mul3A_137, %add3A_139 : vector<16xi32>
    %add3A_141 = arith.constant 1400000 : i32
    %add3A_142 = vector.broadcast %add3A_141 : i32 to vector<16xi32>
    %add3A_143 = arith.addi %get3A_8, %add3A_142 : vector<16xi32>
    tpu.vector_store_idx %arg6[%add3A_140], %add3A_143 : memref<2560xi32, #tpu.memory_space<vmem>>[vector<16xi32>], vector<16xi32>,
    %mul3A_144 = arith.constant 16 : i32
    %mul3A_145 = vector.broadcast %mul3A_144 : i32 to vector<16xi32>
    %mul3A_146 = arith.muli %iota3A, %mul3A_145 : vector<16xi32>
    %add3A_147 = arith.constant 15 : i32
    %add3A_148 = vector.broadcast %add3A_147 : i32 to vector<16xi32>
    %add3A_149 = arith.addi %mul3A_146, %add3A_148 : vector<16xi32>
    %add3A_150 = arith.constant 1500000 : i32
    %add3A_151 = vector.broadcast %add3A_150 : i32 to vector<16xi32>
    %add3A_152 = arith.addi %get3A_8, %add3A_151 : vector<16xi32>
    tpu.vector_store_idx %arg6[%add3A_149], %add3A_152 : memref<2560xi32, #tpu.memory_space<vmem>>[vector<16xi32>], vector<16xi32>,
    %dma_start3A_153 = arith.constant 128 : i32
    %dma_start3A_154 = tpu.memref_slice %arg7[%dma_start3A_153] : memref<2560xf32, #tpu.memory_space<vmem>> -> memref<128xf32, #tpu.memory_space<vmem>>
    %dma_start3A_155 = arith.constant 128 : i32
    %dma_start3A_156 = tpu.memref_slice %arg6[%dma_start3A_155] : memref<2560xi32, #tpu.memory_space<vmem>> -> memref<128xi32, #tpu.memory_space<vmem>>
    %dma_start3A_157 = arith.constant 0 : i32
    %dma_start3A_158 = tpu.memref_slice %arg2[%dma_start3A_157] : memref<1600000xf32, #tpu.memory_space<hbm>> -> memref<1600000xf32, #tpu.memory_space<hbm>>
    tpu.enqueue_indirect_dma source(%dma_start3A_158 : memref<1600000xf32, #tpu.memory_space<hbm>>) target(%dma_start3A_154 : memref<128xf32, #tpu.memory_space<vmem>>) offsets(%dma_start3A_156 : memref<128xi32, #tpu.memory_space<vmem>>) semaphore(%arg8 : memref<!tpu.dma_semaphore, #tpu.memory_space<semaphore_mem>>)
    %dma_start3A_159 = arith.constant 256 : i32
    %dma_start3A_160 = tpu.memref_slice %arg7[%dma_start3A_159] : memref<2560xf32, #tpu.memory_space<vmem>> -> memref<128xf32, #tpu.memory_space<vmem>>
    %dma_start3A_161 = arith.constant 256 : i32
    %dma_start3A_162 = tpu.memref_slice %arg6[%dma_start3A_161] : memref<2560xi32, #tpu.memory_space<vmem>> -> memref<128xi32, #tpu.memory_space<vmem>>
    %dma_start3A_163 = arith.constant 0 : i32
    %dma_start3A_164 = tpu.memref_slice %arg2[%dma_start3A_163] : memref<1600000xf32, #tpu.memory_space<hbm>> -> memref<1600000xf32, #tpu.memory_space<hbm>>
    tpu.enqueue_indirect_dma source(%dma_start3A_164 : memref<1600000xf32, #tpu.memory_space<hbm>>) target(%dma_start3A_160 : memref<128xf32, #tpu.memory_space<vmem>>) offsets(%dma_start3A_162 : memref<128xi32, #tpu.memory_space<vmem>>) semaphore(%arg8 : memref<!tpu.dma_semaphore, #tpu.memory_space<semaphore_mem>>)
    %get3A_165 = arith.constant 16 : index
    %get3A_166 = tpu.vector_load %arg5[%get3A_165] {strides = array<i32>} : memref<160xi32, #tpu.memory_space<vmem>>, vector<16xi32>,
    %mul3A_167 = arith.constant 16 : i32
    %mul3A_168 = vector.broadcast %mul3A_167 : i32 to vector<16xi32>
    %mul3A_169 = arith.muli %iota3A, %mul3A_168 : vector<16xi32>
    %add3A_170 = arith.constant 256 : i32
    %add3A_171 = vector.broadcast %add3A_170 : i32 to vector<16xi32>
    %add3A_172 = arith.addi %mul3A_169, %add3A_171 : vector<16xi32>
    %add3A_173 = arith.constant 0 : i32
    %add3A_174 = vector.broadcast %add3A_173 : i32 to vector<16xi32>
    %add3A_175 = arith.addi %get3A_166, %add3A_174 : vector<16xi32>
    tpu.vector_store_idx %arg6[%add3A_172], %add3A_175 : memref<2560xi32, #tpu.memory_space<vmem>>[vector<16xi32>], vector<16xi32>,
    %mul3A_176 = arith.constant 16 : i32
    %mul3A_177 = vector.broadcast %mul3A_176 : i32 to vector<16xi32>
    %mul3A_178 = arith.muli %iota3A, %mul3A_177 : vector<16xi32>
    %add3A_179 = arith.constant 257 : i32
    %add3A_180 = vector.broadcast %add3A_179 : i32 to vector<16xi32>
    %add3A_181 = arith.addi %mul3A_178, %add3A_180 : vector<16xi32>
    %add3A_182 = arith.constant 100000 : i32
    %add3A_183 = vector.broadcast %add3A_182 : i32 to vector<16xi32>
    %add3A_184 = arith.addi %get3A_166, %add3A_183 : vector<16xi32>
    tpu.vector_store_idx %arg6[%add3A_181], %add3A_184 : memref<2560xi32, #tpu.memory_space<vmem>>[vector<16xi32>], vector<16xi32>,
    %mul3A_185 = arith.constant 16 : i32
    %mul3A_186 = vector.broadcast %mul3A_185 : i32 to vector<16xi32>
    %mul3A_187 = arith.muli %iota3A, %mul3A_186 : vector<16xi32>
    %add3A_188 = arith.constant 258 : i32
    %add3A_189 = vector.broadcast %add3A_188 : i32 to vector<16xi32>
    %add3A_190 = arith.addi %mul3A_187, %add3A_189 : vector<16xi32>
    %add3A_191 = arith.constant 200000 : i32
    %add3A_192 = vector.broadcast %add3A_191 : i32 to vector<16xi32>
    %add3A_193 = arith.addi %get3A_166, %add3A_192 : vector<16xi32>
    tpu.vector_store_idx %arg6[%add3A_190], %add3A_193 : memref<2560xi32, #tpu.memory_space<vmem>>[vector<16xi32>], vector<16xi32>,
    %mul3A_194 = arith.constant 16 : i32
    %mul3A_195 = vector.broadcast %mul3A_194 : i32 to vector<16xi32>
    %mul3A_196 = arith.muli %iota3A, %mul3A_195 : vector<16xi32>
    %add3A_197 = arith.constant 259 : i32
    %add3A_198 = vector.broadcast %add3A_197 : i32 to vector<16xi32>
    %add3A_199 = arith.addi %mul3A_196, %add3A_198 : vector<16xi32>
    %add3A_200 = arith.constant 300000 : i32
    %add3A_201 = vector.broadcast %add3A_200 : i32 to vector<16xi32>
    %add3A_202 = arith.addi %get3A_166, %add3A_201 : vector<16xi32>
    tpu.vector_store_idx %arg6[%add3A_199], %add3A_202 : memref<2560xi32, #tpu.memory_space<vmem>>[vector<16xi32>], vector<16xi32>,
    %mul3A_203 = arith.constant 16 : i32
    %mul3A_204 = vector.broadcast %mul3A_203 : i32 to vector<16xi32>
    %mul3A_205 = arith.muli %iota3A, %mul3A_204 : vector<16xi32>
    %add3A_206 = arith.constant 260 : i32
    %add3A_207 = vector.broadcast %add3A_206 : i32 to vector<16xi32>
    %add3A_208 = arith.addi %mul3A_205, %add3A_207 : vector<16xi32>
    %add3A_209 = arith.constant 400000 : i32
    %add3A_210 = vector.broadcast %add3A_209 : i32 to vector<16xi32>
    %add3A_211 = arith.addi %get3A_166, %add3A_210 : vector<16xi32>
    tpu.vector_store_idx %arg6[%add3A_208], %add3A_211 : memref<2560xi32, #tpu.memory_space<vmem>>[vector<16xi32>], vector<16xi32>,
    %mul3A_212 = arith.constant 16 : i32
    %mul3A_213 = vector.broadcast %mul3A_212 : i32 to vector<16xi32>
    %mul3A_214 = arith.muli %iota3A, %mul3A_213 : vector<16xi32>
    %add3A_215 = arith.constant 261 : i32
    %add3A_216 = vector.broadcast %add3A_215 : i32 to vector<16xi32>
    %add3A_217 = arith.addi %mul3A_214, %add3A_216 : vector<16xi32>
    %add3A_218 = arith.constant 500000 : i32
    %add3A_219 = vector.broadcast %add3A_218 : i32 to vector<16xi32>
    %add3A_220 = arith.addi %get3A_166, %add3A_219 : vector<16xi32>
    tpu.vector_store_idx %arg6[%add3A_217], %add3A_220 : memref<2560xi32, #tpu.memory_space<vmem>>[vector<16xi32>], vector<16xi32>,
    %mul3A_221 = arith.constant 16 : i32
    %mul3A_222 = vector.broadcast %mul3A_221 : i32 to vector<16xi32>
    %mul3A_223 = arith.muli %iota3A, %mul3A_222 : vector<16xi32>
    %add3A_224 = arith.constant 262 : i32
    %add3A_225 = vector.broadcast %add3A_224 : i32 to vector<16xi32>
    %add3A_226 = arith.addi %mul3A_223, %add3A_225 : vector<16xi32>
    %add3A_227 = arith.constant 600000 : i32
    %add3A_228 = vector.broadcast %add3A_227 : i32 to vector<16xi32>
    %add3A_229 = arith.addi %get3A_166, %add3A_228 : vector<16xi32>
    tpu.vector_store_idx %arg6[%add3A_226], %add3A_229 : memref<2560xi32, #tpu.memory_space<vmem>>[vector<16xi32>], vector<16xi32>,
    %mul3A_230 = arith.constant 16 : i32
    %mul3A_231 = vector.broadcast %mul3A_230 : i32 to vector<16xi32>
    %mul3A_232 = arith.muli %iota3A, %mul3A_231 : vector<16xi32>
    %add3A_233 = arith.constant 263 : i32
    %add3A_234 = vector.broadcast %add3A_233 : i32 to vector<16xi32>
    %add3A_235 = arith.addi %mul3A_232, %add3A_234 : vector<16xi32>
    %add3A_236 = arith.constant 700000 : i32
    %add3A_237 = vector.broadcast %add3A_236 : i32 to vector<16xi32>
    %add3A_238 = arith.addi %get3A_166, %add3A_237 : vector<16xi32>
    tpu.vector_store_idx %arg6[%add3A_235], %add3A_238 : memref<2560xi32, #tpu.memory_space<vmem>>[vector<16xi32>], vector<16xi32>,
    %mul3A_239 = arith.constant 16 : i32
    %mul3A_240 = vector.broadcast %mul3A_239 : i32 to vector<16xi32>
    %mul3A_241 = arith.muli %iota3A, %mul3A_240 : vector<16xi32>
    %add3A_242 = arith.constant 264 : i32
    %add3A_243 = vector.broadcast %add3A_242 : i32 to vector<16xi32>
    %add3A_244 = arith.addi %mul3A_241, %add3A_243 : vector<16xi32>
    %add3A_245 = arith.constant 800000 : i32
    %add3A_246 = vector.broadcast %add3A_245 : i32 to vector<16xi32>
    %add3A_247 = arith.addi %get3A_166, %add3A_246 : vector<16xi32>
    tpu.vector_store_idx %arg6[%add3A_244], %add3A_247 : memref<2560xi32, #tpu.memory_space<vmem>>[vector<16xi32>], vector<16xi32>,
    %mul3A_248 = arith.constant 16 : i32
    %mul3A_249 = vector.broadcast %mul3A_248 : i32 to vector<16xi32>
    %mul3A_250 = arith.muli %iota3A, %mul3A_249 : vector<16xi32>
    %add3A_251 = arith.constant 265 : i32
    %add3A_252 = vector.broadcast %add3A_251 : i32 to vector<16xi32>
    %add3A_253 = arith.addi %mul3A_250, %add3A_252 : vector<16xi32>
    %add3A_254 = arith.constant 900000 : i32
    %add3A_255 = vector.broadcast %add3A_254 : i32 to vector<16xi32>
    %add3A_256 = arith.addi %get3A_166, %add3A_255 : vector<16xi32>
    tpu.vector_store_idx %arg6[%add3A_253], %add3A_256 : memref<2560xi32, #tpu.memory_space<vmem>>[vector<16xi32>], vector<16xi32>,
    %mul3A_257 = arith.constant 16 : i32
    %mul3A_258 = vector.broadcast %mul3A_257 : i32 to vector<16xi32>
    %mul3A_259 = arith.muli %iota3A, %mul3A_258 : vector<16xi32>
    %add3A_260 = arith.constant 266 : i32
    %add3A_261 = vector.broadcast %add3A_260 : i32 to vector<16xi32>
    %add3A_262 = arith.addi %mul3A_259, %add3A_261 : vector<16xi32>
    %add3A_263 = arith.constant 1000000 : i32
    %add3A_264 = vector.broadcast %add3A_263 : i32 to vector<16xi32>
    %add3A_265 = arith.addi %get3A_166, %add3A_264 : vector<16xi32>
    tpu.vector_store_idx %arg6[%add3A_262], %add3A_265 : memref<2560xi32, #tpu.memory_space<vmem>>[vector<16xi32>], vector<16xi32>,
    %mul3A_266 = arith.constant 16 : i32
    %mul3A_267 = vector.broadcast %mul3A_266 : i32 to vector<16xi32>
    %mul3A_268 = arith.muli %iota3A, %mul3A_267 : vector<16xi32>
    %add3A_269 = arith.constant 267 : i32
    %add3A_270 = vector.broadcast %add3A_269 : i32 to vector<16xi32>
    %add3A_271 = arith.addi %mul3A_268, %add3A_270 : vector<16xi32>
    %add3A_272 = arith.constant 1100000 : i32
    %add3A_273 = vector.broadcast %add3A_272 : i32 to vector<16xi32>
    %add3A_274 = arith.addi %get3A_166, %add3A_273 : vector<16xi32>
    tpu.vector_store_idx %arg6[%add3A_271], %add3A_274 : memref<2560xi32, #tpu.memory_space<vmem>>[vector<16xi32>], vector<16xi32>,
    %mul3A_275 = arith.constant 16 : i32
    %mul3A_276 = vector.broadcast %mul3A_275 : i32 to vector<16xi32>
    %mul3A_277 = arith.muli %iota3A, %mul3A_276 : vector<16xi32>
    %add3A_278 = arith.constant 268 : i32
    %add3A_279 = vector.broadcast %add3A_278 : i32 to vector<16xi32>
    %add3A_280 = arith.addi %mul3A_277, %add3A_279 : vector<16xi32>
    %add3A_281 = arith.constant 1200000 : i32
    %add3A_282 = vector.broadcast %add3A_281 : i32 to vector<16xi32>
    %add3A_283 = arith.addi %get3A_166, %add3A_282 : vector<16xi32>
    tpu.vector_store_idx %arg6[%add3A_280], %add3A_283 : memref<2560xi32, #tpu.memory_space<vmem>>[vector<16xi32>], vector<16xi32>,
    %mul3A_284 = arith.constant 16 : i32
    %mul3A_285 = vector.broadcast %mul3A_284 : i32 to vector<16xi32>
    %mul3A_286 = arith.muli %iota3A, %mul3A_285 : vector<16xi32>
    %add3A_287 = arith.constant 269 : i32
    %add3A_288 = vector.broadcast %add3A_287 : i32 to vector<16xi32>
    %add3A_289 = arith.addi %mul3A_286, %add3A_288 : vector<16xi32>
    %add3A_290 = arith.constant 1300000 : i32
    %add3A_291 = vector.broadcast %add3A_290 : i32 to vector<16xi32>
    %add3A_292 = arith.addi %get3A_166, %add3A_291 : vector<16xi32>
    tpu.vector_store_idx %arg6[%add3A_289], %add3A_292 : memref<2560xi32, #tpu.memory_space<vmem>>[vector<16xi32>], vector<16xi32>,
    %mul3A_293 = arith.constant 16 : i32
    %mul3A_294 = vector.broadcast %mul3A_293 : i32 to vector<16xi32>
    %mul3A_295 = arith.muli %iota3A, %mul3A_294 : vector<16xi32>
    %add3A_296 = arith.constant 270 : i32
    %add3A_297 = vector.broadcast %add3A_296 : i32 to vector<16xi32>
    %add3A_298 = arith.addi %mul3A_295, %add3A_297 : vector<16xi32>
    %add3A_299 = arith.constant 1400000 : i32
    %add3A_300 = vector.broadcast %add3A_299 : i32 to vector<16xi32>
    %add3A_301 = arith.addi %get3A_166, %add3A_300 : vector<16xi32>
    tpu.vector_store_idx %arg6[%add3A_298], %add3A_301 : memref<2560xi32, #tpu.memory_space<vmem>>[vector<16xi32>], vector<16xi32>,
    %mul3A_302 = arith.constant 16 : i32
    %mul3A_303 = vector.broadcast %mul3A_302 : i32 to vector<16xi32>
    %mul3A_304 = arith.muli %iota3A, %mul3A_303 : vector<16xi32>
    %add3A_305 = arith.constant 271 : i32
    %add3A_306 = vector.broadcast %add3A_305 : i32 to vector<16xi32>
    %add3A_307 = arith.addi %mul3A_304, %add3A_306 : vector<16xi32>
    %add3A_308 = arith.constant 1500000 : i32
    %add3A_309 = vector.broadcast %add3A_308 : i32 to vector<16xi32>
    %add3A_310 = arith.addi %get3A_166, %add3A_309 : vector<16xi32>
    tpu.vector_store_idx %arg6[%add3A_307], %add3A_310 : memref<2560xi32, #tpu.memory_space<vmem>>[vector<16xi32>], vector<16xi32>,
    %dma_start3A_311 = arith.constant 384 : i32
    %dma_start3A_312 = tpu.memref_slice %arg7[%dma_start3A_311] : memref<2560xf32, #tpu.memory_space<vmem>> -> memref<128xf32, #tpu.memory_space<vmem>>
    %dma_start3A_313 = arith.constant 384 : i32
    %dma_start3A_314 = tpu.memref_slice %arg6[%dma_start3A_313] : memref<2560xi32, #tpu.memory_space<vmem>> -> memref<128xi32, #tpu.memory_space<vmem>>
    %dma_start3A_315 = arith.constant 0 : i32
    %dma_start3A_316 = tpu.memref_slice %arg2[%dma_start3A_315] : memref<1600000xf32, #tpu.memory_space<hbm>> -> memref<1600000xf32, #tpu.memory_space<hbm>>
    tpu.enqueue_indirect_dma source(%dma_start3A_316 : memref<1600000xf32, #tpu.memory_space<hbm>>) target(%dma_start3A_312 : memref<128xf32, #tpu.memory_space<vmem>>) offsets(%dma_start3A_314 : memref<128xi32, #tpu.memory_space<vmem>>) semaphore(%arg8 : memref<!tpu.dma_semaphore, #tpu.memory_space<semaphore_mem>>)
    %dma_start3A_317 = arith.constant 512 : i32
    %dma_start3A_318 = tpu.memref_slice %arg7[%dma_start3A_317] : memref<2560xf32, #tpu.memory_space<vmem>> -> memref<128xf32, #tpu.memory_space<vmem>>
    %dma_start3A_319 = arith.constant 512 : i32
    %dma_start3A_320 = tpu.memref_slice %arg6[%dma_start3A_319] : memref<2560xi32, #tpu.memory_space<vmem>> -> memref<128xi32, #tpu.memory_space<vmem>>
    %dma_start3A_321 = arith.constant 0 : i32
    %dma_start3A_322 = tpu.memref_slice %arg2[%dma_start3A_321] : memref<1600000xf32, #tpu.memory_space<hbm>> -> memref<1600000xf32, #tpu.memory_space<hbm>>
    tpu.enqueue_indirect_dma source(%dma_start3A_322 : memref<1600000xf32, #tpu.memory_space<hbm>>) target(%dma_start3A_318 : memref<128xf32, #tpu.memory_space<vmem>>) offsets(%dma_start3A_320 : memref<128xi32, #tpu.memory_space<vmem>>) semaphore(%arg8 : memref<!tpu.dma_semaphore, #tpu.memory_space<semaphore_mem>>)
    %get3A_323 = arith.constant 32 : index
    %get3A_324 = tpu.vector_load %arg5[%get3A_323] {strides = array<i32>} : memref<160xi32, #tpu.memory_space<vmem>>, vector<16xi32>,
    %mul3A_325 = arith.constant 16 : i32
    %mul3A_326 = vector.broadcast %mul3A_325 : i32 to vector<16xi32>
    %mul3A_327 = arith.muli %iota3A, %mul3A_326 : vector<16xi32>
    %add3A_328 = arith.constant 512 : i32
    %add3A_329 = vector.broadcast %add3A_328 : i32 to vector<16xi32>
    %add3A_330 = arith.addi %mul3A_327, %add3A_329 : vector<16xi32>
    %add3A_331 = arith.constant 0 : i32
    %add3A_332 = vector.broadcast %add3A_331 : i32 to vector<16xi32>
    %add3A_333 = arith.addi %get3A_324, %add3A_332 : vector<16xi32>
    tpu.vector_store_idx %arg6[%add3A_330], %add3A_333 : memref<2560xi32, #tpu.memory_space<vmem>>[vector<16xi32>], vector<16xi32>,
    %mul3A_334 = arith.constant 16 : i32
    %mul3A_335 = vector.broadcast %mul3A_334 : i32 to vector<16xi32>
    %mul3A_336 = arith.muli %iota3A, %mul3A_335 : vector<16xi32>
    %add3A_337 = arith.constant 513 : i32
    %add3A_338 = vector.broadcast %add3A_337 : i32 to vector<16xi32>
    %add3A_339 = arith.addi %mul3A_336, %add3A_338 : vector<16xi32>
    %add3A_340 = arith.constant 100000 : i32
    %add3A_341 = vector.broadcast %add3A_340 : i32 to vector<16xi32>
    %add3A_342 = arith.addi %get3A_324, %add3A_341 : vector<16xi32>
    tpu.vector_store_idx %arg6[%add3A_339], %add3A_342 : memref<2560xi32, #tpu.memory_space<vmem>>[vector<16xi32>], vector<16xi32>,
    %mul3A_343 = arith.constant 16 : i32
    %mul3A_344 = vector.broadcast %mul3A_343 : i32 to vector<16xi32>
    %mul3A_345 = arith.muli %iota3A, %mul3A_344 : vector<16xi32>
    %add3A_346 = arith.constant 514 : i32
    %add3A_347 = vector.broadcast %add3A_346 : i32 to vector<16xi32>
    %add3A_348 = arith.addi %mul3A_345, %add3A_347 : vector<16xi32>
    %add3A_349 = arith.constant 200000 : i32
    %add3A_350 = vector.broadcast %add3A_349 : i32 to vector<16xi32>
    %add3A_351 = arith.addi %get3A_324, %add3A_350 : vector<16xi32>
    tpu.vector_store_idx %arg6[%add3A_348], %add3A_351 : memref<2560xi32, #tpu.memory_space<vmem>>[vector<16xi32>], vector<16xi32>,
    %mul3A_352 = arith.constant 16 : i32
    %mul3A_353 = vector.broadcast %mul3A_352 : i32 to vector<16xi32>
    %mul3A_354 = arith.muli %iota3A, %mul3A_353 : vector<16xi32>
    %add3A_355 = arith.constant 515 : i32
    %add3A_356 = vector.broadcast %add3A_355 : i32 to vector<16xi32>
    %add3A_357 = arith.addi %mul3A_354, %add3A_356 : vector<16xi32>
    %add3A_358 = arith.constant 300000 : i32
    %add3A_359 = vector.broadcast %add3A_358 : i32 to vector<16xi32>
    %add3A_360 = arith.addi %get3A_324, %add3A_359 : vector<16xi32>
    tpu.vector_store_idx %arg6[%add3A_357], %add3A_360 : memref<2560xi32, #tpu.memory_space<vmem>>[vector<16xi32>], vector<16xi32>,
    %mul3A_361 = arith.constant 16 : i32
    %mul3A_362 = vector.broadcast %mul3A_361 : i32 to vector<16xi32>
    %mul3A_363 = arith.muli %iota3A, %mul3A_362 : vector<16xi32>
    %add3A_364 = arith.constant 516 : i32
    %add3A_365 = vector.broadcast %add3A_364 : i32 to vector<16xi32>
    %add3A_366 = arith.addi %mul3A_363, %add3A_365 : vector<16xi32>
    %add3A_367 = arith.constant 400000 : i32
    %add3A_368 = vector.broadcast %add3A_367 : i32 to vector<16xi32>
    %add3A_369 = arith.addi %get3A_324, %add3A_368 : vector<16xi32>
    tpu.vector_store_idx %arg6[%add3A_366], %add3A_369 : memref<2560xi32, #tpu.memory_space<vmem>>[vector<16xi32>], vector<16xi32>,
    %mul3A_370 = arith.constant 16 : i32
    %mul3A_371 = vector.broadcast %mul3A_370 : i32 to vector<16xi32>
    %mul3A_372 = arith.muli %iota3A, %mul3A_371 : vector<16xi32>
    %add3A_373 = arith.constant 517 : i32
    %add3A_374 = vector.broadcast %add3A_373 : i32 to vector<16xi32>
    %add3A_375 = arith.addi %mul3A_372, %add3A_374 : vector<16xi32>
    %add3A_376 = arith.constant 500000 : i32
    %add3A_377 = vector.broadcast %add3A_376 : i32 to vector<16xi32>
    %add3A_378 = arith.addi %get3A_324, %add3A_377 : vector<16xi32>
    tpu.vector_store_idx %arg6[%add3A_375], %add3A_378 : memref<2560xi32, #tpu.memory_space<vmem>>[vector<16xi32>], vector<16xi32>,
    %mul3A_379 = arith.constant 16 : i32
    %mul3A_380 = vector.broadcast %mul3A_379 : i32 to vector<16xi32>
    %mul3A_381 = arith.muli %iota3A, %mul3A_380 : vector<16xi32>
    %add3A_382 = arith.constant 518 : i32
    %add3A_383 = vector.broadcast %add3A_382 : i32 to vector<16xi32>
    %add3A_384 = arith.addi %mul3A_381, %add3A_383 : vector<16xi32>
    %add3A_385 = arith.constant 600000 : i32
    %add3A_386 = vector.broadcast %add3A_385 : i32 to vector<16xi32>
    %add3A_387 = arith.addi %get3A_324, %add3A_386 : vector<16xi32>
    tpu.vector_store_idx %arg6[%add3A_384], %add3A_387 : memref<2560xi32, #tpu.memory_space<vmem>>[vector<16xi32>], vector<16xi32>,
    %mul3A_388 = arith.constant 16 : i32
    %mul3A_389 = vector.broadcast %mul3A_388 : i32 to vector<16xi32>
    %mul3A_390 = arith.muli %iota3A, %mul3A_389 : vector<16xi32>
    %add3A_391 = arith.constant 519 : i32
    %add3A_392 = vector.broadcast %add3A_391 : i32 to vector<16xi32>
    %add3A_393 = arith.addi %mul3A_390, %add3A_392 : vector<16xi32>
    %add3A_394 = arith.constant 700000 : i32
    %add3A_395 = vector.broadcast %add3A_394 : i32 to vector<16xi32>
    %add3A_396 = arith.addi %get3A_324, %add3A_395 : vector<16xi32>
    tpu.vector_store_idx %arg6[%add3A_393], %add3A_396 : memref<2560xi32, #tpu.memory_space<vmem>>[vector<16xi32>], vector<16xi32>,
    %mul3A_397 = arith.constant 16 : i32
    %mul3A_398 = vector.broadcast %mul3A_397 : i32 to vector<16xi32>
    %mul3A_399 = arith.muli %iota3A, %mul3A_398 : vector<16xi32>
    %add3A_400 = arith.constant 520 : i32
    %add3A_401 = vector.broadcast %add3A_400 : i32 to vector<16xi32>
    %add3A_402 = arith.addi %mul3A_399, %add3A_401 : vector<16xi32>
    %add3A_403 = arith.constant 800000 : i32
    %add3A_404 = vector.broadcast %add3A_403 : i32 to vector<16xi32>
    %add3A_405 = arith.addi %get3A_324, %add3A_404 : vector<16xi32>
    tpu.vector_store_idx %arg6[%add3A_402], %add3A_405 : memref<2560xi32, #tpu.memory_space<vmem>>[vector<16xi32>], vector<16xi32>,
    %mul3A_406 = arith.constant 16 : i32
    %mul3A_407 = vector.broadcast %mul3A_406 : i32 to vector<16xi32>
    %mul3A_408 = arith.muli %iota3A, %mul3A_407 : vector<16xi32>
    %add3A_409 = arith.constant 521 : i32
    %add3A_410 = vector.broadcast %add3A_409 : i32 to vector<16xi32>
    %add3A_411 = arith.addi %mul3A_408, %add3A_410 : vector<16xi32>
    %add3A_412 = arith.constant 900000 : i32
    %add3A_413 = vector.broadcast %add3A_412 : i32 to vector<16xi32>
    %add3A_414 = arith.addi %get3A_324, %add3A_413 : vector<16xi32>
    tpu.vector_store_idx %arg6[%add3A_411], %add3A_414 : memref<2560xi32, #tpu.memory_space<vmem>>[vector<16xi32>], vector<16xi32>,
    %mul3A_415 = arith.constant 16 : i32
    %mul3A_416 = vector.broadcast %mul3A_415 : i32 to vector<16xi32>
    %mul3A_417 = arith.muli %iota3A, %mul3A_416 : vector<16xi32>
    %add3A_418 = arith.constant 522 : i32
    %add3A_419 = vector.broadcast %add3A_418 : i32 to vector<16xi32>
    %add3A_420 = arith.addi %mul3A_417, %add3A_419 : vector<16xi32>
    %add3A_421 = arith.constant 1000000 : i32
    %add3A_422 = vector.broadcast %add3A_421 : i32 to vector<16xi32>
    %add3A_423 = arith.addi %get3A_324, %add3A_422 : vector<16xi32>
    tpu.vector_store_idx %arg6[%add3A_420], %add3A_423 : memref<2560xi32, #tpu.memory_space<vmem>>[vector<16xi32>], vector<16xi32>,
    %mul3A_424 = arith.constant 16 : i32
    %mul3A_425 = vector.broadcast %mul3A_424 : i32 to vector<16xi32>
    %mul3A_426 = arith.muli %iota3A, %mul3A_425 : vector<16xi32>
    %add3A_427 = arith.constant 523 : i32
    %add3A_428 = vector.broadcast %add3A_427 : i32 to vector<16xi32>
    %add3A_429 = arith.addi %mul3A_426, %add3A_428 : vector<16xi32>
    %add3A_430 = arith.constant 1100000 : i32
    %add3A_431 = vector.broadcast %add3A_430 : i32 to vector<16xi32>
    %add3A_432 = arith.addi %get3A_324, %add3A_431 : vector<16xi32>
    tpu.vector_store_idx %arg6[%add3A_429], %add3A_432 : memref<2560xi32, #tpu.memory_space<vmem>>[vector<16xi32>], vector<16xi32>,
    %mul3A_433 = arith.constant 16 : i32
    %mul3A_434 = vector.broadcast %mul3A_433 : i32 to vector<16xi32>
    %mul3A_435 = arith.muli %iota3A, %mul3A_434 : vector<16xi32>
    %add3A_436 = arith.constant 524 : i32
    %add3A_437 = vector.broadcast %add3A_436 : i32 to vector<16xi32>
    %add3A_438 = arith.addi %mul3A_435, %add3A_437 : vector<16xi32>
    %add3A_439 = arith.constant 1200000 : i32
    %add3A_440 = vector.broadcast %add3A_439 : i32 to vector<16xi32>
    %add3A_441 = arith.addi %get3A_324, %add3A_440 : vector<16xi32>
    tpu.vector_store_idx %arg6[%add3A_438], %add3A_441 : memref<2560xi32, #tpu.memory_space<vmem>>[vector<16xi32>], vector<16xi32>,
    %mul3A_442 = arith.constant 16 : i32
    %mul3A_443 = vector.broadcast %mul3A_442 : i32 to vector<16xi32>
    %mul3A_444 = arith.muli %iota3A, %mul3A_443 : vector<16xi32>
    %add3A_445 = arith.constant 525 : i32
    %add3A_446 = vector.broadcast %add3A_445 : i32 to vector<16xi32>
    %add3A_447 = arith.addi %mul3A_444, %add3A_446 : vector<16xi32>
    %add3A_448 = arith.constant 1300000 : i32
    %add3A_449 = vector.broadcast %add3A_448 : i32 to vector<16xi32>
    %add3A_450 = arith.addi %get3A_324, %add3A_449 : vector<16xi32>
    tpu.vector_store_idx %arg6[%add3A_447], %add3A_450 : memref<2560xi32, #tpu.memory_space<vmem>>[vector<16xi32>], vector<16xi32>,
    %mul3A_451 = arith.constant 16 : i32
    %mul3A_452 = vector.broadcast %mul3A_451 : i32 to vector<16xi32>
    %mul3A_453 = arith.muli %iota3A, %mul3A_452 : vector<16xi32>
    %add3A_454 = arith.constant 526 : i32
    %add3A_455 = vector.broadcast %add3A_454 : i32 to vector<16xi32>
    %add3A_456 = arith.addi %mul3A_453, %add3A_455 : vector<16xi32>
    %add3A_457 = arith.constant 1400000 : i32
    %add3A_458 = vector.broadcast %add3A_457 : i32 to vector<16xi32>
    %add3A_459 = arith.addi %get3A_324, %add3A_458 : vector<16xi32>
    tpu.vector_store_idx %arg6[%add3A_456], %add3A_459 : memref<2560xi32, #tpu.memory_space<vmem>>[vector<16xi32>], vector<16xi32>,
    %mul3A_460 = arith.constant 16 : i32
    %mul3A_461 = vector.broadcast %mul3A_460 : i32 to vector<16xi32>
    %mul3A_462 = arith.muli %iota3A, %mul3A_461 : vector<16xi32>
    %add3A_463 = arith.constant 527 : i32
    %add3A_464 = vector.broadcast %add3A_463 : i32 to vector<16xi32>
    %add3A_465 = arith.addi %mul3A_462, %add3A_464 : vector<16xi32>
    %add3A_466 = arith.constant 1500000 : i32
    %add3A_467 = vector.broadcast %add3A_466 : i32 to vector<16xi32>
    %add3A_468 = arith.addi %get3A_324, %add3A_467 : vector<16xi32>
    tpu.vector_store_idx %arg6[%add3A_465], %add3A_468 : memref<2560xi32, #tpu.memory_space<vmem>>[vector<16xi32>], vector<16xi32>,
    %dma_start3A_469 = arith.constant 640 : i32
    %dma_start3A_470 = tpu.memref_slice %arg7[%dma_start3A_469] : memref<2560xf32, #tpu.memory_space<vmem>> -> memref<128xf32, #tpu.memory_space<vmem>>
    %dma_start3A_471 = arith.constant 640 : i32
    %dma_start3A_472 = tpu.memref_slice %arg6[%dma_start3A_471] : memref<2560xi32, #tpu.memory_space<vmem>> -> memref<128xi32, #tpu.memory_space<vmem>>
    %dma_start3A_473 = arith.constant 0 : i32
    %dma_start3A_474 = tpu.memref_slice %arg2[%dma_start3A_473] : memref<1600000xf32, #tpu.memory_space<hbm>> -> memref<1600000xf32, #tpu.memory_space<hbm>>
    tpu.enqueue_indirect_dma source(%dma_start3A_474 : memref<1600000xf32, #tpu.memory_space<hbm>>) target(%dma_start3A_470 : memref<128xf32, #tpu.memory_space<vmem>>) offsets(%dma_start3A_472 : memref<128xi32, #tpu.memory_space<vmem>>) semaphore(%arg8 : memref<!tpu.dma_semaphore, #tpu.memory_space<semaphore_mem>>)
    %dma_start3A_475 = arith.constant 768 : i32
    %dma_start3A_476 = tpu.memref_slice %arg7[%dma_start3A_475] : memref<2560xf32, #tpu.memory_space<vmem>> -> memref<128xf32, #tpu.memory_space<vmem>>
    %dma_start3A_477 = arith.constant 768 : i32
    %dma_start3A_478 = tpu.memref_slice %arg6[%dma_start3A_477] : memref<2560xi32, #tpu.memory_space<vmem>> -> memref<128xi32, #tpu.memory_space<vmem>>
    %dma_start3A_479 = arith.constant 0 : i32
    %dma_start3A_480 = tpu.memref_slice %arg2[%dma_start3A_479] : memref<1600000xf32, #tpu.memory_space<hbm>> -> memref<1600000xf32, #tpu.memory_space<hbm>>
    tpu.enqueue_indirect_dma source(%dma_start3A_480 : memref<1600000xf32, #tpu.memory_space<hbm>>) target(%dma_start3A_476 : memref<128xf32, #tpu.memory_space<vmem>>) offsets(%dma_start3A_478 : memref<128xi32, #tpu.memory_space<vmem>>) semaphore(%arg8 : memref<!tpu.dma_semaphore, #tpu.memory_space<semaphore_mem>>)
    %get3A_481 = arith.constant 48 : index
    %get3A_482 = tpu.vector_load %arg5[%get3A_481] {strides = array<i32>} : memref<160xi32, #tpu.memory_space<vmem>>, vector<16xi32>,
    %mul3A_483 = arith.constant 16 : i32
    %mul3A_484 = vector.broadcast %mul3A_483 : i32 to vector<16xi32>
    %mul3A_485 = arith.muli %iota3A, %mul3A_484 : vector<16xi32>
    %add3A_486 = arith.constant 768 : i32
    %add3A_487 = vector.broadcast %add3A_486 : i32 to vector<16xi32>
    %add3A_488 = arith.addi %mul3A_485, %add3A_487 : vector<16xi32>
    %add3A_489 = arith.constant 0 : i32
    %add3A_490 = vector.broadcast %add3A_489 : i32 to vector<16xi32>
    %add3A_491 = arith.addi %get3A_482, %add3A_490 : vector<16xi32>
    tpu.vector_store_idx %arg6[%add3A_488], %add3A_491 : memref<2560xi32, #tpu.memory_space<vmem>>[vector<16xi32>], vector<16xi32>,
    %mul3A_492 = arith.constant 16 : i32
    %mul3A_493 = vector.broadcast %mul3A_492 : i32 to vector<16xi32>
    %mul3A_494 = arith.muli %iota3A, %mul3A_493 : vector<16xi32>
    %add3A_495 = arith.constant 769 : i32
    %add3A_496 = vector.broadcast %add3A_495 : i32 to vector<16xi32>
    %add3A_497 = arith.addi %mul3A_494, %add3A_496 : vector<16xi32>
    %add3A_498 = arith.constant 100000 : i32
    %add3A_499 = vector.broadcast %add3A_498 : i32 to vector<16xi32>
    %add3A_500 = arith.addi %get3A_482, %add3A_499 : vector<16xi32>
    tpu.vector_store_idx %arg6[%add3A_497], %add3A_500 : memref<2560xi32, #tpu.memory_space<vmem>>[vector<16xi32>], vector<16xi32>,
    %mul3A_501 = arith.constant 16 : i32
    %mul3A_502 = vector.broadcast %mul3A_501 : i32 to vector<16xi32>
    %mul3A_503 = arith.muli %iota3A, %mul3A_502 : vector<16xi32>
    %add3A_504 = arith.constant 770 : i32
    %add3A_505 = vector.broadcast %add3A_504 : i32 to vector<16xi32>
    %add3A_506 = arith.addi %mul3A_503, %add3A_505 : vector<16xi32>
    %add3A_507 = arith.constant 200000 : i32
    %add3A_508 = vector.broadcast %add3A_507 : i32 to vector<16xi32>
    %add3A_509 = arith.addi %get3A_482, %add3A_508 : vector<16xi32>
    tpu.vector_store_idx %arg6[%add3A_506], %add3A_509 : memref<2560xi32, #tpu.memory_space<vmem>>[vector<16xi32>], vector<16xi32>,
    %mul3A_510 = arith.constant 16 : i32
    %mul3A_511 = vector.broadcast %mul3A_510 : i32 to vector<16xi32>
    %mul3A_512 = arith.muli %iota3A, %mul3A_511 : vector<16xi32>
    %add3A_513 = arith.constant 771 : i32
    %add3A_514 = vector.broadcast %add3A_513 : i32 to vector<16xi32>
    %add3A_515 = arith.addi %mul3A_512, %add3A_514 : vector<16xi32>
    %add3A_516 = arith.constant 300000 : i32
    %add3A_517 = vector.broadcast %add3A_516 : i32 to vector<16xi32>
    %add3A_518 = arith.addi %get3A_482, %add3A_517 : vector<16xi32>
    tpu.vector_store_idx %arg6[%add3A_515], %add3A_518 : memref<2560xi32, #tpu.memory_space<vmem>>[vector<16xi32>], vector<16xi32>,
    %mul3A_519 = arith.constant 16 : i32
    %mul3A_520 = vector.broadcast %mul3A_519 : i32 to vector<16xi32>
    %mul3A_521 = arith.muli %iota3A, %mul3A_520 : vector<16xi32>
    %add3A_522 = arith.constant 772 : i32
    %add3A_523 = vector.broadcast %add3A_522 : i32 to vector<16xi32>
    %add3A_524 = arith.addi %mul3A_521, %add3A_523 : vector<16xi32>
    %add3A_525 = arith.constant 400000 : i32
    %add3A_526 = vector.broadcast %add3A_525 : i32 to vector<16xi32>
    %add3A_527 = arith.addi %get3A_482, %add3A_526 : vector<16xi32>
    tpu.vector_store_idx %arg6[%add3A_524], %add3A_527 : memref<2560xi32, #tpu.memory_space<vmem>>[vector<16xi32>], vector<16xi32>,
    %mul3A_528 = arith.constant 16 : i32
    %mul3A_529 = vector.broadcast %mul3A_528 : i32 to vector<16xi32>
    %mul3A_530 = arith.muli %iota3A, %mul3A_529 : vector<16xi32>
    %add3A_531 = arith.constant 773 : i32
    %add3A_532 = vector.broadcast %add3A_531 : i32 to vector<16xi32>
    %add3A_533 = arith.addi %mul3A_530, %add3A_532 : vector<16xi32>
    %add3A_534 = arith.constant 500000 : i32
    %add3A_535 = vector.broadcast %add3A_534 : i32 to vector<16xi32>
    %add3A_536 = arith.addi %get3A_482, %add3A_535 : vector<16xi32>
    tpu.vector_store_idx %arg6[%add3A_533], %add3A_536 : memref<2560xi32, #tpu.memory_space<vmem>>[vector<16xi32>], vector<16xi32>,
    %mul3A_537 = arith.constant 16 : i32
    %mul3A_538 = vector.broadcast %mul3A_537 : i32 to vector<16xi32>
    %mul3A_539 = arith.muli %iota3A, %mul3A_538 : vector<16xi32>
    %add3A_540 = arith.constant 774 : i32
    %add3A_541 = vector.broadcast %add3A_540 : i32 to vector<16xi32>
    %add3A_542 = arith.addi %mul3A_539, %add3A_541 : vector<16xi32>
    %add3A_543 = arith.constant 600000 : i32
    %add3A_544 = vector.broadcast %add3A_543 : i32 to vector<16xi32>
    %add3A_545 = arith.addi %get3A_482, %add3A_544 : vector<16xi32>
    tpu.vector_store_idx %arg6[%add3A_542], %add3A_545 : memref<2560xi32, #tpu.memory_space<vmem>>[vector<16xi32>], vector<16xi32>,
    %mul3A_546 = arith.constant 16 : i32
    %mul3A_547 = vector.broadcast %mul3A_546 : i32 to vector<16xi32>
    %mul3A_548 = arith.muli %iota3A, %mul3A_547 : vector<16xi32>
    %add3A_549 = arith.constant 775 : i32
    %add3A_550 = vector.broadcast %add3A_549 : i32 to vector<16xi32>
    %add3A_551 = arith.addi %mul3A_548, %add3A_550 : vector<16xi32>
    %add3A_552 = arith.constant 700000 : i32
    %add3A_553 = vector.broadcast %add3A_552 : i32 to vector<16xi32>
    %add3A_554 = arith.addi %get3A_482, %add3A_553 : vector<16xi32>
    tpu.vector_store_idx %arg6[%add3A_551], %add3A_554 : memref<2560xi32, #tpu.memory_space<vmem>>[vector<16xi32>], vector<16xi32>,
    %mul3A_555 = arith.constant 16 : i32
    %mul3A_556 = vector.broadcast %mul3A_555 : i32 to vector<16xi32>
    %mul3A_557 = arith.muli %iota3A, %mul3A_556 : vector<16xi32>
    %add3A_558 = arith.constant 776 : i32
    %add3A_559 = vector.broadcast %add3A_558 : i32 to vector<16xi32>
    %add3A_560 = arith.addi %mul3A_557, %add3A_559 : vector<16xi32>
    %add3A_561 = arith.constant 800000 : i32
    %add3A_562 = vector.broadcast %add3A_561 : i32 to vector<16xi32>
    %add3A_563 = arith.addi %get3A_482, %add3A_562 : vector<16xi32>
    tpu.vector_store_idx %arg6[%add3A_560], %add3A_563 : memref<2560xi32, #tpu.memory_space<vmem>>[vector<16xi32>], vector<16xi32>,
    %mul3A_564 = arith.constant 16 : i32
    %mul3A_565 = vector.broadcast %mul3A_564 : i32 to vector<16xi32>
    %mul3A_566 = arith.muli %iota3A, %mul3A_565 : vector<16xi32>
    %add3A_567 = arith.constant 777 : i32
    %add3A_568 = vector.broadcast %add3A_567 : i32 to vector<16xi32>
    %add3A_569 = arith.addi %mul3A_566, %add3A_568 : vector<16xi32>
    %add3A_570 = arith.constant 900000 : i32
    %add3A_571 = vector.broadcast %add3A_570 : i32 to vector<16xi32>
    %add3A_572 = arith.addi %get3A_482, %add3A_571 : vector<16xi32>
    tpu.vector_store_idx %arg6[%add3A_569], %add3A_572 : memref<2560xi32, #tpu.memory_space<vmem>>[vector<16xi32>], vector<16xi32>,
    %mul3A_573 = arith.constant 16 : i32
    %mul3A_574 = vector.broadcast %mul3A_573 : i32 to vector<16xi32>
    %mul3A_575 = arith.muli %iota3A, %mul3A_574 : vector<16xi32>
    %add3A_576 = arith.constant 778 : i32
    %add3A_577 = vector.broadcast %add3A_576 : i32 to vector<16xi32>
    %add3A_578 = arith.addi %mul3A_575, %add3A_577 : vector<16xi32>
    %add3A_579 = arith.constant 1000000 : i32
    %add3A_580 = vector.broadcast %add3A_579 : i32 to vector<16xi32>
    %add3A_581 = arith.addi %get3A_482, %add3A_580 : vector<16xi32>
    tpu.vector_store_idx %arg6[%add3A_578], %add3A_581 : memref<2560xi32, #tpu.memory_space<vmem>>[vector<16xi32>], vector<16xi32>,
    %mul3A_582 = arith.constant 16 : i32
    %mul3A_583 = vector.broadcast %mul3A_582 : i32 to vector<16xi32>
    %mul3A_584 = arith.muli %iota3A, %mul3A_583 : vector<16xi32>
    %add3A_585 = arith.constant 779 : i32
    %add3A_586 = vector.broadcast %add3A_585 : i32 to vector<16xi32>
    %add3A_587 = arith.addi %mul3A_584, %add3A_586 : vector<16xi32>
    %add3A_588 = arith.constant 1100000 : i32
    %add3A_589 = vector.broadcast %add3A_588 : i32 to vector<16xi32>
    %add3A_590 = arith.addi %get3A_482, %add3A_589 : vector<16xi32>
    tpu.vector_store_idx %arg6[%add3A_587], %add3A_590 : memref<2560xi32, #tpu.memory_space<vmem>>[vector<16xi32>], vector<16xi32>,
    %mul3A_591 = arith.constant 16 : i32
    %mul3A_592 = vector.broadcast %mul3A_591 : i32 to vector<16xi32>
    %mul3A_593 = arith.muli %iota3A, %mul3A_592 : vector<16xi32>
    %add3A_594 = arith.constant 780 : i32
    %add3A_595 = vector.broadcast %add3A_594 : i32 to vector<16xi32>
    %add3A_596 = arith.addi %mul3A_593, %add3A_595 : vector<16xi32>
    %add3A_597 = arith.constant 1200000 : i32
    %add3A_598 = vector.broadcast %add3A_597 : i32 to vector<16xi32>
    %add3A_599 = arith.addi %get3A_482, %add3A_598 : vector<16xi32>
    tpu.vector_store_idx %arg6[%add3A_596], %add3A_599 : memref<2560xi32, #tpu.memory_space<vmem>>[vector<16xi32>], vector<16xi32>,
    %mul3A_600 = arith.constant 16 : i32
    %mul3A_601 = vector.broadcast %mul3A_600 : i32 to vector<16xi32>
    %mul3A_602 = arith.muli %iota3A, %mul3A_601 : vector<16xi32>
    %add3A_603 = arith.constant 781 : i32
    %add3A_604 = vector.broadcast %add3A_603 : i32 to vector<16xi32>
    %add3A_605 = arith.addi %mul3A_602, %add3A_604 : vector<16xi32>
    %add3A_606 = arith.constant 1300000 : i32
    %add3A_607 = vector.broadcast %add3A_606 : i32 to vector<16xi32>
    %add3A_608 = arith.addi %get3A_482, %add3A_607 : vector<16xi32>
    tpu.vector_store_idx %arg6[%add3A_605], %add3A_608 : memref<2560xi32, #tpu.memory_space<vmem>>[vector<16xi32>], vector<16xi32>,
    %mul3A_609 = arith.constant 16 : i32
    %mul3A_610 = vector.broadcast %mul3A_609 : i32 to vector<16xi32>
    %mul3A_611 = arith.muli %iota3A, %mul3A_610 : vector<16xi32>
    %add3A_612 = arith.constant 782 : i32
    %add3A_613 = vector.broadcast %add3A_612 : i32 to vector<16xi32>
    %add3A_614 = arith.addi %mul3A_611, %add3A_613 : vector<16xi32>
    %add3A_615 = arith.constant 1400000 : i32
    %add3A_616 = vector.broadcast %add3A_615 : i32 to vector<16xi32>
    %add3A_617 = arith.addi %get3A_482, %add3A_616 : vector<16xi32>
    tpu.vector_store_idx %arg6[%add3A_614], %add3A_617 : memref<2560xi32, #tpu.memory_space<vmem>>[vector<16xi32>], vector<16xi32>,
    %mul3A_618 = arith.constant 16 : i32
    %mul3A_619 = vector.broadcast %mul3A_618 : i32 to vector<16xi32>
    %mul3A_620 = arith.muli %iota3A, %mul3A_619 : vector<16xi32>
    %add3A_621 = arith.constant 783 : i32
    %add3A_622 = vector.broadcast %add3A_621 : i32 to vector<16xi32>
    %add3A_623 = arith.addi %mul3A_620, %add3A_622 : vector<16xi32>
    %add3A_624 = arith.constant 1500000 : i32
    %add3A_625 = vector.broadcast %add3A_624 : i32 to vector<16xi32>
    %add3A_626 = arith.addi %get3A_482, %add3A_625 : vector<16xi32>
    tpu.vector_store_idx %arg6[%add3A_623], %add3A_626 : memref<2560xi32, #tpu.memory_space<vmem>>[vector<16xi32>], vector<16xi32>,
    %dma_start3A_627 = arith.constant 896 : i32
    %dma_start3A_628 = tpu.memref_slice %arg7[%dma_start3A_627] : memref<2560xf32, #tpu.memory_space<vmem>> -> memref<128xf32, #tpu.memory_space<vmem>>
    %dma_start3A_629 = arith.constant 896 : i32
    %dma_start3A_630 = tpu.memref_slice %arg6[%dma_start3A_629] : memref<2560xi32, #tpu.memory_space<vmem>> -> memref<128xi32, #tpu.memory_space<vmem>>
    %dma_start3A_631 = arith.constant 0 : i32
    %dma_start3A_632 = tpu.memref_slice %arg2[%dma_start3A_631] : memref<1600000xf32, #tpu.memory_space<hbm>> -> memref<1600000xf32, #tpu.memory_space<hbm>>
    tpu.enqueue_indirect_dma source(%dma_start3A_632 : memref<1600000xf32, #tpu.memory_space<hbm>>) target(%dma_start3A_628 : memref<128xf32, #tpu.memory_space<vmem>>) offsets(%dma_start3A_630 : memref<128xi32, #tpu.memory_space<vmem>>) semaphore(%arg8 : memref<!tpu.dma_semaphore, #tpu.memory_space<semaphore_mem>>)
    %dma_start3A_633 = arith.constant 1024 : i32
    %dma_start3A_634 = tpu.memref_slice %arg7[%dma_start3A_633] : memref<2560xf32, #tpu.memory_space<vmem>> -> memref<128xf32, #tpu.memory_space<vmem>>
    %dma_start3A_635 = arith.constant 1024 : i32
    %dma_start3A_636 = tpu.memref_slice %arg6[%dma_start3A_635] : memref<2560xi32, #tpu.memory_space<vmem>> -> memref<128xi32, #tpu.memory_space<vmem>>
    %dma_start3A_637 = arith.constant 0 : i32
    %dma_start3A_638 = tpu.memref_slice %arg2[%dma_start3A_637] : memref<1600000xf32, #tpu.memory_space<hbm>> -> memref<1600000xf32, #tpu.memory_space<hbm>>
    tpu.enqueue_indirect_dma source(%dma_start3A_638 : memref<1600000xf32, #tpu.memory_space<hbm>>) target(%dma_start3A_634 : memref<128xf32, #tpu.memory_space<vmem>>) offsets(%dma_start3A_636 : memref<128xi32, #tpu.memory_space<vmem>>) semaphore(%arg8 : memref<!tpu.dma_semaphore, #tpu.memory_space<semaphore_mem>>)
    %get3A_639 = arith.constant 64 : index
    %get3A_640 = tpu.vector_load %arg5[%get3A_639] {strides = array<i32>} : memref<160xi32, #tpu.memory_space<vmem>>, vector<16xi32>,
    %mul3A_641 = arith.constant 16 : i32
    %mul3A_642 = vector.broadcast %mul3A_641 : i32 to vector<16xi32>
    %mul3A_643 = arith.muli %iota3A, %mul3A_642 : vector<16xi32>
    %add3A_644 = arith.constant 1024 : i32
    %add3A_645 = vector.broadcast %add3A_644 : i32 to vector<16xi32>
    %add3A_646 = arith.addi %mul3A_643, %add3A_645 : vector<16xi32>
    %add3A_647 = arith.constant 0 : i32
    %add3A_648 = vector.broadcast %add3A_647 : i32 to vector<16xi32>
    %add3A_649 = arith.addi %get3A_640, %add3A_648 : vector<16xi32>
    tpu.vector_store_idx %arg6[%add3A_646], %add3A_649 : memref<2560xi32, #tpu.memory_space<vmem>>[vector<16xi32>], vector<16xi32>,
    %mul3A_650 = arith.constant 16 : i32
    %mul3A_651 = vector.broadcast %mul3A_650 : i32 to vector<16xi32>
    %mul3A_652 = arith.muli %iota3A, %mul3A_651 : vector<16xi32>
    %add3A_653 = arith.constant 1025 : i32
    %add3A_654 = vector.broadcast %add3A_653 : i32 to vector<16xi32>
    %add3A_655 = arith.addi %mul3A_652, %add3A_654 : vector<16xi32>
    %add3A_656 = arith.constant 100000 : i32
    %add3A_657 = vector.broadcast %add3A_656 : i32 to vector<16xi32>
    %add3A_658 = arith.addi %get3A_640, %add3A_657 : vector<16xi32>
    tpu.vector_store_idx %arg6[%add3A_655], %add3A_658 : memref<2560xi32, #tpu.memory_space<vmem>>[vector<16xi32>], vector<16xi32>,
    %mul3A_659 = arith.constant 16 : i32
    %mul3A_660 = vector.broadcast %mul3A_659 : i32 to vector<16xi32>
    %mul3A_661 = arith.muli %iota3A, %mul3A_660 : vector<16xi32>
    %add3A_662 = arith.constant 1026 : i32
    %add3A_663 = vector.broadcast %add3A_662 : i32 to vector<16xi32>
    %add3A_664 = arith.addi %mul3A_661, %add3A_663 : vector<16xi32>
    %add3A_665 = arith.constant 200000 : i32
    %add3A_666 = vector.broadcast %add3A_665 : i32 to vector<16xi32>
    %add3A_667 = arith.addi %get3A_640, %add3A_666 : vector<16xi32>
    tpu.vector_store_idx %arg6[%add3A_664], %add3A_667 : memref<2560xi32, #tpu.memory_space<vmem>>[vector<16xi32>], vector<16xi32>,
    %mul3A_668 = arith.constant 16 : i32
    %mul3A_669 = vector.broadcast %mul3A_668 : i32 to vector<16xi32>
    %mul3A_670 = arith.muli %iota3A, %mul3A_669 : vector<16xi32>
    %add3A_671 = arith.constant 1027 : i32
    %add3A_672 = vector.broadcast %add3A_671 : i32 to vector<16xi32>
    %add3A_673 = arith.addi %mul3A_670, %add3A_672 : vector<16xi32>
    %add3A_674 = arith.constant 300000 : i32
    %add3A_675 = vector.broadcast %add3A_674 : i32 to vector<16xi32>
    %add3A_676 = arith.addi %get3A_640, %add3A_675 : vector<16xi32>
    tpu.vector_store_idx %arg6[%add3A_673], %add3A_676 : memref<2560xi32, #tpu.memory_space<vmem>>[vector<16xi32>], vector<16xi32>,
    %mul3A_677 = arith.constant 16 : i32
    %mul3A_678 = vector.broadcast %mul3A_677 : i32 to vector<16xi32>
    %mul3A_679 = arith.muli %iota3A, %mul3A_678 : vector<16xi32>
    %add3A_680 = arith.constant 1028 : i32
    %add3A_681 = vector.broadcast %add3A_680 : i32 to vector<16xi32>
    %add3A_682 = arith.addi %mul3A_679, %add3A_681 : vector<16xi32>
    %add3A_683 = arith.constant 400000 : i32
    %add3A_684 = vector.broadcast %add3A_683 : i32 to vector<16xi32>
    %add3A_685 = arith.addi %get3A_640, %add3A_684 : vector<16xi32>
    tpu.vector_store_idx %arg6[%add3A_682], %add3A_685 : memref<2560xi32, #tpu.memory_space<vmem>>[vector<16xi32>], vector<16xi32>,
    %mul3A_686 = arith.constant 16 : i32
    %mul3A_687 = vector.broadcast %mul3A_686 : i32 to vector<16xi32>
    %mul3A_688 = arith.muli %iota3A, %mul3A_687 : vector<16xi32>
    %add3A_689 = arith.constant 1029 : i32
    %add3A_690 = vector.broadcast %add3A_689 : i32 to vector<16xi32>
    %add3A_691 = arith.addi %mul3A_688, %add3A_690 : vector<16xi32>
    %add3A_692 = arith.constant 500000 : i32
    %add3A_693 = vector.broadcast %add3A_692 : i32 to vector<16xi32>
    %add3A_694 = arith.addi %get3A_640, %add3A_693 : vector<16xi32>
    tpu.vector_store_idx %arg6[%add3A_691], %add3A_694 : memref<2560xi32, #tpu.memory_space<vmem>>[vector<16xi32>], vector<16xi32>,
    %mul3A_695 = arith.constant 16 : i32
    %mul3A_696 = vector.broadcast %mul3A_695 : i32 to vector<16xi32>
    %mul3A_697 = arith.muli %iota3A, %mul3A_696 : vector<16xi32>
    %add3A_698 = arith.constant 1030 : i32
    %add3A_699 = vector.broadcast %add3A_698 : i32 to vector<16xi32>
    %add3A_700 = arith.addi %mul3A_697, %add3A_699 : vector<16xi32>
    %add3A_701 = arith.constant 600000 : i32
    %add3A_702 = vector.broadcast %add3A_701 : i32 to vector<16xi32>
    %add3A_703 = arith.addi %get3A_640, %add3A_702 : vector<16xi32>
    tpu.vector_store_idx %arg6[%add3A_700], %add3A_703 : memref<2560xi32, #tpu.memory_space<vmem>>[vector<16xi32>], vector<16xi32>,
    %mul3A_704 = arith.constant 16 : i32
    %mul3A_705 = vector.broadcast %mul3A_704 : i32 to vector<16xi32>
    %mul3A_706 = arith.muli %iota3A, %mul3A_705 : vector<16xi32>
    %add3A_707 = arith.constant 1031 : i32
    %add3A_708 = vector.broadcast %add3A_707 : i32 to vector<16xi32>
    %add3A_709 = arith.addi %mul3A_706, %add3A_708 : vector<16xi32>
    %add3A_710 = arith.constant 700000 : i32
    %add3A_711 = vector.broadcast %add3A_710 : i32 to vector<16xi32>
    %add3A_712 = arith.addi %get3A_640, %add3A_711 : vector<16xi32>
    tpu.vector_store_idx %arg6[%add3A_709], %add3A_712 : memref<2560xi32, #tpu.memory_space<vmem>>[vector<16xi32>], vector<16xi32>,
    %mul3A_713 = arith.constant 16 : i32
    %mul3A_714 = vector.broadcast %mul3A_713 : i32 to vector<16xi32>
    %mul3A_715 = arith.muli %iota3A, %mul3A_714 : vector<16xi32>
    %add3A_716 = arith.constant 1032 : i32
    %add3A_717 = vector.broadcast %add3A_716 : i32 to vector<16xi32>
    %add3A_718 = arith.addi %mul3A_715, %add3A_717 : vector<16xi32>
    %add3A_719 = arith.constant 800000 : i32
    %add3A_720 = vector.broadcast %add3A_719 : i32 to vector<16xi32>
    %add3A_721 = arith.addi %get3A_640, %add3A_720 : vector<16xi32>
    tpu.vector_store_idx %arg6[%add3A_718], %add3A_721 : memref<2560xi32, #tpu.memory_space<vmem>>[vector<16xi32>], vector<16xi32>,
    %mul3A_722 = arith.constant 16 : i32
    %mul3A_723 = vector.broadcast %mul3A_722 : i32 to vector<16xi32>
    %mul3A_724 = arith.muli %iota3A, %mul3A_723 : vector<16xi32>
    %add3A_725 = arith.constant 1033 : i32
    %add3A_726 = vector.broadcast %add3A_725 : i32 to vector<16xi32>
    %add3A_727 = arith.addi %mul3A_724, %add3A_726 : vector<16xi32>
    %add3A_728 = arith.constant 900000 : i32
    %add3A_729 = vector.broadcast %add3A_728 : i32 to vector<16xi32>
    %add3A_730 = arith.addi %get3A_640, %add3A_729 : vector<16xi32>
    tpu.vector_store_idx %arg6[%add3A_727], %add3A_730 : memref<2560xi32, #tpu.memory_space<vmem>>[vector<16xi32>], vector<16xi32>,
    %mul3A_731 = arith.constant 16 : i32
    %mul3A_732 = vector.broadcast %mul3A_731 : i32 to vector<16xi32>
    %mul3A_733 = arith.muli %iota3A, %mul3A_732 : vector<16xi32>
    %add3A_734 = arith.constant 1034 : i32
    %add3A_735 = vector.broadcast %add3A_734 : i32 to vector<16xi32>
    %add3A_736 = arith.addi %mul3A_733, %add3A_735 : vector<16xi32>
    %add3A_737 = arith.constant 1000000 : i32
    %add3A_738 = vector.broadcast %add3A_737 : i32 to vector<16xi32>
    %add3A_739 = arith.addi %get3A_640, %add3A_738 : vector<16xi32>
    tpu.vector_store_idx %arg6[%add3A_736], %add3A_739 : memref<2560xi32, #tpu.memory_space<vmem>>[vector<16xi32>], vector<16xi32>,
    %mul3A_740 = arith.constant 16 : i32
    %mul3A_741 = vector.broadcast %mul3A_740 : i32 to vector<16xi32>
    %mul3A_742 = arith.muli %iota3A, %mul3A_741 : vector<16xi32>
    %add3A_743 = arith.constant 1035 : i32
    %add3A_744 = vector.broadcast %add3A_743 : i32 to vector<16xi32>
    %add3A_745 = arith.addi %mul3A_742, %add3A_744 : vector<16xi32>
    %add3A_746 = arith.constant 1100000 : i32
    %add3A_747 = vector.broadcast %add3A_746 : i32 to vector<16xi32>
    %add3A_748 = arith.addi %get3A_640, %add3A_747 : vector<16xi32>
    tpu.vector_store_idx %arg6[%add3A_745], %add3A_748 : memref<2560xi32, #tpu.memory_space<vmem>>[vector<16xi32>], vector<16xi32>,
    %mul3A_749 = arith.constant 16 : i32
    %mul3A_750 = vector.broadcast %mul3A_749 : i32 to vector<16xi32>
    %mul3A_751 = arith.muli %iota3A, %mul3A_750 : vector<16xi32>
    %add3A_752 = arith.constant 1036 : i32
    %add3A_753 = vector.broadcast %add3A_752 : i32 to vector<16xi32>
    %add3A_754 = arith.addi %mul3A_751, %add3A_753 : vector<16xi32>
    %add3A_755 = arith.constant 1200000 : i32
    %add3A_756 = vector.broadcast %add3A_755 : i32 to vector<16xi32>
    %add3A_757 = arith.addi %get3A_640, %add3A_756 : vector<16xi32>
    tpu.vector_store_idx %arg6[%add3A_754], %add3A_757 : memref<2560xi32, #tpu.memory_space<vmem>>[vector<16xi32>], vector<16xi32>,
    %mul3A_758 = arith.constant 16 : i32
    %mul3A_759 = vector.broadcast %mul3A_758 : i32 to vector<16xi32>
    %mul3A_760 = arith.muli %iota3A, %mul3A_759 : vector<16xi32>
    %add3A_761 = arith.constant 1037 : i32
    %add3A_762 = vector.broadcast %add3A_761 : i32 to vector<16xi32>
    %add3A_763 = arith.addi %mul3A_760, %add3A_762 : vector<16xi32>
    %add3A_764 = arith.constant 1300000 : i32
    %add3A_765 = vector.broadcast %add3A_764 : i32 to vector<16xi32>
    %add3A_766 = arith.addi %get3A_640, %add3A_765 : vector<16xi32>
    tpu.vector_store_idx %arg6[%add3A_763], %add3A_766 : memref<2560xi32, #tpu.memory_space<vmem>>[vector<16xi32>], vector<16xi32>,
    %mul3A_767 = arith.constant 16 : i32
    %mul3A_768 = vector.broadcast %mul3A_767 : i32 to vector<16xi32>
    %mul3A_769 = arith.muli %iota3A, %mul3A_768 : vector<16xi32>
    %add3A_770 = arith.constant 1038 : i32
    %add3A_771 = vector.broadcast %add3A_770 : i32 to vector<16xi32>
    %add3A_772 = arith.addi %mul3A_769, %add3A_771 : vector<16xi32>
    %add3A_773 = arith.constant 1400000 : i32
    %add3A_774 = vector.broadcast %add3A_773 : i32 to vector<16xi32>
    %add3A_775 = arith.addi %get3A_640, %add3A_774 : vector<16xi32>
    tpu.vector_store_idx %arg6[%add3A_772], %add3A_775 : memref<2560xi32, #tpu.memory_space<vmem>>[vector<16xi32>], vector<16xi32>,
    %mul3A_776 = arith.constant 16 : i32
    %mul3A_777 = vector.broadcast %mul3A_776 : i32 to vector<16xi32>
    %mul3A_778 = arith.muli %iota3A, %mul3A_777 : vector<16xi32>
    %add3A_779 = arith.constant 1039 : i32
    %add3A_780 = vector.broadcast %add3A_779 : i32 to vector<16xi32>
    %add3A_781 = arith.addi %mul3A_778, %add3A_780 : vector<16xi32>
    %add3A_782 = arith.constant 1500000 : i32
    %add3A_783 = vector.broadcast %add3A_782 : i32 to vector<16xi32>
    %add3A_784 = arith.addi %get3A_640, %add3A_783 : vector<16xi32>
    tpu.vector_store_idx %arg6[%add3A_781], %add3A_784 : memref<2560xi32, #tpu.memory_space<vmem>>[vector<16xi32>], vector<16xi32>,
    %dma_start3A_785 = arith.constant 1152 : i32
    %dma_start3A_786 = tpu.memref_slice %arg7[%dma_start3A_785] : memref<2560xf32, #tpu.memory_space<vmem>> -> memref<128xf32, #tpu.memory_space<vmem>>
    %dma_start3A_787 = arith.constant 1152 : i32
    %dma_start3A_788 = tpu.memref_slice %arg6[%dma_start3A_787] : memref<2560xi32, #tpu.memory_space<vmem>> -> memref<128xi32, #tpu.memory_space<vmem>>
    %dma_start3A_789 = arith.constant 0 : i32
    %dma_start3A_790 = tpu.memref_slice %arg2[%dma_start3A_789] : memref<1600000xf32, #tpu.memory_space<hbm>> -> memref<1600000xf32, #tpu.memory_space<hbm>>
    tpu.enqueue_indirect_dma source(%dma_start3A_790 : memref<1600000xf32, #tpu.memory_space<hbm>>) target(%dma_start3A_786 : memref<128xf32, #tpu.memory_space<vmem>>) offsets(%dma_start3A_788 : memref<128xi32, #tpu.memory_space<vmem>>) semaphore(%arg8 : memref<!tpu.dma_semaphore, #tpu.memory_space<semaphore_mem>>)
    %dma_start3A_791 = arith.constant 1280 : i32
    %dma_start3A_792 = tpu.memref_slice %arg7[%dma_start3A_791] : memref<2560xf32, #tpu.memory_space<vmem>> -> memref<128xf32, #tpu.memory_space<vmem>>
    %dma_start3A_793 = arith.constant 1280 : i32
    %dma_start3A_794 = tpu.memref_slice %arg6[%dma_start3A_793] : memref<2560xi32, #tpu.memory_space<vmem>> -> memref<128xi32, #tpu.memory_space<vmem>>
    %dma_start3A_795 = arith.constant 0 : i32
    %dma_start3A_796 = tpu.memref_slice %arg2[%dma_start3A_795] : memref<1600000xf32, #tpu.memory_space<hbm>> -> memref<1600000xf32, #tpu.memory_space<hbm>>
    tpu.enqueue_indirect_dma source(%dma_start3A_796 : memref<1600000xf32, #tpu.memory_space<hbm>>) target(%dma_start3A_792 : memref<128xf32, #tpu.memory_space<vmem>>) offsets(%dma_start3A_794 : memref<128xi32, #tpu.memory_space<vmem>>) semaphore(%arg8 : memref<!tpu.dma_semaphore, #tpu.memory_space<semaphore_mem>>)
    %get3A_797 = arith.constant 80 : index
    %get3A_798 = tpu.vector_load %arg5[%get3A_797] {strides = array<i32>} : memref<160xi32, #tpu.memory_space<vmem>>, vector<16xi32>,
    %mul3A_799 = arith.constant 16 : i32
    %mul3A_800 = vector.broadcast %mul3A_799 : i32 to vector<16xi32>
    %mul3A_801 = arith.muli %iota3A, %mul3A_800 : vector<16xi32>
    %add3A_802 = arith.constant 1280 : i32
    %add3A_803 = vector.broadcast %add3A_802 : i32 to vector<16xi32>
    %add3A_804 = arith.addi %mul3A_801, %add3A_803 : vector<16xi32>
    %add3A_805 = arith.constant 0 : i32
    %add3A_806 = vector.broadcast %add3A_805 : i32 to vector<16xi32>
    %add3A_807 = arith.addi %get3A_798, %add3A_806 : vector<16xi32>
    tpu.vector_store_idx %arg6[%add3A_804], %add3A_807 : memref<2560xi32, #tpu.memory_space<vmem>>[vector<16xi32>], vector<16xi32>,
    %mul3A_808 = arith.constant 16 : i32
    %mul3A_809 = vector.broadcast %mul3A_808 : i32 to vector<16xi32>
    %mul3A_810 = arith.muli %iota3A, %mul3A_809 : vector<16xi32>
    %add3A_811 = arith.constant 1281 : i32
    %add3A_812 = vector.broadcast %add3A_811 : i32 to vector<16xi32>
    %add3A_813 = arith.addi %mul3A_810, %add3A_812 : vector<16xi32>
    %add3A_814 = arith.constant 100000 : i32
    %add3A_815 = vector.broadcast %add3A_814 : i32 to vector<16xi32>
    %add3A_816 = arith.addi %get3A_798, %add3A_815 : vector<16xi32>
    tpu.vector_store_idx %arg6[%add3A_813], %add3A_816 : memref<2560xi32, #tpu.memory_space<vmem>>[vector<16xi32>], vector<16xi32>,
    %mul3A_817 = arith.constant 16 : i32
    %mul3A_818 = vector.broadcast %mul3A_817 : i32 to vector<16xi32>
    %mul3A_819 = arith.muli %iota3A, %mul3A_818 : vector<16xi32>
    %add3A_820 = arith.constant 1282 : i32
    %add3A_821 = vector.broadcast %add3A_820 : i32 to vector<16xi32>
    %add3A_822 = arith.addi %mul3A_819, %add3A_821 : vector<16xi32>
    %add3A_823 = arith.constant 200000 : i32
    %add3A_824 = vector.broadcast %add3A_823 : i32 to vector<16xi32>
    %add3A_825 = arith.addi %get3A_798, %add3A_824 : vector<16xi32>
    tpu.vector_store_idx %arg6[%add3A_822], %add3A_825 : memref<2560xi32, #tpu.memory_space<vmem>>[vector<16xi32>], vector<16xi32>,
    %mul3A_826 = arith.constant 16 : i32
    %mul3A_827 = vector.broadcast %mul3A_826 : i32 to vector<16xi32>
    %mul3A_828 = arith.muli %iota3A, %mul3A_827 : vector<16xi32>
    %add3A_829 = arith.constant 1283 : i32
    %add3A_830 = vector.broadcast %add3A_829 : i32 to vector<16xi32>
    %add3A_831 = arith.addi %mul3A_828, %add3A_830 : vector<16xi32>
    %add3A_832 = arith.constant 300000 : i32
    %add3A_833 = vector.broadcast %add3A_832 : i32 to vector<16xi32>
    %add3A_834 = arith.addi %get3A_798, %add3A_833 : vector<16xi32>
    tpu.vector_store_idx %arg6[%add3A_831], %add3A_834 : memref<2560xi32, #tpu.memory_space<vmem>>[vector<16xi32>], vector<16xi32>,
    %mul3A_835 = arith.constant 16 : i32
    %mul3A_836 = vector.broadcast %mul3A_835 : i32 to vector<16xi32>
    %mul3A_837 = arith.muli %iota3A, %mul3A_836 : vector<16xi32>
    %add3A_838 = arith.constant 1284 : i32
    %add3A_839 = vector.broadcast %add3A_838 : i32 to vector<16xi32>
    %add3A_840 = arith.addi %mul3A_837, %add3A_839 : vector<16xi32>
    %add3A_841 = arith.constant 400000 : i32
    %add3A_842 = vector.broadcast %add3A_841 : i32 to vector<16xi32>
    %add3A_843 = arith.addi %get3A_798, %add3A_842 : vector<16xi32>
    tpu.vector_store_idx %arg6[%add3A_840], %add3A_843 : memref<2560xi32, #tpu.memory_space<vmem>>[vector<16xi32>], vector<16xi32>,
    %mul3A_844 = arith.constant 16 : i32
    %mul3A_845 = vector.broadcast %mul3A_844 : i32 to vector<16xi32>
    %mul3A_846 = arith.muli %iota3A, %mul3A_845 : vector<16xi32>
    %add3A_847 = arith.constant 1285 : i32
    %add3A_848 = vector.broadcast %add3A_847 : i32 to vector<16xi32>
    %add3A_849 = arith.addi %mul3A_846, %add3A_848 : vector<16xi32>
    %add3A_850 = arith.constant 500000 : i32
    %add3A_851 = vector.broadcast %add3A_850 : i32 to vector<16xi32>
    %add3A_852 = arith.addi %get3A_798, %add3A_851 : vector<16xi32>
    tpu.vector_store_idx %arg6[%add3A_849], %add3A_852 : memref<2560xi32, #tpu.memory_space<vmem>>[vector<16xi32>], vector<16xi32>,
    %mul3A_853 = arith.constant 16 : i32
    %mul3A_854 = vector.broadcast %mul3A_853 : i32 to vector<16xi32>
    %mul3A_855 = arith.muli %iota3A, %mul3A_854 : vector<16xi32>
    %add3A_856 = arith.constant 1286 : i32
    %add3A_857 = vector.broadcast %add3A_856 : i32 to vector<16xi32>
    %add3A_858 = arith.addi %mul3A_855, %add3A_857 : vector<16xi32>
    %add3A_859 = arith.constant 600000 : i32
    %add3A_860 = vector.broadcast %add3A_859 : i32 to vector<16xi32>
    %add3A_861 = arith.addi %get3A_798, %add3A_860 : vector<16xi32>
    tpu.vector_store_idx %arg6[%add3A_858], %add3A_861 : memref<2560xi32, #tpu.memory_space<vmem>>[vector<16xi32>], vector<16xi32>,
    %mul3A_862 = arith.constant 16 : i32
    %mul3A_863 = vector.broadcast %mul3A_862 : i32 to vector<16xi32>
    %mul3A_864 = arith.muli %iota3A, %mul3A_863 : vector<16xi32>
    %add3A_865 = arith.constant 1287 : i32
    %add3A_866 = vector.broadcast %add3A_865 : i32 to vector<16xi32>
    %add3A_867 = arith.addi %mul3A_864, %add3A_866 : vector<16xi32>
    %add3A_868 = arith.constant 700000 : i32
    %add3A_869 = vector.broadcast %add3A_868 : i32 to vector<16xi32>
    %add3A_870 = arith.addi %get3A_798, %add3A_869 : vector<16xi32>
    tpu.vector_store_idx %arg6[%add3A_867], %add3A_870 : memref<2560xi32, #tpu.memory_space<vmem>>[vector<16xi32>], vector<16xi32>,
    %mul3A_871 = arith.constant 16 : i32
    %mul3A_872 = vector.broadcast %mul3A_871 : i32 to vector<16xi32>
    %mul3A_873 = arith.muli %iota3A, %mul3A_872 : vector<16xi32>
    %add3A_874 = arith.constant 1288 : i32
    %add3A_875 = vector.broadcast %add3A_874 : i32 to vector<16xi32>
    %add3A_876 = arith.addi %mul3A_873, %add3A_875 : vector<16xi32>
    %add3A_877 = arith.constant 800000 : i32
    %add3A_878 = vector.broadcast %add3A_877 : i32 to vector<16xi32>
    %add3A_879 = arith.addi %get3A_798, %add3A_878 : vector<16xi32>
    tpu.vector_store_idx %arg6[%add3A_876], %add3A_879 : memref<2560xi32, #tpu.memory_space<vmem>>[vector<16xi32>], vector<16xi32>,
    %mul3A_880 = arith.constant 16 : i32
    %mul3A_881 = vector.broadcast %mul3A_880 : i32 to vector<16xi32>
    %mul3A_882 = arith.muli %iota3A, %mul3A_881 : vector<16xi32>
    %add3A_883 = arith.constant 1289 : i32
    %add3A_884 = vector.broadcast %add3A_883 : i32 to vector<16xi32>
    %add3A_885 = arith.addi %mul3A_882, %add3A_884 : vector<16xi32>
    %add3A_886 = arith.constant 900000 : i32
    %add3A_887 = vector.broadcast %add3A_886 : i32 to vector<16xi32>
    %add3A_888 = arith.addi %get3A_798, %add3A_887 : vector<16xi32>
    tpu.vector_store_idx %arg6[%add3A_885], %add3A_888 : memref<2560xi32, #tpu.memory_space<vmem>>[vector<16xi32>], vector<16xi32>,
    %mul3A_889 = arith.constant 16 : i32
    %mul3A_890 = vector.broadcast %mul3A_889 : i32 to vector<16xi32>
    %mul3A_891 = arith.muli %iota3A, %mul3A_890 : vector<16xi32>
    %add3A_892 = arith.constant 1290 : i32
    %add3A_893 = vector.broadcast %add3A_892 : i32 to vector<16xi32>
    %add3A_894 = arith.addi %mul3A_891, %add3A_893 : vector<16xi32>
    %add3A_895 = arith.constant 1000000 : i32
    %add3A_896 = vector.broadcast %add3A_895 : i32 to vector<16xi32>
    %add3A_897 = arith.addi %get3A_798, %add3A_896 : vector<16xi32>
    tpu.vector_store_idx %arg6[%add3A_894], %add3A_897 : memref<2560xi32, #tpu.memory_space<vmem>>[vector<16xi32>], vector<16xi32>,
    %mul3A_898 = arith.constant 16 : i32
    %mul3A_899 = vector.broadcast %mul3A_898 : i32 to vector<16xi32>
    %mul3A_900 = arith.muli %iota3A, %mul3A_899 : vector<16xi32>
    %add3A_901 = arith.constant 1291 : i32
    %add3A_902 = vector.broadcast %add3A_901 : i32 to vector<16xi32>
    %add3A_903 = arith.addi %mul3A_900, %add3A_902 : vector<16xi32>
    %add3A_904 = arith.constant 1100000 : i32
    %add3A_905 = vector.broadcast %add3A_904 : i32 to vector<16xi32>
    %add3A_906 = arith.addi %get3A_798, %add3A_905 : vector<16xi32>
    tpu.vector_store_idx %arg6[%add3A_903], %add3A_906 : memref<2560xi32, #tpu.memory_space<vmem>>[vector<16xi32>], vector<16xi32>,
    %mul3A_907 = arith.constant 16 : i32
    %mul3A_908 = vector.broadcast %mul3A_907 : i32 to vector<16xi32>
    %mul3A_909 = arith.muli %iota3A, %mul3A_908 : vector<16xi32>
    %add3A_910 = arith.constant 1292 : i32
    %add3A_911 = vector.broadcast %add3A_910 : i32 to vector<16xi32>
    %add3A_912 = arith.addi %mul3A_909, %add3A_911 : vector<16xi32>
    %add3A_913 = arith.constant 1200000 : i32
    %add3A_914 = vector.broadcast %add3A_913 : i32 to vector<16xi32>
    %add3A_915 = arith.addi %get3A_798, %add3A_914 : vector<16xi32>
    tpu.vector_store_idx %arg6[%add3A_912], %add3A_915 : memref<2560xi32, #tpu.memory_space<vmem>>[vector<16xi32>], vector<16xi32>,
    %mul3A_916 = arith.constant 16 : i32
    %mul3A_917 = vector.broadcast %mul3A_916 : i32 to vector<16xi32>
    %mul3A_918 = arith.muli %iota3A, %mul3A_917 : vector<16xi32>
    %add3A_919 = arith.constant 1293 : i32
    %add3A_920 = vector.broadcast %add3A_919 : i32 to vector<16xi32>
    %add3A_921 = arith.addi %mul3A_918, %add3A_920 : vector<16xi32>
    %add3A_922 = arith.constant 1300000 : i32
    %add3A_923 = vector.broadcast %add3A_922 : i32 to vector<16xi32>
    %add3A_924 = arith.addi %get3A_798, %add3A_923 : vector<16xi32>
    tpu.vector_store_idx %arg6[%add3A_921], %add3A_924 : memref<2560xi32, #tpu.memory_space<vmem>>[vector<16xi32>], vector<16xi32>,
    %mul3A_925 = arith.constant 16 : i32
    %mul3A_926 = vector.broadcast %mul3A_925 : i32 to vector<16xi32>
    %mul3A_927 = arith.muli %iota3A, %mul3A_926 : vector<16xi32>
    %add3A_928 = arith.constant 1294 : i32
    %add3A_929 = vector.broadcast %add3A_928 : i32 to vector<16xi32>
    %add3A_930 = arith.addi %mul3A_927, %add3A_929 : vector<16xi32>
    %add3A_931 = arith.constant 1400000 : i32
    %add3A_932 = vector.broadcast %add3A_931 : i32 to vector<16xi32>
    %add3A_933 = arith.addi %get3A_798, %add3A_932 : vector<16xi32>
    tpu.vector_store_idx %arg6[%add3A_930], %add3A_933 : memref<2560xi32, #tpu.memory_space<vmem>>[vector<16xi32>], vector<16xi32>,
    %mul3A_934 = arith.constant 16 : i32
    %mul3A_935 = vector.broadcast %mul3A_934 : i32 to vector<16xi32>
    %mul3A_936 = arith.muli %iota3A, %mul3A_935 : vector<16xi32>
    %add3A_937 = arith.constant 1295 : i32
    %add3A_938 = vector.broadcast %add3A_937 : i32 to vector<16xi32>
    %add3A_939 = arith.addi %mul3A_936, %add3A_938 : vector<16xi32>
    %add3A_940 = arith.constant 1500000 : i32
    %add3A_941 = vector.broadcast %add3A_940 : i32 to vector<16xi32>
    %add3A_942 = arith.addi %get3A_798, %add3A_941 : vector<16xi32>
    tpu.vector_store_idx %arg6[%add3A_939], %add3A_942 : memref<2560xi32, #tpu.memory_space<vmem>>[vector<16xi32>], vector<16xi32>,
    %dma_start3A_943 = arith.constant 1408 : i32
    %dma_start3A_944 = tpu.memref_slice %arg7[%dma_start3A_943] : memref<2560xf32, #tpu.memory_space<vmem>> -> memref<128xf32, #tpu.memory_space<vmem>>
    %dma_start3A_945 = arith.constant 1408 : i32
    %dma_start3A_946 = tpu.memref_slice %arg6[%dma_start3A_945] : memref<2560xi32, #tpu.memory_space<vmem>> -> memref<128xi32, #tpu.memory_space<vmem>>
    %dma_start3A_947 = arith.constant 0 : i32
    %dma_start3A_948 = tpu.memref_slice %arg2[%dma_start3A_947] : memref<1600000xf32, #tpu.memory_space<hbm>> -> memref<1600000xf32, #tpu.memory_space<hbm>>
    tpu.enqueue_indirect_dma source(%dma_start3A_948 : memref<1600000xf32, #tpu.memory_space<hbm>>) target(%dma_start3A_944 : memref<128xf32, #tpu.memory_space<vmem>>) offsets(%dma_start3A_946 : memref<128xi32, #tpu.memory_space<vmem>>) semaphore(%arg8 : memref<!tpu.dma_semaphore, #tpu.memory_space<semaphore_mem>>)
    %dma_start3A_949 = arith.constant 1536 : i32
    %dma_start3A_950 = tpu.memref_slice %arg7[%dma_start3A_949] : memref<2560xf32, #tpu.memory_space<vmem>> -> memref<128xf32, #tpu.memory_space<vmem>>
    %dma_start3A_951 = arith.constant 1536 : i32
    %dma_start3A_952 = tpu.memref_slice %arg6[%dma_start3A_951] : memref<2560xi32, #tpu.memory_space<vmem>> -> memref<128xi32, #tpu.memory_space<vmem>>
    %dma_start3A_953 = arith.constant 0 : i32
    %dma_start3A_954 = tpu.memref_slice %arg2[%dma_start3A_953] : memref<1600000xf32, #tpu.memory_space<hbm>> -> memref<1600000xf32, #tpu.memory_space<hbm>>
    tpu.enqueue_indirect_dma source(%dma_start3A_954 : memref<1600000xf32, #tpu.memory_space<hbm>>) target(%dma_start3A_950 : memref<128xf32, #tpu.memory_space<vmem>>) offsets(%dma_start3A_952 : memref<128xi32, #tpu.memory_space<vmem>>) semaphore(%arg8 : memref<!tpu.dma_semaphore, #tpu.memory_space<semaphore_mem>>)
    %get3A_955 = arith.constant 96 : index
    %get3A_956 = tpu.vector_load %arg5[%get3A_955] {strides = array<i32>} : memref<160xi32, #tpu.memory_space<vmem>>, vector<16xi32>,
    %mul3A_957 = arith.constant 16 : i32
    %mul3A_958 = vector.broadcast %mul3A_957 : i32 to vector<16xi32>
    %mul3A_959 = arith.muli %iota3A, %mul3A_958 : vector<16xi32>
    %add3A_960 = arith.constant 1536 : i32
    %add3A_961 = vector.broadcast %add3A_960 : i32 to vector<16xi32>
    %add3A_962 = arith.addi %mul3A_959, %add3A_961 : vector<16xi32>
    %add3A_963 = arith.constant 0 : i32
    %add3A_964 = vector.broadcast %add3A_963 : i32 to vector<16xi32>
    %add3A_965 = arith.addi %get3A_956, %add3A_964 : vector<16xi32>
    tpu.vector_store_idx %arg6[%add3A_962], %add3A_965 : memref<2560xi32, #tpu.memory_space<vmem>>[vector<16xi32>], vector<16xi32>,
    %mul3A_966 = arith.constant 16 : i32
    %mul3A_967 = vector.broadcast %mul3A_966 : i32 to vector<16xi32>
    %mul3A_968 = arith.muli %iota3A, %mul3A_967 : vector<16xi32>
    %add3A_969 = arith.constant 1537 : i32
    %add3A_970 = vector.broadcast %add3A_969 : i32 to vector<16xi32>
    %add3A_971 = arith.addi %mul3A_968, %add3A_970 : vector<16xi32>
    %add3A_972 = arith.constant 100000 : i32
    %add3A_973 = vector.broadcast %add3A_972 : i32 to vector<16xi32>
    %add3A_974 = arith.addi %get3A_956, %add3A_973 : vector<16xi32>
    tpu.vector_store_idx %arg6[%add3A_971], %add3A_974 : memref<2560xi32, #tpu.memory_space<vmem>>[vector<16xi32>], vector<16xi32>,
    %mul3A_975 = arith.constant 16 : i32
    %mul3A_976 = vector.broadcast %mul3A_975 : i32 to vector<16xi32>
    %mul3A_977 = arith.muli %iota3A, %mul3A_976 : vector<16xi32>
    %add3A_978 = arith.constant 1538 : i32
    %add3A_979 = vector.broadcast %add3A_978 : i32 to vector<16xi32>
    %add3A_980 = arith.addi %mul3A_977, %add3A_979 : vector<16xi32>
    %add3A_981 = arith.constant 200000 : i32
    %add3A_982 = vector.broadcast %add3A_981 : i32 to vector<16xi32>
    %add3A_983 = arith.addi %get3A_956, %add3A_982 : vector<16xi32>
    tpu.vector_store_idx %arg6[%add3A_980], %add3A_983 : memref<2560xi32, #tpu.memory_space<vmem>>[vector<16xi32>], vector<16xi32>,
    %mul3A_984 = arith.constant 16 : i32
    %mul3A_985 = vector.broadcast %mul3A_984 : i32 to vector<16xi32>
    %mul3A_986 = arith.muli %iota3A, %mul3A_985 : vector<16xi32>
    %add3A_987 = arith.constant 1539 : i32
    %add3A_988 = vector.broadcast %add3A_987 : i32 to vector<16xi32>
    %add3A_989 = arith.addi %mul3A_986, %add3A_988 : vector<16xi32>
    %add3A_990 = arith.constant 300000 : i32
    %add3A_991 = vector.broadcast %add3A_990 : i32 to vector<16xi32>
    %add3A_992 = arith.addi %get3A_956, %add3A_991 : vector<16xi32>
    tpu.vector_store_idx %arg6[%add3A_989], %add3A_992 : memref<2560xi32, #tpu.memory_space<vmem>>[vector<16xi32>], vector<16xi32>,
    %mul3A_993 = arith.constant 16 : i32
    %mul3A_994 = vector.broadcast %mul3A_993 : i32 to vector<16xi32>
    %mul3A_995 = arith.muli %iota3A, %mul3A_994 : vector<16xi32>
    %add3A_996 = arith.constant 1540 : i32
    %add3A_997 = vector.broadcast %add3A_996 : i32 to vector<16xi32>
    %add3A_998 = arith.addi %mul3A_995, %add3A_997 : vector<16xi32>
    %add3A_999 = arith.constant 400000 : i32
    %add3A_1000 = vector.broadcast %add3A_999 : i32 to vector<16xi32>
    %add3A_1001 = arith.addi %get3A_956, %add3A_1000 : vector<16xi32>
    tpu.vector_store_idx %arg6[%add3A_998], %add3A_1001 : memref<2560xi32, #tpu.memory_space<vmem>>[vector<16xi32>], vector<16xi32>,
    %mul3A_1002 = arith.constant 16 : i32
    %mul3A_1003 = vector.broadcast %mul3A_1002 : i32 to vector<16xi32>
    %mul3A_1004 = arith.muli %iota3A, %mul3A_1003 : vector<16xi32>
    %add3A_1005 = arith.constant 1541 : i32
    %add3A_1006 = vector.broadcast %add3A_1005 : i32 to vector<16xi32>
    %add3A_1007 = arith.addi %mul3A_1004, %add3A_1006 : vector<16xi32>
    %add3A_1008 = arith.constant 500000 : i32
    %add3A_1009 = vector.broadcast %add3A_1008 : i32 to vector<16xi32>
    %add3A_1010 = arith.addi %get3A_956, %add3A_1009 : vector<16xi32>
    tpu.vector_store_idx %arg6[%add3A_1007], %add3A_1010 : memref<2560xi32, #tpu.memory_space<vmem>>[vector<16xi32>], vector<16xi32>,
    %mul3A_1011 = arith.constant 16 : i32
    %mul3A_1012 = vector.broadcast %mul3A_1011 : i32 to vector<16xi32>
    %mul3A_1013 = arith.muli %iota3A, %mul3A_1012 : vector<16xi32>
    %add3A_1014 = arith.constant 1542 : i32
    %add3A_1015 = vector.broadcast %add3A_1014 : i32 to vector<16xi32>
    %add3A_1016 = arith.addi %mul3A_1013, %add3A_1015 : vector<16xi32>
    %add3A_1017 = arith.constant 600000 : i32
    %add3A_1018 = vector.broadcast %add3A_1017 : i32 to vector<16xi32>
    %add3A_1019 = arith.addi %get3A_956, %add3A_1018 : vector<16xi32>
    tpu.vector_store_idx %arg6[%add3A_1016], %add3A_1019 : memref<2560xi32, #tpu.memory_space<vmem>>[vector<16xi32>], vector<16xi32>,
    %mul3A_1020 = arith.constant 16 : i32
    %mul3A_1021 = vector.broadcast %mul3A_1020 : i32 to vector<16xi32>
    %mul3A_1022 = arith.muli %iota3A, %mul3A_1021 : vector<16xi32>
    %add3A_1023 = arith.constant 1543 : i32
    %add3A_1024 = vector.broadcast %add3A_1023 : i32 to vector<16xi32>
    %add3A_1025 = arith.addi %mul3A_1022, %add3A_1024 : vector<16xi32>
    %add3A_1026 = arith.constant 700000 : i32
    %add3A_1027 = vector.broadcast %add3A_1026 : i32 to vector<16xi32>
    %add3A_1028 = arith.addi %get3A_956, %add3A_1027 : vector<16xi32>
    tpu.vector_store_idx %arg6[%add3A_1025], %add3A_1028 : memref<2560xi32, #tpu.memory_space<vmem>>[vector<16xi32>], vector<16xi32>,
    %mul3A_1029 = arith.constant 16 : i32
    %mul3A_1030 = vector.broadcast %mul3A_1029 : i32 to vector<16xi32>
    %mul3A_1031 = arith.muli %iota3A, %mul3A_1030 : vector<16xi32>
    %add3A_1032 = arith.constant 1544 : i32
    %add3A_1033 = vector.broadcast %add3A_1032 : i32 to vector<16xi32>
    %add3A_1034 = arith.addi %mul3A_1031, %add3A_1033 : vector<16xi32>
    %add3A_1035 = arith.constant 800000 : i32
    %add3A_1036 = vector.broadcast %add3A_1035 : i32 to vector<16xi32>
    %add3A_1037 = arith.addi %get3A_956, %add3A_1036 : vector<16xi32>
    tpu.vector_store_idx %arg6[%add3A_1034], %add3A_1037 : memref<2560xi32, #tpu.memory_space<vmem>>[vector<16xi32>], vector<16xi32>,
    %mul3A_1038 = arith.constant 16 : i32
    %mul3A_1039 = vector.broadcast %mul3A_1038 : i32 to vector<16xi32>
    %mul3A_1040 = arith.muli %iota3A, %mul3A_1039 : vector<16xi32>
    %add3A_1041 = arith.constant 1545 : i32
    %add3A_1042 = vector.broadcast %add3A_1041 : i32 to vector<16xi32>
    %add3A_1043 = arith.addi %mul3A_1040, %add3A_1042 : vector<16xi32>
    %add3A_1044 = arith.constant 900000 : i32
    %add3A_1045 = vector.broadcast %add3A_1044 : i32 to vector<16xi32>
    %add3A_1046 = arith.addi %get3A_956, %add3A_1045 : vector<16xi32>
    tpu.vector_store_idx %arg6[%add3A_1043], %add3A_1046 : memref<2560xi32, #tpu.memory_space<vmem>>[vector<16xi32>], vector<16xi32>,
    %mul3A_1047 = arith.constant 16 : i32
    %mul3A_1048 = vector.broadcast %mul3A_1047 : i32 to vector<16xi32>
    %mul3A_1049 = arith.muli %iota3A, %mul3A_1048 : vector<16xi32>
    %add3A_1050 = arith.constant 1546 : i32
    %add3A_1051 = vector.broadcast %add3A_1050 : i32 to vector<16xi32>
    %add3A_1052 = arith.addi %mul3A_1049, %add3A_1051 : vector<16xi32>
    %add3A_1053 = arith.constant 1000000 : i32
    %add3A_1054 = vector.broadcast %add3A_1053 : i32 to vector<16xi32>
    %add3A_1055 = arith.addi %get3A_956, %add3A_1054 : vector<16xi32>
    tpu.vector_store_idx %arg6[%add3A_1052], %add3A_1055 : memref<2560xi32, #tpu.memory_space<vmem>>[vector<16xi32>], vector<16xi32>,
    %mul3A_1056 = arith.constant 16 : i32
    %mul3A_1057 = vector.broadcast %mul3A_1056 : i32 to vector<16xi32>
    %mul3A_1058 = arith.muli %iota3A, %mul3A_1057 : vector<16xi32>
    %add3A_1059 = arith.constant 1547 : i32
    %add3A_1060 = vector.broadcast %add3A_1059 : i32 to vector<16xi32>
    %add3A_1061 = arith.addi %mul3A_1058, %add3A_1060 : vector<16xi32>
    %add3A_1062 = arith.constant 1100000 : i32
    %add3A_1063 = vector.broadcast %add3A_1062 : i32 to vector<16xi32>
    %add3A_1064 = arith.addi %get3A_956, %add3A_1063 : vector<16xi32>
    tpu.vector_store_idx %arg6[%add3A_1061], %add3A_1064 : memref<2560xi32, #tpu.memory_space<vmem>>[vector<16xi32>], vector<16xi32>,
    %mul3A_1065 = arith.constant 16 : i32
    %mul3A_1066 = vector.broadcast %mul3A_1065 : i32 to vector<16xi32>
    %mul3A_1067 = arith.muli %iota3A, %mul3A_1066 : vector<16xi32>
    %add3A_1068 = arith.constant 1548 : i32
    %add3A_1069 = vector.broadcast %add3A_1068 : i32 to vector<16xi32>
    %add3A_1070 = arith.addi %mul3A_1067, %add3A_1069 : vector<16xi32>
    %add3A_1071 = arith.constant 1200000 : i32
    %add3A_1072 = vector.broadcast %add3A_1071 : i32 to vector<16xi32>
    %add3A_1073 = arith.addi %get3A_956, %add3A_1072 : vector<16xi32>
    tpu.vector_store_idx %arg6[%add3A_1070], %add3A_1073 : memref<2560xi32, #tpu.memory_space<vmem>>[vector<16xi32>], vector<16xi32>,
    %mul3A_1074 = arith.constant 16 : i32
    %mul3A_1075 = vector.broadcast %mul3A_1074 : i32 to vector<16xi32>
    %mul3A_1076 = arith.muli %iota3A, %mul3A_1075 : vector<16xi32>
    %add3A_1077 = arith.constant 1549 : i32
    %add3A_1078 = vector.broadcast %add3A_1077 : i32 to vector<16xi32>
    %add3A_1079 = arith.addi %mul3A_1076, %add3A_1078 : vector<16xi32>
    %add3A_1080 = arith.constant 1300000 : i32
    %add3A_1081 = vector.broadcast %add3A_1080 : i32 to vector<16xi32>
    %add3A_1082 = arith.addi %get3A_956, %add3A_1081 : vector<16xi32>
    tpu.vector_store_idx %arg6[%add3A_1079], %add3A_1082 : memref<2560xi32, #tpu.memory_space<vmem>>[vector<16xi32>], vector<16xi32>,
    %mul3A_1083 = arith.constant 16 : i32
    %mul3A_1084 = vector.broadcast %mul3A_1083 : i32 to vector<16xi32>
    %mul3A_1085 = arith.muli %iota3A, %mul3A_1084 : vector<16xi32>
    %add3A_1086 = arith.constant 1550 : i32
    %add3A_1087 = vector.broadcast %add3A_1086 : i32 to vector<16xi32>
    %add3A_1088 = arith.addi %mul3A_1085, %add3A_1087 : vector<16xi32>
    %add3A_1089 = arith.constant 1400000 : i32
    %add3A_1090 = vector.broadcast %add3A_1089 : i32 to vector<16xi32>
    %add3A_1091 = arith.addi %get3A_956, %add3A_1090 : vector<16xi32>
    tpu.vector_store_idx %arg6[%add3A_1088], %add3A_1091 : memref<2560xi32, #tpu.memory_space<vmem>>[vector<16xi32>], vector<16xi32>,
    %mul3A_1092 = arith.constant 16 : i32
    %mul3A_1093 = vector.broadcast %mul3A_1092 : i32 to vector<16xi32>
    %mul3A_1094 = arith.muli %iota3A, %mul3A_1093 : vector<16xi32>
    %add3A_1095 = arith.constant 1551 : i32
    %add3A_1096 = vector.broadcast %add3A_1095 : i32 to vector<16xi32>
    %add3A_1097 = arith.addi %mul3A_1094, %add3A_1096 : vector<16xi32>
    %add3A_1098 = arith.constant 1500000 : i32
    %add3A_1099 = vector.broadcast %add3A_1098 : i32 to vector<16xi32>
    %add3A_1100 = arith.addi %get3A_956, %add3A_1099 : vector<16xi32>
    tpu.vector_store_idx %arg6[%add3A_1097], %add3A_1100 : memref<2560xi32, #tpu.memory_space<vmem>>[vector<16xi32>], vector<16xi32>,
    %dma_start3A_1101 = arith.constant 1664 : i32
    %dma_start3A_1102 = tpu.memref_slice %arg7[%dma_start3A_1101] : memref<2560xf32, #tpu.memory_space<vmem>> -> memref<128xf32, #tpu.memory_space<vmem>>
    %dma_start3A_1103 = arith.constant 1664 : i32
    %dma_start3A_1104 = tpu.memref_slice %arg6[%dma_start3A_1103] : memref<2560xi32, #tpu.memory_space<vmem>> -> memref<128xi32, #tpu.memory_space<vmem>>
    %dma_start3A_1105 = arith.constant 0 : i32
    %dma_start3A_1106 = tpu.memref_slice %arg2[%dma_start3A_1105] : memref<1600000xf32, #tpu.memory_space<hbm>> -> memref<1600000xf32, #tpu.memory_space<hbm>>
    tpu.enqueue_indirect_dma source(%dma_start3A_1106 : memref<1600000xf32, #tpu.memory_space<hbm>>) target(%dma_start3A_1102 : memref<128xf32, #tpu.memory_space<vmem>>) offsets(%dma_start3A_1104 : memref<128xi32, #tpu.memory_space<vmem>>) semaphore(%arg8 : memref<!tpu.dma_semaphore, #tpu.memory_space<semaphore_mem>>)
    %dma_start3A_1107 = arith.constant 1792 : i32
    %dma_start3A_1108 = tpu.memref_slice %arg7[%dma_start3A_1107] : memref<2560xf32, #tpu.memory_space<vmem>> -> memref<128xf32, #tpu.memory_space<vmem>>
    %dma_start3A_1109 = arith.constant 1792 : i32
    %dma_start3A_1110 = tpu.memref_slice %arg6[%dma_start3A_1109] : memref<2560xi32, #tpu.memory_space<vmem>> -> memref<128xi32, #tpu.memory_space<vmem>>
    %dma_start3A_1111 = arith.constant 0 : i32
    %dma_start3A_1112 = tpu.memref_slice %arg2[%dma_start3A_1111] : memref<1600000xf32, #tpu.memory_space<hbm>> -> memref<1600000xf32, #tpu.memory_space<hbm>>
    tpu.enqueue_indirect_dma source(%dma_start3A_1112 : memref<1600000xf32, #tpu.memory_space<hbm>>) target(%dma_start3A_1108 : memref<128xf32, #tpu.memory_space<vmem>>) offsets(%dma_start3A_1110 : memref<128xi32, #tpu.memory_space<vmem>>) semaphore(%arg8 : memref<!tpu.dma_semaphore, #tpu.memory_space<semaphore_mem>>)
    %get3A_1113 = arith.constant 112 : index
    %get3A_1114 = tpu.vector_load %arg5[%get3A_1113] {strides = array<i32>} : memref<160xi32, #tpu.memory_space<vmem>>, vector<16xi32>,
    %mul3A_1115 = arith.constant 16 : i32
    %mul3A_1116 = vector.broadcast %mul3A_1115 : i32 to vector<16xi32>
    %mul3A_1117 = arith.muli %iota3A, %mul3A_1116 : vector<16xi32>
    %add3A_1118 = arith.constant 1792 : i32
    %add3A_1119 = vector.broadcast %add3A_1118 : i32 to vector<16xi32>
    %add3A_1120 = arith.addi %mul3A_1117, %add3A_1119 : vector<16xi32>
    %add3A_1121 = arith.constant 0 : i32
    %add3A_1122 = vector.broadcast %add3A_1121 : i32 to vector<16xi32>
    %add3A_1123 = arith.addi %get3A_1114, %add3A_1122 : vector<16xi32>
    tpu.vector_store_idx %arg6[%add3A_1120], %add3A_1123 : memref<2560xi32, #tpu.memory_space<vmem>>[vector<16xi32>], vector<16xi32>,
    %mul3A_1124 = arith.constant 16 : i32
    %mul3A_1125 = vector.broadcast %mul3A_1124 : i32 to vector<16xi32>
    %mul3A_1126 = arith.muli %iota3A, %mul3A_1125 : vector<16xi32>
    %add3A_1127 = arith.constant 1793 : i32
    %add3A_1128 = vector.broadcast %add3A_1127 : i32 to vector<16xi32>
    %add3A_1129 = arith.addi %mul3A_1126, %add3A_1128 : vector<16xi32>
    %add3A_1130 = arith.constant 100000 : i32
    %add3A_1131 = vector.broadcast %add3A_1130 : i32 to vector<16xi32>
    %add3A_1132 = arith.addi %get3A_1114, %add3A_1131 : vector<16xi32>
    tpu.vector_store_idx %arg6[%add3A_1129], %add3A_1132 : memref<2560xi32, #tpu.memory_space<vmem>>[vector<16xi32>], vector<16xi32>,
    %mul3A_1133 = arith.constant 16 : i32
    %mul3A_1134 = vector.broadcast %mul3A_1133 : i32 to vector<16xi32>
    %mul3A_1135 = arith.muli %iota3A, %mul3A_1134 : vector<16xi32>
    %add3A_1136 = arith.constant 1794 : i32
    %add3A_1137 = vector.broadcast %add3A_1136 : i32 to vector<16xi32>
    %add3A_1138 = arith.addi %mul3A_1135, %add3A_1137 : vector<16xi32>
    %add3A_1139 = arith.constant 200000 : i32
    %add3A_1140 = vector.broadcast %add3A_1139 : i32 to vector<16xi32>
    %add3A_1141 = arith.addi %get3A_1114, %add3A_1140 : vector<16xi32>
    tpu.vector_store_idx %arg6[%add3A_1138], %add3A_1141 : memref<2560xi32, #tpu.memory_space<vmem>>[vector<16xi32>], vector<16xi32>,
    %mul3A_1142 = arith.constant 16 : i32
    %mul3A_1143 = vector.broadcast %mul3A_1142 : i32 to vector<16xi32>
    %mul3A_1144 = arith.muli %iota3A, %mul3A_1143 : vector<16xi32>
    %add3A_1145 = arith.constant 1795 : i32
    %add3A_1146 = vector.broadcast %add3A_1145 : i32 to vector<16xi32>
    %add3A_1147 = arith.addi %mul3A_1144, %add3A_1146 : vector<16xi32>
    %add3A_1148 = arith.constant 300000 : i32
    %add3A_1149 = vector.broadcast %add3A_1148 : i32 to vector<16xi32>
    %add3A_1150 = arith.addi %get3A_1114, %add3A_1149 : vector<16xi32>
    tpu.vector_store_idx %arg6[%add3A_1147], %add3A_1150 : memref<2560xi32, #tpu.memory_space<vmem>>[vector<16xi32>], vector<16xi32>,
    %mul3A_1151 = arith.constant 16 : i32
    %mul3A_1152 = vector.broadcast %mul3A_1151 : i32 to vector<16xi32>
    %mul3A_1153 = arith.muli %iota3A, %mul3A_1152 : vector<16xi32>
    %add3A_1154 = arith.constant 1796 : i32
    %add3A_1155 = vector.broadcast %add3A_1154 : i32 to vector<16xi32>
    %add3A_1156 = arith.addi %mul3A_1153, %add3A_1155 : vector<16xi32>
    %add3A_1157 = arith.constant 400000 : i32
    %add3A_1158 = vector.broadcast %add3A_1157 : i32 to vector<16xi32>
    %add3A_1159 = arith.addi %get3A_1114, %add3A_1158 : vector<16xi32>
    tpu.vector_store_idx %arg6[%add3A_1156], %add3A_1159 : memref<2560xi32, #tpu.memory_space<vmem>>[vector<16xi32>], vector<16xi32>,
    %mul3A_1160 = arith.constant 16 : i32
    %mul3A_1161 = vector.broadcast %mul3A_1160 : i32 to vector<16xi32>
    %mul3A_1162 = arith.muli %iota3A, %mul3A_1161 : vector<16xi32>
    %add3A_1163 = arith.constant 1797 : i32
    %add3A_1164 = vector.broadcast %add3A_1163 : i32 to vector<16xi32>
    %add3A_1165 = arith.addi %mul3A_1162, %add3A_1164 : vector<16xi32>
    %add3A_1166 = arith.constant 500000 : i32
    %add3A_1167 = vector.broadcast %add3A_1166 : i32 to vector<16xi32>
    %add3A_1168 = arith.addi %get3A_1114, %add3A_1167 : vector<16xi32>
    tpu.vector_store_idx %arg6[%add3A_1165], %add3A_1168 : memref<2560xi32, #tpu.memory_space<vmem>>[vector<16xi32>], vector<16xi32>,
    %mul3A_1169 = arith.constant 16 : i32
    %mul3A_1170 = vector.broadcast %mul3A_1169 : i32 to vector<16xi32>
    %mul3A_1171 = arith.muli %iota3A, %mul3A_1170 : vector<16xi32>
    %add3A_1172 = arith.constant 1798 : i32
    %add3A_1173 = vector.broadcast %add3A_1172 : i32 to vector<16xi32>
    %add3A_1174 = arith.addi %mul3A_1171, %add3A_1173 : vector<16xi32>
    %add3A_1175 = arith.constant 600000 : i32
    %add3A_1176 = vector.broadcast %add3A_1175 : i32 to vector<16xi32>
    %add3A_1177 = arith.addi %get3A_1114, %add3A_1176 : vector<16xi32>
    tpu.vector_store_idx %arg6[%add3A_1174], %add3A_1177 : memref<2560xi32, #tpu.memory_space<vmem>>[vector<16xi32>], vector<16xi32>,
    %mul3A_1178 = arith.constant 16 : i32
    %mul3A_1179 = vector.broadcast %mul3A_1178 : i32 to vector<16xi32>
    %mul3A_1180 = arith.muli %iota3A, %mul3A_1179 : vector<16xi32>
    %add3A_1181 = arith.constant 1799 : i32
    %add3A_1182 = vector.broadcast %add3A_1181 : i32 to vector<16xi32>
    %add3A_1183 = arith.addi %mul3A_1180, %add3A_1182 : vector<16xi32>
    %add3A_1184 = arith.constant 700000 : i32
    %add3A_1185 = vector.broadcast %add3A_1184 : i32 to vector<16xi32>
    %add3A_1186 = arith.addi %get3A_1114, %add3A_1185 : vector<16xi32>
    tpu.vector_store_idx %arg6[%add3A_1183], %add3A_1186 : memref<2560xi32, #tpu.memory_space<vmem>>[vector<16xi32>], vector<16xi32>,
    %mul3A_1187 = arith.constant 16 : i32
    %mul3A_1188 = vector.broadcast %mul3A_1187 : i32 to vector<16xi32>
    %mul3A_1189 = arith.muli %iota3A, %mul3A_1188 : vector<16xi32>
    %add3A_1190 = arith.constant 1800 : i32
    %add3A_1191 = vector.broadcast %add3A_1190 : i32 to vector<16xi32>
    %add3A_1192 = arith.addi %mul3A_1189, %add3A_1191 : vector<16xi32>
    %add3A_1193 = arith.constant 800000 : i32
    %add3A_1194 = vector.broadcast %add3A_1193 : i32 to vector<16xi32>
    %add3A_1195 = arith.addi %get3A_1114, %add3A_1194 : vector<16xi32>
    tpu.vector_store_idx %arg6[%add3A_1192], %add3A_1195 : memref<2560xi32, #tpu.memory_space<vmem>>[vector<16xi32>], vector<16xi32>,
    %mul3A_1196 = arith.constant 16 : i32
    %mul3A_1197 = vector.broadcast %mul3A_1196 : i32 to vector<16xi32>
    %mul3A_1198 = arith.muli %iota3A, %mul3A_1197 : vector<16xi32>
    %add3A_1199 = arith.constant 1801 : i32
    %add3A_1200 = vector.broadcast %add3A_1199 : i32 to vector<16xi32>
    %add3A_1201 = arith.addi %mul3A_1198, %add3A_1200 : vector<16xi32>
    %add3A_1202 = arith.constant 900000 : i32
    %add3A_1203 = vector.broadcast %add3A_1202 : i32 to vector<16xi32>
    %add3A_1204 = arith.addi %get3A_1114, %add3A_1203 : vector<16xi32>
    tpu.vector_store_idx %arg6[%add3A_1201], %add3A_1204 : memref<2560xi32, #tpu.memory_space<vmem>>[vector<16xi32>], vector<16xi32>,
    %mul3A_1205 = arith.constant 16 : i32
    %mul3A_1206 = vector.broadcast %mul3A_1205 : i32 to vector<16xi32>
    %mul3A_1207 = arith.muli %iota3A, %mul3A_1206 : vector<16xi32>
    %add3A_1208 = arith.constant 1802 : i32
    %add3A_1209 = vector.broadcast %add3A_1208 : i32 to vector<16xi32>
    %add3A_1210 = arith.addi %mul3A_1207, %add3A_1209 : vector<16xi32>
    %add3A_1211 = arith.constant 1000000 : i32
    %add3A_1212 = vector.broadcast %add3A_1211 : i32 to vector<16xi32>
    %add3A_1213 = arith.addi %get3A_1114, %add3A_1212 : vector<16xi32>
    tpu.vector_store_idx %arg6[%add3A_1210], %add3A_1213 : memref<2560xi32, #tpu.memory_space<vmem>>[vector<16xi32>], vector<16xi32>,
    %mul3A_1214 = arith.constant 16 : i32
    %mul3A_1215 = vector.broadcast %mul3A_1214 : i32 to vector<16xi32>
    %mul3A_1216 = arith.muli %iota3A, %mul3A_1215 : vector<16xi32>
    %add3A_1217 = arith.constant 1803 : i32
    %add3A_1218 = vector.broadcast %add3A_1217 : i32 to vector<16xi32>
    %add3A_1219 = arith.addi %mul3A_1216, %add3A_1218 : vector<16xi32>
    %add3A_1220 = arith.constant 1100000 : i32
    %add3A_1221 = vector.broadcast %add3A_1220 : i32 to vector<16xi32>
    %add3A_1222 = arith.addi %get3A_1114, %add3A_1221 : vector<16xi32>
    tpu.vector_store_idx %arg6[%add3A_1219], %add3A_1222 : memref<2560xi32, #tpu.memory_space<vmem>>[vector<16xi32>], vector<16xi32>,
    %mul3A_1223 = arith.constant 16 : i32
    %mul3A_1224 = vector.broadcast %mul3A_1223 : i32 to vector<16xi32>
    %mul3A_1225 = arith.muli %iota3A, %mul3A_1224 : vector<16xi32>
    %add3A_1226 = arith.constant 1804 : i32
    %add3A_1227 = vector.broadcast %add3A_1226 : i32 to vector<16xi32>
    %add3A_1228 = arith.addi %mul3A_1225, %add3A_1227 : vector<16xi32>
    %add3A_1229 = arith.constant 1200000 : i32
    %add3A_1230 = vector.broadcast %add3A_1229 : i32 to vector<16xi32>
    %add3A_1231 = arith.addi %get3A_1114, %add3A_1230 : vector<16xi32>
    tpu.vector_store_idx %arg6[%add3A_1228], %add3A_1231 : memref<2560xi32, #tpu.memory_space<vmem>>[vector<16xi32>], vector<16xi32>,
    %mul3A_1232 = arith.constant 16 : i32
    %mul3A_1233 = vector.broadcast %mul3A_1232 : i32 to vector<16xi32>
    %mul3A_1234 = arith.muli %iota3A, %mul3A_1233 : vector<16xi32>
    %add3A_1235 = arith.constant 1805 : i32
    %add3A_1236 = vector.broadcast %add3A_1235 : i32 to vector<16xi32>
    %add3A_1237 = arith.addi %mul3A_1234, %add3A_1236 : vector<16xi32>
    %add3A_1238 = arith.constant 1300000 : i32
    %add3A_1239 = vector.broadcast %add3A_1238 : i32 to vector<16xi32>
    %add3A_1240 = arith.addi %get3A_1114, %add3A_1239 : vector<16xi32>
    tpu.vector_store_idx %arg6[%add3A_1237], %add3A_1240 : memref<2560xi32, #tpu.memory_space<vmem>>[vector<16xi32>], vector<16xi32>,
    %mul3A_1241 = arith.constant 16 : i32
    %mul3A_1242 = vector.broadcast %mul3A_1241 : i32 to vector<16xi32>
    %mul3A_1243 = arith.muli %iota3A, %mul3A_1242 : vector<16xi32>
    %add3A_1244 = arith.constant 1806 : i32
    %add3A_1245 = vector.broadcast %add3A_1244 : i32 to vector<16xi32>
    %add3A_1246 = arith.addi %mul3A_1243, %add3A_1245 : vector<16xi32>
    %add3A_1247 = arith.constant 1400000 : i32
    %add3A_1248 = vector.broadcast %add3A_1247 : i32 to vector<16xi32>
    %add3A_1249 = arith.addi %get3A_1114, %add3A_1248 : vector<16xi32>
    tpu.vector_store_idx %arg6[%add3A_1246], %add3A_1249 : memref<2560xi32, #tpu.memory_space<vmem>>[vector<16xi32>], vector<16xi32>,
    %mul3A_1250 = arith.constant 16 : i32
    %mul3A_1251 = vector.broadcast %mul3A_1250 : i32 to vector<16xi32>
    %mul3A_1252 = arith.muli %iota3A, %mul3A_1251 : vector<16xi32>
    %add3A_1253 = arith.constant 1807 : i32
    %add3A_1254 = vector.broadcast %add3A_1253 : i32 to vector<16xi32>
    %add3A_1255 = arith.addi %mul3A_1252, %add3A_1254 : vector<16xi32>
    %add3A_1256 = arith.constant 1500000 : i32
    %add3A_1257 = vector.broadcast %add3A_1256 : i32 to vector<16xi32>
    %add3A_1258 = arith.addi %get3A_1114, %add3A_1257 : vector<16xi32>
    tpu.vector_store_idx %arg6[%add3A_1255], %add3A_1258 : memref<2560xi32, #tpu.memory_space<vmem>>[vector<16xi32>], vector<16xi32>,
    %dma_start3A_1259 = arith.constant 1920 : i32
    %dma_start3A_1260 = tpu.memref_slice %arg7[%dma_start3A_1259] : memref<2560xf32, #tpu.memory_space<vmem>> -> memref<128xf32, #tpu.memory_space<vmem>>
    %dma_start3A_1261 = arith.constant 1920 : i32
    %dma_start3A_1262 = tpu.memref_slice %arg6[%dma_start3A_1261] : memref<2560xi32, #tpu.memory_space<vmem>> -> memref<128xi32, #tpu.memory_space<vmem>>
    %dma_start3A_1263 = arith.constant 0 : i32
    %dma_start3A_1264 = tpu.memref_slice %arg2[%dma_start3A_1263] : memref<1600000xf32, #tpu.memory_space<hbm>> -> memref<1600000xf32, #tpu.memory_space<hbm>>
    tpu.enqueue_indirect_dma source(%dma_start3A_1264 : memref<1600000xf32, #tpu.memory_space<hbm>>) target(%dma_start3A_1260 : memref<128xf32, #tpu.memory_space<vmem>>) offsets(%dma_start3A_1262 : memref<128xi32, #tpu.memory_space<vmem>>) semaphore(%arg8 : memref<!tpu.dma_semaphore, #tpu.memory_space<semaphore_mem>>)
    %dma_start3A_1265 = arith.constant 2048 : i32
    %dma_start3A_1266 = tpu.memref_slice %arg7[%dma_start3A_1265] : memref<2560xf32, #tpu.memory_space<vmem>> -> memref<128xf32, #tpu.memory_space<vmem>>
    %dma_start3A_1267 = arith.constant 2048 : i32
    %dma_start3A_1268 = tpu.memref_slice %arg6[%dma_start3A_1267] : memref<2560xi32, #tpu.memory_space<vmem>> -> memref<128xi32, #tpu.memory_space<vmem>>
    %dma_start3A_1269 = arith.constant 0 : i32
    %dma_start3A_1270 = tpu.memref_slice %arg2[%dma_start3A_1269] : memref<1600000xf32, #tpu.memory_space<hbm>> -> memref<1600000xf32, #tpu.memory_space<hbm>>
    tpu.enqueue_indirect_dma source(%dma_start3A_1270 : memref<1600000xf32, #tpu.memory_space<hbm>>) target(%dma_start3A_1266 : memref<128xf32, #tpu.memory_space<vmem>>) offsets(%dma_start3A_1268 : memref<128xi32, #tpu.memory_space<vmem>>) semaphore(%arg8 : memref<!tpu.dma_semaphore, #tpu.memory_space<semaphore_mem>>)
    %get3A_1271 = arith.constant 128 : index
    %get3A_1272 = tpu.vector_load %arg5[%get3A_1271] {strides = array<i32>} : memref<160xi32, #tpu.memory_space<vmem>>, vector<16xi32>,
    %mul3A_1273 = arith.constant 16 : i32
    %mul3A_1274 = vector.broadcast %mul3A_1273 : i32 to vector<16xi32>
    %mul3A_1275 = arith.muli %iota3A, %mul3A_1274 : vector<16xi32>
    %add3A_1276 = arith.constant 2048 : i32
    %add3A_1277 = vector.broadcast %add3A_1276 : i32 to vector<16xi32>
    %add3A_1278 = arith.addi %mul3A_1275, %add3A_1277 : vector<16xi32>
    %add3A_1279 = arith.constant 0 : i32
    %add3A_1280 = vector.broadcast %add3A_1279 : i32 to vector<16xi32>
    %add3A_1281 = arith.addi %get3A_1272, %add3A_1280 : vector<16xi32>
    tpu.vector_store_idx %arg6[%add3A_1278], %add3A_1281 : memref<2560xi32, #tpu.memory_space<vmem>>[vector<16xi32>], vector<16xi32>,
    %mul3A_1282 = arith.constant 16 : i32
    %mul3A_1283 = vector.broadcast %mul3A_1282 : i32 to vector<16xi32>
    %mul3A_1284 = arith.muli %iota3A, %mul3A_1283 : vector<16xi32>
    %add3A_1285 = arith.constant 2049 : i32
    %add3A_1286 = vector.broadcast %add3A_1285 : i32 to vector<16xi32>
    %add3A_1287 = arith.addi %mul3A_1284, %add3A_1286 : vector<16xi32>
    %add3A_1288 = arith.constant 100000 : i32
    %add3A_1289 = vector.broadcast %add3A_1288 : i32 to vector<16xi32>
    %add3A_1290 = arith.addi %get3A_1272, %add3A_1289 : vector<16xi32>
    tpu.vector_store_idx %arg6[%add3A_1287], %add3A_1290 : memref<2560xi32, #tpu.memory_space<vmem>>[vector<16xi32>], vector<16xi32>,
    %mul3A_1291 = arith.constant 16 : i32
    %mul3A_1292 = vector.broadcast %mul3A_1291 : i32 to vector<16xi32>
    %mul3A_1293 = arith.muli %iota3A, %mul3A_1292 : vector<16xi32>
    %add3A_1294 = arith.constant 2050 : i32
    %add3A_1295 = vector.broadcast %add3A_1294 : i32 to vector<16xi32>
    %add3A_1296 = arith.addi %mul3A_1293, %add3A_1295 : vector<16xi32>
    %add3A_1297 = arith.constant 200000 : i32
    %add3A_1298 = vector.broadcast %add3A_1297 : i32 to vector<16xi32>
    %add3A_1299 = arith.addi %get3A_1272, %add3A_1298 : vector<16xi32>
    tpu.vector_store_idx %arg6[%add3A_1296], %add3A_1299 : memref<2560xi32, #tpu.memory_space<vmem>>[vector<16xi32>], vector<16xi32>,
    %mul3A_1300 = arith.constant 16 : i32
    %mul3A_1301 = vector.broadcast %mul3A_1300 : i32 to vector<16xi32>
    %mul3A_1302 = arith.muli %iota3A, %mul3A_1301 : vector<16xi32>
    %add3A_1303 = arith.constant 2051 : i32
    %add3A_1304 = vector.broadcast %add3A_1303 : i32 to vector<16xi32>
    %add3A_1305 = arith.addi %mul3A_1302, %add3A_1304 : vector<16xi32>
    %add3A_1306 = arith.constant 300000 : i32
    %add3A_1307 = vector.broadcast %add3A_1306 : i32 to vector<16xi32>
    %add3A_1308 = arith.addi %get3A_1272, %add3A_1307 : vector<16xi32>
    tpu.vector_store_idx %arg6[%add3A_1305], %add3A_1308 : memref<2560xi32, #tpu.memory_space<vmem>>[vector<16xi32>], vector<16xi32>,
    %mul3A_1309 = arith.constant 16 : i32
    %mul3A_1310 = vector.broadcast %mul3A_1309 : i32 to vector<16xi32>
    %mul3A_1311 = arith.muli %iota3A, %mul3A_1310 : vector<16xi32>
    %add3A_1312 = arith.constant 2052 : i32
    %add3A_1313 = vector.broadcast %add3A_1312 : i32 to vector<16xi32>
    %add3A_1314 = arith.addi %mul3A_1311, %add3A_1313 : vector<16xi32>
    %add3A_1315 = arith.constant 400000 : i32
    %add3A_1316 = vector.broadcast %add3A_1315 : i32 to vector<16xi32>
    %add3A_1317 = arith.addi %get3A_1272, %add3A_1316 : vector<16xi32>
    tpu.vector_store_idx %arg6[%add3A_1314], %add3A_1317 : memref<2560xi32, #tpu.memory_space<vmem>>[vector<16xi32>], vector<16xi32>,
    %mul3A_1318 = arith.constant 16 : i32
    %mul3A_1319 = vector.broadcast %mul3A_1318 : i32 to vector<16xi32>
    %mul3A_1320 = arith.muli %iota3A, %mul3A_1319 : vector<16xi32>
    %add3A_1321 = arith.constant 2053 : i32
    %add3A_1322 = vector.broadcast %add3A_1321 : i32 to vector<16xi32>
    %add3A_1323 = arith.addi %mul3A_1320, %add3A_1322 : vector<16xi32>
    %add3A_1324 = arith.constant 500000 : i32
    %add3A_1325 = vector.broadcast %add3A_1324 : i32 to vector<16xi32>
    %add3A_1326 = arith.addi %get3A_1272, %add3A_1325 : vector<16xi32>
    tpu.vector_store_idx %arg6[%add3A_1323], %add3A_1326 : memref<2560xi32, #tpu.memory_space<vmem>>[vector<16xi32>], vector<16xi32>,
    %mul3A_1327 = arith.constant 16 : i32
    %mul3A_1328 = vector.broadcast %mul3A_1327 : i32 to vector<16xi32>
    %mul3A_1329 = arith.muli %iota3A, %mul3A_1328 : vector<16xi32>
    %add3A_1330 = arith.constant 2054 : i32
    %add3A_1331 = vector.broadcast %add3A_1330 : i32 to vector<16xi32>
    %add3A_1332 = arith.addi %mul3A_1329, %add3A_1331 : vector<16xi32>
    %add3A_1333 = arith.constant 600000 : i32
    %add3A_1334 = vector.broadcast %add3A_1333 : i32 to vector<16xi32>
    %add3A_1335 = arith.addi %get3A_1272, %add3A_1334 : vector<16xi32>
    tpu.vector_store_idx %arg6[%add3A_1332], %add3A_1335 : memref<2560xi32, #tpu.memory_space<vmem>>[vector<16xi32>], vector<16xi32>,
    %mul3A_1336 = arith.constant 16 : i32
    %mul3A_1337 = vector.broadcast %mul3A_1336 : i32 to vector<16xi32>
    %mul3A_1338 = arith.muli %iota3A, %mul3A_1337 : vector<16xi32>
    %add3A_1339 = arith.constant 2055 : i32
    %add3A_1340 = vector.broadcast %add3A_1339 : i32 to vector<16xi32>
    %add3A_1341 = arith.addi %mul3A_1338, %add3A_1340 : vector<16xi32>
    %add3A_1342 = arith.constant 700000 : i32
    %add3A_1343 = vector.broadcast %add3A_1342 : i32 to vector<16xi32>
    %add3A_1344 = arith.addi %get3A_1272, %add3A_1343 : vector<16xi32>
    tpu.vector_store_idx %arg6[%add3A_1341], %add3A_1344 : memref<2560xi32, #tpu.memory_space<vmem>>[vector<16xi32>], vector<16xi32>,
    %mul3A_1345 = arith.constant 16 : i32
    %mul3A_1346 = vector.broadcast %mul3A_1345 : i32 to vector<16xi32>
    %mul3A_1347 = arith.muli %iota3A, %mul3A_1346 : vector<16xi32>
    %add3A_1348 = arith.constant 2056 : i32
    %add3A_1349 = vector.broadcast %add3A_1348 : i32 to vector<16xi32>
    %add3A_1350 = arith.addi %mul3A_1347, %add3A_1349 : vector<16xi32>
    %add3A_1351 = arith.constant 800000 : i32
    %add3A_1352 = vector.broadcast %add3A_1351 : i32 to vector<16xi32>
    %add3A_1353 = arith.addi %get3A_1272, %add3A_1352 : vector<16xi32>
    tpu.vector_store_idx %arg6[%add3A_1350], %add3A_1353 : memref<2560xi32, #tpu.memory_space<vmem>>[vector<16xi32>], vector<16xi32>,
    %mul3A_1354 = arith.constant 16 : i32
    %mul3A_1355 = vector.broadcast %mul3A_1354 : i32 to vector<16xi32>
    %mul3A_1356 = arith.muli %iota3A, %mul3A_1355 : vector<16xi32>
    %add3A_1357 = arith.constant 2057 : i32
    %add3A_1358 = vector.broadcast %add3A_1357 : i32 to vector<16xi32>
    %add3A_1359 = arith.addi %mul3A_1356, %add3A_1358 : vector<16xi32>
    %add3A_1360 = arith.constant 900000 : i32
    %add3A_1361 = vector.broadcast %add3A_1360 : i32 to vector<16xi32>
    %add3A_1362 = arith.addi %get3A_1272, %add3A_1361 : vector<16xi32>
    tpu.vector_store_idx %arg6[%add3A_1359], %add3A_1362 : memref<2560xi32, #tpu.memory_space<vmem>>[vector<16xi32>], vector<16xi32>,
    %mul3A_1363 = arith.constant 16 : i32
    %mul3A_1364 = vector.broadcast %mul3A_1363 : i32 to vector<16xi32>
    %mul3A_1365 = arith.muli %iota3A, %mul3A_1364 : vector<16xi32>
    %add3A_1366 = arith.constant 2058 : i32
    %add3A_1367 = vector.broadcast %add3A_1366 : i32 to vector<16xi32>
    %add3A_1368 = arith.addi %mul3A_1365, %add3A_1367 : vector<16xi32>
    %add3A_1369 = arith.constant 1000000 : i32
    %add3A_1370 = vector.broadcast %add3A_1369 : i32 to vector<16xi32>
    %add3A_1371 = arith.addi %get3A_1272, %add3A_1370 : vector<16xi32>
    tpu.vector_store_idx %arg6[%add3A_1368], %add3A_1371 : memref<2560xi32, #tpu.memory_space<vmem>>[vector<16xi32>], vector<16xi32>,
    %mul3A_1372 = arith.constant 16 : i32
    %mul3A_1373 = vector.broadcast %mul3A_1372 : i32 to vector<16xi32>
    %mul3A_1374 = arith.muli %iota3A, %mul3A_1373 : vector<16xi32>
    %add3A_1375 = arith.constant 2059 : i32
    %add3A_1376 = vector.broadcast %add3A_1375 : i32 to vector<16xi32>
    %add3A_1377 = arith.addi %mul3A_1374, %add3A_1376 : vector<16xi32>
    %add3A_1378 = arith.constant 1100000 : i32
    %add3A_1379 = vector.broadcast %add3A_1378 : i32 to vector<16xi32>
    %add3A_1380 = arith.addi %get3A_1272, %add3A_1379 : vector<16xi32>
    tpu.vector_store_idx %arg6[%add3A_1377], %add3A_1380 : memref<2560xi32, #tpu.memory_space<vmem>>[vector<16xi32>], vector<16xi32>,
    %mul3A_1381 = arith.constant 16 : i32
    %mul3A_1382 = vector.broadcast %mul3A_1381 : i32 to vector<16xi32>
    %mul3A_1383 = arith.muli %iota3A, %mul3A_1382 : vector<16xi32>
    %add3A_1384 = arith.constant 2060 : i32
    %add3A_1385 = vector.broadcast %add3A_1384 : i32 to vector<16xi32>
    %add3A_1386 = arith.addi %mul3A_1383, %add3A_1385 : vector<16xi32>
    %add3A_1387 = arith.constant 1200000 : i32
    %add3A_1388 = vector.broadcast %add3A_1387 : i32 to vector<16xi32>
    %add3A_1389 = arith.addi %get3A_1272, %add3A_1388 : vector<16xi32>
    tpu.vector_store_idx %arg6[%add3A_1386], %add3A_1389 : memref<2560xi32, #tpu.memory_space<vmem>>[vector<16xi32>], vector<16xi32>,
    %mul3A_1390 = arith.constant 16 : i32
    %mul3A_1391 = vector.broadcast %mul3A_1390 : i32 to vector<16xi32>
    %mul3A_1392 = arith.muli %iota3A, %mul3A_1391 : vector<16xi32>
    %add3A_1393 = arith.constant 2061 : i32
    %add3A_1394 = vector.broadcast %add3A_1393 : i32 to vector<16xi32>
    %add3A_1395 = arith.addi %mul3A_1392, %add3A_1394 : vector<16xi32>
    %add3A_1396 = arith.constant 1300000 : i32
    %add3A_1397 = vector.broadcast %add3A_1396 : i32 to vector<16xi32>
    %add3A_1398 = arith.addi %get3A_1272, %add3A_1397 : vector<16xi32>
    tpu.vector_store_idx %arg6[%add3A_1395], %add3A_1398 : memref<2560xi32, #tpu.memory_space<vmem>>[vector<16xi32>], vector<16xi32>,
    %mul3A_1399 = arith.constant 16 : i32
    %mul3A_1400 = vector.broadcast %mul3A_1399 : i32 to vector<16xi32>
    %mul3A_1401 = arith.muli %iota3A, %mul3A_1400 : vector<16xi32>
    %add3A_1402 = arith.constant 2062 : i32
    %add3A_1403 = vector.broadcast %add3A_1402 : i32 to vector<16xi32>
    %add3A_1404 = arith.addi %mul3A_1401, %add3A_1403 : vector<16xi32>
    %add3A_1405 = arith.constant 1400000 : i32
    %add3A_1406 = vector.broadcast %add3A_1405 : i32 to vector<16xi32>
    %add3A_1407 = arith.addi %get3A_1272, %add3A_1406 : vector<16xi32>
    tpu.vector_store_idx %arg6[%add3A_1404], %add3A_1407 : memref<2560xi32, #tpu.memory_space<vmem>>[vector<16xi32>], vector<16xi32>,
    %mul3A_1408 = arith.constant 16 : i32
    %mul3A_1409 = vector.broadcast %mul3A_1408 : i32 to vector<16xi32>
    %mul3A_1410 = arith.muli %iota3A, %mul3A_1409 : vector<16xi32>
    %add3A_1411 = arith.constant 2063 : i32
    %add3A_1412 = vector.broadcast %add3A_1411 : i32 to vector<16xi32>
    %add3A_1413 = arith.addi %mul3A_1410, %add3A_1412 : vector<16xi32>
    %add3A_1414 = arith.constant 1500000 : i32
    %add3A_1415 = vector.broadcast %add3A_1414 : i32 to vector<16xi32>
    %add3A_1416 = arith.addi %get3A_1272, %add3A_1415 : vector<16xi32>
    tpu.vector_store_idx %arg6[%add3A_1413], %add3A_1416 : memref<2560xi32, #tpu.memory_space<vmem>>[vector<16xi32>], vector<16xi32>,
    %dma_start3A_1417 = arith.constant 2176 : i32
    %dma_start3A_1418 = tpu.memref_slice %arg7[%dma_start3A_1417] : memref<2560xf32, #tpu.memory_space<vmem>> -> memref<128xf32, #tpu.memory_space<vmem>>
    %dma_start3A_1419 = arith.constant 2176 : i32
    %dma_start3A_1420 = tpu.memref_slice %arg6[%dma_start3A_1419] : memref<2560xi32, #tpu.memory_space<vmem>> -> memref<128xi32, #tpu.memory_space<vmem>>
    %dma_start3A_1421 = arith.constant 0 : i32
    %dma_start3A_1422 = tpu.memref_slice %arg2[%dma_start3A_1421] : memref<1600000xf32, #tpu.memory_space<hbm>> -> memref<1600000xf32, #tpu.memory_space<hbm>>
    tpu.enqueue_indirect_dma source(%dma_start3A_1422 : memref<1600000xf32, #tpu.memory_space<hbm>>) target(%dma_start3A_1418 : memref<128xf32, #tpu.memory_space<vmem>>) offsets(%dma_start3A_1420 : memref<128xi32, #tpu.memory_space<vmem>>) semaphore(%arg8 : memref<!tpu.dma_semaphore, #tpu.memory_space<semaphore_mem>>)
    %dma_start3A_1423 = arith.constant 2304 : i32
    %dma_start3A_1424 = tpu.memref_slice %arg7[%dma_start3A_1423] : memref<2560xf32, #tpu.memory_space<vmem>> -> memref<128xf32, #tpu.memory_space<vmem>>
    %dma_start3A_1425 = arith.constant 2304 : i32
    %dma_start3A_1426 = tpu.memref_slice %arg6[%dma_start3A_1425] : memref<2560xi32, #tpu.memory_space<vmem>> -> memref<128xi32, #tpu.memory_space<vmem>>
    %dma_start3A_1427 = arith.constant 0 : i32
    %dma_start3A_1428 = tpu.memref_slice %arg2[%dma_start3A_1427] : memref<1600000xf32, #tpu.memory_space<hbm>> -> memref<1600000xf32, #tpu.memory_space<hbm>>
    tpu.enqueue_indirect_dma source(%dma_start3A_1428 : memref<1600000xf32, #tpu.memory_space<hbm>>) target(%dma_start3A_1424 : memref<128xf32, #tpu.memory_space<vmem>>) offsets(%dma_start3A_1426 : memref<128xi32, #tpu.memory_space<vmem>>) semaphore(%arg8 : memref<!tpu.dma_semaphore, #tpu.memory_space<semaphore_mem>>)
    %get3A_1429 = arith.constant 144 : index
    %get3A_1430 = tpu.vector_load %arg5[%get3A_1429] {strides = array<i32>} : memref<160xi32, #tpu.memory_space<vmem>>, vector<16xi32>,
    %mul3A_1431 = arith.constant 16 : i32
    %mul3A_1432 = vector.broadcast %mul3A_1431 : i32 to vector<16xi32>
    %mul3A_1433 = arith.muli %iota3A, %mul3A_1432 : vector<16xi32>
    %add3A_1434 = arith.constant 2304 : i32
    %add3A_1435 = vector.broadcast %add3A_1434 : i32 to vector<16xi32>
    %add3A_1436 = arith.addi %mul3A_1433, %add3A_1435 : vector<16xi32>
    %add3A_1437 = arith.constant 0 : i32
    %add3A_1438 = vector.broadcast %add3A_1437 : i32 to vector<16xi32>
    %add3A_1439 = arith.addi %get3A_1430, %add3A_1438 : vector<16xi32>
    tpu.vector_store_idx %arg6[%add3A_1436], %add3A_1439 : memref<2560xi32, #tpu.memory_space<vmem>>[vector<16xi32>], vector<16xi32>,
    %mul3A_1440 = arith.constant 16 : i32
    %mul3A_1441 = vector.broadcast %mul3A_1440 : i32 to vector<16xi32>
    %mul3A_1442 = arith.muli %iota3A, %mul3A_1441 : vector<16xi32>
    %add3A_1443 = arith.constant 2305 : i32
    %add3A_1444 = vector.broadcast %add3A_1443 : i32 to vector<16xi32>
    %add3A_1445 = arith.addi %mul3A_1442, %add3A_1444 : vector<16xi32>
    %add3A_1446 = arith.constant 100000 : i32
    %add3A_1447 = vector.broadcast %add3A_1446 : i32 to vector<16xi32>
    %add3A_1448 = arith.addi %get3A_1430, %add3A_1447 : vector<16xi32>
    tpu.vector_store_idx %arg6[%add3A_1445], %add3A_1448 : memref<2560xi32, #tpu.memory_space<vmem>>[vector<16xi32>], vector<16xi32>,
    %mul3A_1449 = arith.constant 16 : i32
    %mul3A_1450 = vector.broadcast %mul3A_1449 : i32 to vector<16xi32>
    %mul3A_1451 = arith.muli %iota3A, %mul3A_1450 : vector<16xi32>
    %add3A_1452 = arith.constant 2306 : i32
    %add3A_1453 = vector.broadcast %add3A_1452 : i32 to vector<16xi32>
    %add3A_1454 = arith.addi %mul3A_1451, %add3A_1453 : vector<16xi32>
    %add3A_1455 = arith.constant 200000 : i32
    %add3A_1456 = vector.broadcast %add3A_1455 : i32 to vector<16xi32>
    %add3A_1457 = arith.addi %get3A_1430, %add3A_1456 : vector<16xi32>
    tpu.vector_store_idx %arg6[%add3A_1454], %add3A_1457 : memref<2560xi32, #tpu.memory_space<vmem>>[vector<16xi32>], vector<16xi32>,
    %mul3A_1458 = arith.constant 16 : i32
    %mul3A_1459 = vector.broadcast %mul3A_1458 : i32 to vector<16xi32>
    %mul3A_1460 = arith.muli %iota3A, %mul3A_1459 : vector<16xi32>
    %add3A_1461 = arith.constant 2307 : i32
    %add3A_1462 = vector.broadcast %add3A_1461 : i32 to vector<16xi32>
    %add3A_1463 = arith.addi %mul3A_1460, %add3A_1462 : vector<16xi32>
    %add3A_1464 = arith.constant 300000 : i32
    %add3A_1465 = vector.broadcast %add3A_1464 : i32 to vector<16xi32>
    %add3A_1466 = arith.addi %get3A_1430, %add3A_1465 : vector<16xi32>
    tpu.vector_store_idx %arg6[%add3A_1463], %add3A_1466 : memref<2560xi32, #tpu.memory_space<vmem>>[vector<16xi32>], vector<16xi32>,
    %mul3A_1467 = arith.constant 16 : i32
    %mul3A_1468 = vector.broadcast %mul3A_1467 : i32 to vector<16xi32>
    %mul3A_1469 = arith.muli %iota3A, %mul3A_1468 : vector<16xi32>
    %add3A_1470 = arith.constant 2308 : i32
    %add3A_1471 = vector.broadcast %add3A_1470 : i32 to vector<16xi32>
    %add3A_1472 = arith.addi %mul3A_1469, %add3A_1471 : vector<16xi32>
    %add3A_1473 = arith.constant 400000 : i32
    %add3A_1474 = vector.broadcast %add3A_1473 : i32 to vector<16xi32>
    %add3A_1475 = arith.addi %get3A_1430, %add3A_1474 : vector<16xi32>
    tpu.vector_store_idx %arg6[%add3A_1472], %add3A_1475 : memref<2560xi32, #tpu.memory_space<vmem>>[vector<16xi32>], vector<16xi32>,
    %mul3A_1476 = arith.constant 16 : i32
    %mul3A_1477 = vector.broadcast %mul3A_1476 : i32 to vector<16xi32>
    %mul3A_1478 = arith.muli %iota3A, %mul3A_1477 : vector<16xi32>
    %add3A_1479 = arith.constant 2309 : i32
    %add3A_1480 = vector.broadcast %add3A_1479 : i32 to vector<16xi32>
    %add3A_1481 = arith.addi %mul3A_1478, %add3A_1480 : vector<16xi32>
    %add3A_1482 = arith.constant 500000 : i32
    %add3A_1483 = vector.broadcast %add3A_1482 : i32 to vector<16xi32>
    %add3A_1484 = arith.addi %get3A_1430, %add3A_1483 : vector<16xi32>
    tpu.vector_store_idx %arg6[%add3A_1481], %add3A_1484 : memref<2560xi32, #tpu.memory_space<vmem>>[vector<16xi32>], vector<16xi32>,
    %mul3A_1485 = arith.constant 16 : i32
    %mul3A_1486 = vector.broadcast %mul3A_1485 : i32 to vector<16xi32>
    %mul3A_1487 = arith.muli %iota3A, %mul3A_1486 : vector<16xi32>
    %add3A_1488 = arith.constant 2310 : i32
    %add3A_1489 = vector.broadcast %add3A_1488 : i32 to vector<16xi32>
    %add3A_1490 = arith.addi %mul3A_1487, %add3A_1489 : vector<16xi32>
    %add3A_1491 = arith.constant 600000 : i32
    %add3A_1492 = vector.broadcast %add3A_1491 : i32 to vector<16xi32>
    %add3A_1493 = arith.addi %get3A_1430, %add3A_1492 : vector<16xi32>
    tpu.vector_store_idx %arg6[%add3A_1490], %add3A_1493 : memref<2560xi32, #tpu.memory_space<vmem>>[vector<16xi32>], vector<16xi32>,
    %mul3A_1494 = arith.constant 16 : i32
    %mul3A_1495 = vector.broadcast %mul3A_1494 : i32 to vector<16xi32>
    %mul3A_1496 = arith.muli %iota3A, %mul3A_1495 : vector<16xi32>
    %add3A_1497 = arith.constant 2311 : i32
    %add3A_1498 = vector.broadcast %add3A_1497 : i32 to vector<16xi32>
    %add3A_1499 = arith.addi %mul3A_1496, %add3A_1498 : vector<16xi32>
    %add3A_1500 = arith.constant 700000 : i32
    %add3A_1501 = vector.broadcast %add3A_1500 : i32 to vector<16xi32>
    %add3A_1502 = arith.addi %get3A_1430, %add3A_1501 : vector<16xi32>
    tpu.vector_store_idx %arg6[%add3A_1499], %add3A_1502 : memref<2560xi32, #tpu.memory_space<vmem>>[vector<16xi32>], vector<16xi32>,
    %mul3A_1503 = arith.constant 16 : i32
    %mul3A_1504 = vector.broadcast %mul3A_1503 : i32 to vector<16xi32>
    %mul3A_1505 = arith.muli %iota3A, %mul3A_1504 : vector<16xi32>
    %add3A_1506 = arith.constant 2312 : i32
    %add3A_1507 = vector.broadcast %add3A_1506 : i32 to vector<16xi32>
    %add3A_1508 = arith.addi %mul3A_1505, %add3A_1507 : vector<16xi32>
    %add3A_1509 = arith.constant 800000 : i32
    %add3A_1510 = vector.broadcast %add3A_1509 : i32 to vector<16xi32>
    %add3A_1511 = arith.addi %get3A_1430, %add3A_1510 : vector<16xi32>
    tpu.vector_store_idx %arg6[%add3A_1508], %add3A_1511 : memref<2560xi32, #tpu.memory_space<vmem>>[vector<16xi32>], vector<16xi32>,
    %mul3A_1512 = arith.constant 16 : i32
    %mul3A_1513 = vector.broadcast %mul3A_1512 : i32 to vector<16xi32>
    %mul3A_1514 = arith.muli %iota3A, %mul3A_1513 : vector<16xi32>
    %add3A_1515 = arith.constant 2313 : i32
    %add3A_1516 = vector.broadcast %add3A_1515 : i32 to vector<16xi32>
    %add3A_1517 = arith.addi %mul3A_1514, %add3A_1516 : vector<16xi32>
    %add3A_1518 = arith.constant 900000 : i32
    %add3A_1519 = vector.broadcast %add3A_1518 : i32 to vector<16xi32>
    %add3A_1520 = arith.addi %get3A_1430, %add3A_1519 : vector<16xi32>
    tpu.vector_store_idx %arg6[%add3A_1517], %add3A_1520 : memref<2560xi32, #tpu.memory_space<vmem>>[vector<16xi32>], vector<16xi32>,
    %mul3A_1521 = arith.constant 16 : i32
    %mul3A_1522 = vector.broadcast %mul3A_1521 : i32 to vector<16xi32>
    %mul3A_1523 = arith.muli %iota3A, %mul3A_1522 : vector<16xi32>
    %add3A_1524 = arith.constant 2314 : i32
    %add3A_1525 = vector.broadcast %add3A_1524 : i32 to vector<16xi32>
    %add3A_1526 = arith.addi %mul3A_1523, %add3A_1525 : vector<16xi32>
    %add3A_1527 = arith.constant 1000000 : i32
    %add3A_1528 = vector.broadcast %add3A_1527 : i32 to vector<16xi32>
    %add3A_1529 = arith.addi %get3A_1430, %add3A_1528 : vector<16xi32>
    tpu.vector_store_idx %arg6[%add3A_1526], %add3A_1529 : memref<2560xi32, #tpu.memory_space<vmem>>[vector<16xi32>], vector<16xi32>,
    %mul3A_1530 = arith.constant 16 : i32
    %mul3A_1531 = vector.broadcast %mul3A_1530 : i32 to vector<16xi32>
    %mul3A_1532 = arith.muli %iota3A, %mul3A_1531 : vector<16xi32>
    %add3A_1533 = arith.constant 2315 : i32
    %add3A_1534 = vector.broadcast %add3A_1533 : i32 to vector<16xi32>
    %add3A_1535 = arith.addi %mul3A_1532, %add3A_1534 : vector<16xi32>
    %add3A_1536 = arith.constant 1100000 : i32
    %add3A_1537 = vector.broadcast %add3A_1536 : i32 to vector<16xi32>
    %add3A_1538 = arith.addi %get3A_1430, %add3A_1537 : vector<16xi32>
    tpu.vector_store_idx %arg6[%add3A_1535], %add3A_1538 : memref<2560xi32, #tpu.memory_space<vmem>>[vector<16xi32>], vector<16xi32>,
    %mul3A_1539 = arith.constant 16 : i32
    %mul3A_1540 = vector.broadcast %mul3A_1539 : i32 to vector<16xi32>
    %mul3A_1541 = arith.muli %iota3A, %mul3A_1540 : vector<16xi32>
    %add3A_1542 = arith.constant 2316 : i32
    %add3A_1543 = vector.broadcast %add3A_1542 : i32 to vector<16xi32>
    %add3A_1544 = arith.addi %mul3A_1541, %add3A_1543 : vector<16xi32>
    %add3A_1545 = arith.constant 1200000 : i32
    %add3A_1546 = vector.broadcast %add3A_1545 : i32 to vector<16xi32>
    %add3A_1547 = arith.addi %get3A_1430, %add3A_1546 : vector<16xi32>
    tpu.vector_store_idx %arg6[%add3A_1544], %add3A_1547 : memref<2560xi32, #tpu.memory_space<vmem>>[vector<16xi32>], vector<16xi32>,
    %mul3A_1548 = arith.constant 16 : i32
    %mul3A_1549 = vector.broadcast %mul3A_1548 : i32 to vector<16xi32>
    %mul3A_1550 = arith.muli %iota3A, %mul3A_1549 : vector<16xi32>
    %add3A_1551 = arith.constant 2317 : i32
    %add3A_1552 = vector.broadcast %add3A_1551 : i32 to vector<16xi32>
    %add3A_1553 = arith.addi %mul3A_1550, %add3A_1552 : vector<16xi32>
    %add3A_1554 = arith.constant 1300000 : i32
    %add3A_1555 = vector.broadcast %add3A_1554 : i32 to vector<16xi32>
    %add3A_1556 = arith.addi %get3A_1430, %add3A_1555 : vector<16xi32>
    tpu.vector_store_idx %arg6[%add3A_1553], %add3A_1556 : memref<2560xi32, #tpu.memory_space<vmem>>[vector<16xi32>], vector<16xi32>,
    %mul3A_1557 = arith.constant 16 : i32
    %mul3A_1558 = vector.broadcast %mul3A_1557 : i32 to vector<16xi32>
    %mul3A_1559 = arith.muli %iota3A, %mul3A_1558 : vector<16xi32>
    %add3A_1560 = arith.constant 2318 : i32
    %add3A_1561 = vector.broadcast %add3A_1560 : i32 to vector<16xi32>
    %add3A_1562 = arith.addi %mul3A_1559, %add3A_1561 : vector<16xi32>
    %add3A_1563 = arith.constant 1400000 : i32
    %add3A_1564 = vector.broadcast %add3A_1563 : i32 to vector<16xi32>
    %add3A_1565 = arith.addi %get3A_1430, %add3A_1564 : vector<16xi32>
    tpu.vector_store_idx %arg6[%add3A_1562], %add3A_1565 : memref<2560xi32, #tpu.memory_space<vmem>>[vector<16xi32>], vector<16xi32>,
    %mul3A_1566 = arith.constant 16 : i32
    %mul3A_1567 = vector.broadcast %mul3A_1566 : i32 to vector<16xi32>
    %mul3A_1568 = arith.muli %iota3A, %mul3A_1567 : vector<16xi32>
    %add3A_1569 = arith.constant 2319 : i32
    %add3A_1570 = vector.broadcast %add3A_1569 : i32 to vector<16xi32>
    %add3A_1571 = arith.addi %mul3A_1568, %add3A_1570 : vector<16xi32>
    %add3A_1572 = arith.constant 1500000 : i32
    %add3A_1573 = vector.broadcast %add3A_1572 : i32 to vector<16xi32>
    %add3A_1574 = arith.addi %get3A_1430, %add3A_1573 : vector<16xi32>
    tpu.vector_store_idx %arg6[%add3A_1571], %add3A_1574 : memref<2560xi32, #tpu.memory_space<vmem>>[vector<16xi32>], vector<16xi32>,
    %dma_start3A_1575 = arith.constant 2432 : i32
    %dma_start3A_1576 = tpu.memref_slice %arg7[%dma_start3A_1575] : memref<2560xf32, #tpu.memory_space<vmem>> -> memref<128xf32, #tpu.memory_space<vmem>>
    %dma_start3A_1577 = arith.constant 2432 : i32
    %dma_start3A_1578 = tpu.memref_slice %arg6[%dma_start3A_1577] : memref<2560xi32, #tpu.memory_space<vmem>> -> memref<128xi32, #tpu.memory_space<vmem>>
    %dma_start3A_1579 = arith.constant 0 : i32
    %dma_start3A_1580 = tpu.memref_slice %arg2[%dma_start3A_1579] : memref<1600000xf32, #tpu.memory_space<hbm>> -> memref<1600000xf32, #tpu.memory_space<hbm>>
    tpu.enqueue_indirect_dma source(%dma_start3A_1580 : memref<1600000xf32, #tpu.memory_space<hbm>>) target(%dma_start3A_1576 : memref<128xf32, #tpu.memory_space<vmem>>) offsets(%dma_start3A_1578 : memref<128xi32, #tpu.memory_space<vmem>>) semaphore(%arg8 : memref<!tpu.dma_semaphore, #tpu.memory_space<semaphore_mem>>)
    %dma_wait3A = arith.constant 0 : i32
    %dma_wait3A_1581 = tpu.memref_slice %arg7[%dma_wait3A] : memref<2560xf32, #tpu.memory_space<vmem>> -> memref<128xf32, #tpu.memory_space<vmem>>
    %dma_wait3A_1582 = arith.constant 0 : i32
    %dma_wait3A_1583 = tpu.memref_slice %arg6[%dma_wait3A_1582] : memref<2560xi32, #tpu.memory_space<vmem>> -> memref<128xi32, #tpu.memory_space<vmem>>
    %dma_wait3A_1584 = arith.constant 0 : i32
    %dma_wait3A_1585 = tpu.memref_slice %arg2[%dma_wait3A_1584] : memref<1600000xf32, #tpu.memory_space<hbm>> -> memref<1600000xf32, #tpu.memory_space<hbm>>
    tpu.wait_indirect_dma semaphore(%arg8 : memref<!tpu.dma_semaphore, #tpu.memory_space<semaphore_mem>>) src(%dma_wait3A_1585 : memref<1600000xf32, #tpu.memory_space<hbm>>) dst(%dma_wait3A_1581 : memref<128xf32, #tpu.memory_space<vmem>>)
    %dma_wait3A_1586 = arith.constant 128 : i32
    %dma_wait3A_1587 = tpu.memref_slice %arg7[%dma_wait3A_1586] : memref<2560xf32, #tpu.memory_space<vmem>> -> memref<128xf32, #tpu.memory_space<vmem>>
    %dma_wait3A_1588 = arith.constant 128 : i32
    %dma_wait3A_1589 = tpu.memref_slice %arg6[%dma_wait3A_1588] : memref<2560xi32, #tpu.memory_space<vmem>> -> memref<128xi32, #tpu.memory_space<vmem>>
    %dma_wait3A_1590 = arith.constant 0 : i32
    %dma_wait3A_1591 = tpu.memref_slice %arg2[%dma_wait3A_1590] : memref<1600000xf32, #tpu.memory_space<hbm>> -> memref<1600000xf32, #tpu.memory_space<hbm>>
    tpu.wait_indirect_dma semaphore(%arg8 : memref<!tpu.dma_semaphore, #tpu.memory_space<semaphore_mem>>) src(%dma_wait3A_1591 : memref<1600000xf32, #tpu.memory_space<hbm>>) dst(%dma_wait3A_1587 : memref<128xf32, #tpu.memory_space<vmem>>)
    %dma_wait3A_1592 = arith.constant 256 : i32
    %dma_wait3A_1593 = tpu.memref_slice %arg7[%dma_wait3A_1592] : memref<2560xf32, #tpu.memory_space<vmem>> -> memref<128xf32, #tpu.memory_space<vmem>>
    %dma_wait3A_1594 = arith.constant 256 : i32
    %dma_wait3A_1595 = tpu.memref_slice %arg6[%dma_wait3A_1594] : memref<2560xi32, #tpu.memory_space<vmem>> -> memref<128xi32, #tpu.memory_space<vmem>>
    %dma_wait3A_1596 = arith.constant 0 : i32
    %dma_wait3A_1597 = tpu.memref_slice %arg2[%dma_wait3A_1596] : memref<1600000xf32, #tpu.memory_space<hbm>> -> memref<1600000xf32, #tpu.memory_space<hbm>>
    tpu.wait_indirect_dma semaphore(%arg8 : memref<!tpu.dma_semaphore, #tpu.memory_space<semaphore_mem>>) src(%dma_wait3A_1597 : memref<1600000xf32, #tpu.memory_space<hbm>>) dst(%dma_wait3A_1593 : memref<128xf32, #tpu.memory_space<vmem>>)
    %dma_wait3A_1598 = arith.constant 384 : i32
    %dma_wait3A_1599 = tpu.memref_slice %arg7[%dma_wait3A_1598] : memref<2560xf32, #tpu.memory_space<vmem>> -> memref<128xf32, #tpu.memory_space<vmem>>
    %dma_wait3A_1600 = arith.constant 384 : i32
    %dma_wait3A_1601 = tpu.memref_slice %arg6[%dma_wait3A_1600] : memref<2560xi32, #tpu.memory_space<vmem>> -> memref<128xi32, #tpu.memory_space<vmem>>
    %dma_wait3A_1602 = arith.constant 0 : i32
    %dma_wait3A_1603 = tpu.memref_slice %arg2[%dma_wait3A_1602] : memref<1600000xf32, #tpu.memory_space<hbm>> -> memref<1600000xf32, #tpu.memory_space<hbm>>
    tpu.wait_indirect_dma semaphore(%arg8 : memref<!tpu.dma_semaphore, #tpu.memory_space<semaphore_mem>>) src(%dma_wait3A_1603 : memref<1600000xf32, #tpu.memory_space<hbm>>) dst(%dma_wait3A_1599 : memref<128xf32, #tpu.memory_space<vmem>>)
    %dma_wait3A_1604 = arith.constant 512 : i32
    %dma_wait3A_1605 = tpu.memref_slice %arg7[%dma_wait3A_1604] : memref<2560xf32, #tpu.memory_space<vmem>> -> memref<128xf32, #tpu.memory_space<vmem>>
    %dma_wait3A_1606 = arith.constant 512 : i32
    %dma_wait3A_1607 = tpu.memref_slice %arg6[%dma_wait3A_1606] : memref<2560xi32, #tpu.memory_space<vmem>> -> memref<128xi32, #tpu.memory_space<vmem>>
    %dma_wait3A_1608 = arith.constant 0 : i32
    %dma_wait3A_1609 = tpu.memref_slice %arg2[%dma_wait3A_1608] : memref<1600000xf32, #tpu.memory_space<hbm>> -> memref<1600000xf32, #tpu.memory_space<hbm>>
    tpu.wait_indirect_dma semaphore(%arg8 : memref<!tpu.dma_semaphore, #tpu.memory_space<semaphore_mem>>) src(%dma_wait3A_1609 : memref<1600000xf32, #tpu.memory_space<hbm>>) dst(%dma_wait3A_1605 : memref<128xf32, #tpu.memory_space<vmem>>)
    %dma_wait3A_1610 = arith.constant 640 : i32
    %dma_wait3A_1611 = tpu.memref_slice %arg7[%dma_wait3A_1610] : memref<2560xf32, #tpu.memory_space<vmem>> -> memref<128xf32, #tpu.memory_space<vmem>>
    %dma_wait3A_1612 = arith.constant 640 : i32
    %dma_wait3A_1613 = tpu.memref_slice %arg6[%dma_wait3A_1612] : memref<2560xi32, #tpu.memory_space<vmem>> -> memref<128xi32, #tpu.memory_space<vmem>>
    %dma_wait3A_1614 = arith.constant 0 : i32
    %dma_wait3A_1615 = tpu.memref_slice %arg2[%dma_wait3A_1614] : memref<1600000xf32, #tpu.memory_space<hbm>> -> memref<1600000xf32, #tpu.memory_space<hbm>>
    tpu.wait_indirect_dma semaphore(%arg8 : memref<!tpu.dma_semaphore, #tpu.memory_space<semaphore_mem>>) src(%dma_wait3A_1615 : memref<1600000xf32, #tpu.memory_space<hbm>>) dst(%dma_wait3A_1611 : memref<128xf32, #tpu.memory_space<vmem>>)
    %dma_wait3A_1616 = arith.constant 768 : i32
    %dma_wait3A_1617 = tpu.memref_slice %arg7[%dma_wait3A_1616] : memref<2560xf32, #tpu.memory_space<vmem>> -> memref<128xf32, #tpu.memory_space<vmem>>
    %dma_wait3A_1618 = arith.constant 768 : i32
    %dma_wait3A_1619 = tpu.memref_slice %arg6[%dma_wait3A_1618] : memref<2560xi32, #tpu.memory_space<vmem>> -> memref<128xi32, #tpu.memory_space<vmem>>
    %dma_wait3A_1620 = arith.constant 0 : i32
    %dma_wait3A_1621 = tpu.memref_slice %arg2[%dma_wait3A_1620] : memref<1600000xf32, #tpu.memory_space<hbm>> -> memref<1600000xf32, #tpu.memory_space<hbm>>
    tpu.wait_indirect_dma semaphore(%arg8 : memref<!tpu.dma_semaphore, #tpu.memory_space<semaphore_mem>>) src(%dma_wait3A_1621 : memref<1600000xf32, #tpu.memory_space<hbm>>) dst(%dma_wait3A_1617 : memref<128xf32, #tpu.memory_space<vmem>>)
    %dma_wait3A_1622 = arith.constant 896 : i32
    %dma_wait3A_1623 = tpu.memref_slice %arg7[%dma_wait3A_1622] : memref<2560xf32, #tpu.memory_space<vmem>> -> memref<128xf32, #tpu.memory_space<vmem>>
    %dma_wait3A_1624 = arith.constant 896 : i32
    %dma_wait3A_1625 = tpu.memref_slice %arg6[%dma_wait3A_1624] : memref<2560xi32, #tpu.memory_space<vmem>> -> memref<128xi32, #tpu.memory_space<vmem>>
    %dma_wait3A_1626 = arith.constant 0 : i32
    %dma_wait3A_1627 = tpu.memref_slice %arg2[%dma_wait3A_1626] : memref<1600000xf32, #tpu.memory_space<hbm>> -> memref<1600000xf32, #tpu.memory_space<hbm>>
    tpu.wait_indirect_dma semaphore(%arg8 : memref<!tpu.dma_semaphore, #tpu.memory_space<semaphore_mem>>) src(%dma_wait3A_1627 : memref<1600000xf32, #tpu.memory_space<hbm>>) dst(%dma_wait3A_1623 : memref<128xf32, #tpu.memory_space<vmem>>)
    %dma_wait3A_1628 = arith.constant 1024 : i32
    %dma_wait3A_1629 = tpu.memref_slice %arg7[%dma_wait3A_1628] : memref<2560xf32, #tpu.memory_space<vmem>> -> memref<128xf32, #tpu.memory_space<vmem>>
    %dma_wait3A_1630 = arith.constant 1024 : i32
    %dma_wait3A_1631 = tpu.memref_slice %arg6[%dma_wait3A_1630] : memref<2560xi32, #tpu.memory_space<vmem>> -> memref<128xi32, #tpu.memory_space<vmem>>
    %dma_wait3A_1632 = arith.constant 0 : i32
    %dma_wait3A_1633 = tpu.memref_slice %arg2[%dma_wait3A_1632] : memref<1600000xf32, #tpu.memory_space<hbm>> -> memref<1600000xf32, #tpu.memory_space<hbm>>
    tpu.wait_indirect_dma semaphore(%arg8 : memref<!tpu.dma_semaphore, #tpu.memory_space<semaphore_mem>>) src(%dma_wait3A_1633 : memref<1600000xf32, #tpu.memory_space<hbm>>) dst(%dma_wait3A_1629 : memref<128xf32, #tpu.memory_space<vmem>>)
    %dma_wait3A_1634 = arith.constant 1152 : i32
    %dma_wait3A_1635 = tpu.memref_slice %arg7[%dma_wait3A_1634] : memref<2560xf32, #tpu.memory_space<vmem>> -> memref<128xf32, #tpu.memory_space<vmem>>
    %dma_wait3A_1636 = arith.constant 1152 : i32
    %dma_wait3A_1637 = tpu.memref_slice %arg6[%dma_wait3A_1636] : memref<2560xi32, #tpu.memory_space<vmem>> -> memref<128xi32, #tpu.memory_space<vmem>>
    %dma_wait3A_1638 = arith.constant 0 : i32
    %dma_wait3A_1639 = tpu.memref_slice %arg2[%dma_wait3A_1638] : memref<1600000xf32, #tpu.memory_space<hbm>> -> memref<1600000xf32, #tpu.memory_space<hbm>>
    tpu.wait_indirect_dma semaphore(%arg8 : memref<!tpu.dma_semaphore, #tpu.memory_space<semaphore_mem>>) src(%dma_wait3A_1639 : memref<1600000xf32, #tpu.memory_space<hbm>>) dst(%dma_wait3A_1635 : memref<128xf32, #tpu.memory_space<vmem>>)
    %dma_wait3A_1640 = arith.constant 1280 : i32
    %dma_wait3A_1641 = tpu.memref_slice %arg7[%dma_wait3A_1640] : memref<2560xf32, #tpu.memory_space<vmem>> -> memref<128xf32, #tpu.memory_space<vmem>>
    %dma_wait3A_1642 = arith.constant 1280 : i32
    %dma_wait3A_1643 = tpu.memref_slice %arg6[%dma_wait3A_1642] : memref<2560xi32, #tpu.memory_space<vmem>> -> memref<128xi32, #tpu.memory_space<vmem>>
    %dma_wait3A_1644 = arith.constant 0 : i32
    %dma_wait3A_1645 = tpu.memref_slice %arg2[%dma_wait3A_1644] : memref<1600000xf32, #tpu.memory_space<hbm>> -> memref<1600000xf32, #tpu.memory_space<hbm>>
    tpu.wait_indirect_dma semaphore(%arg8 : memref<!tpu.dma_semaphore, #tpu.memory_space<semaphore_mem>>) src(%dma_wait3A_1645 : memref<1600000xf32, #tpu.memory_space<hbm>>) dst(%dma_wait3A_1641 : memref<128xf32, #tpu.memory_space<vmem>>)
    %dma_wait3A_1646 = arith.constant 1408 : i32
    %dma_wait3A_1647 = tpu.memref_slice %arg7[%dma_wait3A_1646] : memref<2560xf32, #tpu.memory_space<vmem>> -> memref<128xf32, #tpu.memory_space<vmem>>
    %dma_wait3A_1648 = arith.constant 1408 : i32
    %dma_wait3A_1649 = tpu.memref_slice %arg6[%dma_wait3A_1648] : memref<2560xi32, #tpu.memory_space<vmem>> -> memref<128xi32, #tpu.memory_space<vmem>>
    %dma_wait3A_1650 = arith.constant 0 : i32
    %dma_wait3A_1651 = tpu.memref_slice %arg2[%dma_wait3A_1650] : memref<1600000xf32, #tpu.memory_space<hbm>> -> memref<1600000xf32, #tpu.memory_space<hbm>>
    tpu.wait_indirect_dma semaphore(%arg8 : memref<!tpu.dma_semaphore, #tpu.memory_space<semaphore_mem>>) src(%dma_wait3A_1651 : memref<1600000xf32, #tpu.memory_space<hbm>>) dst(%dma_wait3A_1647 : memref<128xf32, #tpu.memory_space<vmem>>)
    %dma_wait3A_1652 = arith.constant 1536 : i32
    %dma_wait3A_1653 = tpu.memref_slice %arg7[%dma_wait3A_1652] : memref<2560xf32, #tpu.memory_space<vmem>> -> memref<128xf32, #tpu.memory_space<vmem>>
    %dma_wait3A_1654 = arith.constant 1536 : i32
    %dma_wait3A_1655 = tpu.memref_slice %arg6[%dma_wait3A_1654] : memref<2560xi32, #tpu.memory_space<vmem>> -> memref<128xi32, #tpu.memory_space<vmem>>
    %dma_wait3A_1656 = arith.constant 0 : i32
    %dma_wait3A_1657 = tpu.memref_slice %arg2[%dma_wait3A_1656] : memref<1600000xf32, #tpu.memory_space<hbm>> -> memref<1600000xf32, #tpu.memory_space<hbm>>
    tpu.wait_indirect_dma semaphore(%arg8 : memref<!tpu.dma_semaphore, #tpu.memory_space<semaphore_mem>>) src(%dma_wait3A_1657 : memref<1600000xf32, #tpu.memory_space<hbm>>) dst(%dma_wait3A_1653 : memref<128xf32, #tpu.memory_space<vmem>>)
    %dma_wait3A_1658 = arith.constant 1664 : i32
    %dma_wait3A_1659 = tpu.memref_slice %arg7[%dma_wait3A_1658] : memref<2560xf32, #tpu.memory_space<vmem>> -> memref<128xf32, #tpu.memory_space<vmem>>
    %dma_wait3A_1660 = arith.constant 1664 : i32
    %dma_wait3A_1661 = tpu.memref_slice %arg6[%dma_wait3A_1660] : memref<2560xi32, #tpu.memory_space<vmem>> -> memref<128xi32, #tpu.memory_space<vmem>>
    %dma_wait3A_1662 = arith.constant 0 : i32
    %dma_wait3A_1663 = tpu.memref_slice %arg2[%dma_wait3A_1662] : memref<1600000xf32, #tpu.memory_space<hbm>> -> memref<1600000xf32, #tpu.memory_space<hbm>>
    tpu.wait_indirect_dma semaphore(%arg8 : memref<!tpu.dma_semaphore, #tpu.memory_space<semaphore_mem>>) src(%dma_wait3A_1663 : memref<1600000xf32, #tpu.memory_space<hbm>>) dst(%dma_wait3A_1659 : memref<128xf32, #tpu.memory_space<vmem>>)
    %dma_wait3A_1664 = arith.constant 1792 : i32
    %dma_wait3A_1665 = tpu.memref_slice %arg7[%dma_wait3A_1664] : memref<2560xf32, #tpu.memory_space<vmem>> -> memref<128xf32, #tpu.memory_space<vmem>>
    %dma_wait3A_1666 = arith.constant 1792 : i32
    %dma_wait3A_1667 = tpu.memref_slice %arg6[%dma_wait3A_1666] : memref<2560xi32, #tpu.memory_space<vmem>> -> memref<128xi32, #tpu.memory_space<vmem>>
    %dma_wait3A_1668 = arith.constant 0 : i32
    %dma_wait3A_1669 = tpu.memref_slice %arg2[%dma_wait3A_1668] : memref<1600000xf32, #tpu.memory_space<hbm>> -> memref<1600000xf32, #tpu.memory_space<hbm>>
    tpu.wait_indirect_dma semaphore(%arg8 : memref<!tpu.dma_semaphore, #tpu.memory_space<semaphore_mem>>) src(%dma_wait3A_1669 : memref<1600000xf32, #tpu.memory_space<hbm>>) dst(%dma_wait3A_1665 : memref<128xf32, #tpu.memory_space<vmem>>)
    %dma_wait3A_1670 = arith.constant 1920 : i32
    %dma_wait3A_1671 = tpu.memref_slice %arg7[%dma_wait3A_1670] : memref<2560xf32, #tpu.memory_space<vmem>> -> memref<128xf32, #tpu.memory_space<vmem>>
    %dma_wait3A_1672 = arith.constant 1920 : i32
    %dma_wait3A_1673 = tpu.memref_slice %arg6[%dma_wait3A_1672] : memref<2560xi32, #tpu.memory_space<vmem>> -> memref<128xi32, #tpu.memory_space<vmem>>
    %dma_wait3A_1674 = arith.constant 0 : i32
    %dma_wait3A_1675 = tpu.memref_slice %arg2[%dma_wait3A_1674] : memref<1600000xf32, #tpu.memory_space<hbm>> -> memref<1600000xf32, #tpu.memory_space<hbm>>
    tpu.wait_indirect_dma semaphore(%arg8 : memref<!tpu.dma_semaphore, #tpu.memory_space<semaphore_mem>>) src(%dma_wait3A_1675 : memref<1600000xf32, #tpu.memory_space<hbm>>) dst(%dma_wait3A_1671 : memref<128xf32, #tpu.memory_space<vmem>>)
    %dma_wait3A_1676 = arith.constant 2048 : i32
    %dma_wait3A_1677 = tpu.memref_slice %arg7[%dma_wait3A_1676] : memref<2560xf32, #tpu.memory_space<vmem>> -> memref<128xf32, #tpu.memory_space<vmem>>
    %dma_wait3A_1678 = arith.constant 2048 : i32
    %dma_wait3A_1679 = tpu.memref_slice %arg6[%dma_wait3A_1678] : memref<2560xi32, #tpu.memory_space<vmem>> -> memref<128xi32, #tpu.memory_space<vmem>>
    %dma_wait3A_1680 = arith.constant 0 : i32
    %dma_wait3A_1681 = tpu.memref_slice %arg2[%dma_wait3A_1680] : memref<1600000xf32, #tpu.memory_space<hbm>> -> memref<1600000xf32, #tpu.memory_space<hbm>>
    tpu.wait_indirect_dma semaphore(%arg8 : memref<!tpu.dma_semaphore, #tpu.memory_space<semaphore_mem>>) src(%dma_wait3A_1681 : memref<1600000xf32, #tpu.memory_space<hbm>>) dst(%dma_wait3A_1677 : memref<128xf32, #tpu.memory_space<vmem>>)
    %dma_wait3A_1682 = arith.constant 2176 : i32
    %dma_wait3A_1683 = tpu.memref_slice %arg7[%dma_wait3A_1682] : memref<2560xf32, #tpu.memory_space<vmem>> -> memref<128xf32, #tpu.memory_space<vmem>>
    %dma_wait3A_1684 = arith.constant 2176 : i32
    %dma_wait3A_1685 = tpu.memref_slice %arg6[%dma_wait3A_1684] : memref<2560xi32, #tpu.memory_space<vmem>> -> memref<128xi32, #tpu.memory_space<vmem>>
    %dma_wait3A_1686 = arith.constant 0 : i32
    %dma_wait3A_1687 = tpu.memref_slice %arg2[%dma_wait3A_1686] : memref<1600000xf32, #tpu.memory_space<hbm>> -> memref<1600000xf32, #tpu.memory_space<hbm>>
    tpu.wait_indirect_dma semaphore(%arg8 : memref<!tpu.dma_semaphore, #tpu.memory_space<semaphore_mem>>) src(%dma_wait3A_1687 : memref<1600000xf32, #tpu.memory_space<hbm>>) dst(%dma_wait3A_1683 : memref<128xf32, #tpu.memory_space<vmem>>)
    %dma_wait3A_1688 = arith.constant 2304 : i32
    %dma_wait3A_1689 = tpu.memref_slice %arg7[%dma_wait3A_1688] : memref<2560xf32, #tpu.memory_space<vmem>> -> memref<128xf32, #tpu.memory_space<vmem>>
    %dma_wait3A_1690 = arith.constant 2304 : i32
    %dma_wait3A_1691 = tpu.memref_slice %arg6[%dma_wait3A_1690] : memref<2560xi32, #tpu.memory_space<vmem>> -> memref<128xi32, #tpu.memory_space<vmem>>
    %dma_wait3A_1692 = arith.constant 0 : i32
    %dma_wait3A_1693 = tpu.memref_slice %arg2[%dma_wait3A_1692] : memref<1600000xf32, #tpu.memory_space<hbm>> -> memref<1600000xf32, #tpu.memory_space<hbm>>
    tpu.wait_indirect_dma semaphore(%arg8 : memref<!tpu.dma_semaphore, #tpu.memory_space<semaphore_mem>>) src(%dma_wait3A_1693 : memref<1600000xf32, #tpu.memory_space<hbm>>) dst(%dma_wait3A_1689 : memref<128xf32, #tpu.memory_space<vmem>>)
    %dma_wait3A_1694 = arith.constant 2432 : i32
    %dma_wait3A_1695 = tpu.memref_slice %arg7[%dma_wait3A_1694] : memref<2560xf32, #tpu.memory_space<vmem>> -> memref<128xf32, #tpu.memory_space<vmem>>
    %dma_wait3A_1696 = arith.constant 2432 : i32
    %dma_wait3A_1697 = tpu.memref_slice %arg6[%dma_wait3A_1696] : memref<2560xi32, #tpu.memory_space<vmem>> -> memref<128xi32, #tpu.memory_space<vmem>>
    %dma_wait3A_1698 = arith.constant 0 : i32
    %dma_wait3A_1699 = tpu.memref_slice %arg2[%dma_wait3A_1698] : memref<1600000xf32, #tpu.memory_space<hbm>> -> memref<1600000xf32, #tpu.memory_space<hbm>>
    tpu.wait_indirect_dma semaphore(%arg8 : memref<!tpu.dma_semaphore, #tpu.memory_space<semaphore_mem>>) src(%dma_wait3A_1699 : memref<1600000xf32, #tpu.memory_space<hbm>>) dst(%dma_wait3A_1695 : memref<128xf32, #tpu.memory_space<vmem>>)
    %mul3A_1700 = arith.constant 16 : i32
    %mul3A_1701 = arith.muli %mul3A_2, %mul3A_1700 : i32
    "tpu.region"() ({
      %run_scoped3A = tpu.sem_alloc : memref<!tpu.dma_semaphore, #tpu.memory_space<semaphore_mem>>
      %dma_start3A_1702 = tpu.memref_slice %arg4[%mul3A_1701] : memref<81920xf32, #tpu.memory_space<hbm>> -> memref<2560xf32, #tpu.memory_space<hbm>>
      %dma_start3A_1703 = tpu.memref_slice %arg4[%mul3A_1701] : memref<81920xf32, #tpu.memory_space<hbm>> -> memref<2560xf32, #tpu.memory_space<hbm>>
      tpu.enqueue_dma source(%arg7 : memref<2560xf32, #tpu.memory_space<vmem>>) target(%dma_start3A_1703 : memref<2560xf32, #tpu.memory_space<hbm>>) target_semaphore(%run_scoped3A : memref<!tpu.dma_semaphore, #tpu.memory_space<semaphore_mem>>)
      %dma_wait3A_1704 = tpu.memref_slice %arg4[%mul3A_1701] : memref<81920xf32, #tpu.memory_space<hbm>> -> memref<2560xf32, #tpu.memory_space<hbm>>
      %dma_wait3A_1705 = tpu.memref_slice %arg4[%mul3A_1701] : memref<81920xf32, #tpu.memory_space<hbm>> -> memref<2560xf32, #tpu.memory_space<hbm>>
      tpu.wait_dma2 semaphore(%run_scoped3A : memref<!tpu.dma_semaphore, #tpu.memory_space<semaphore_mem>>) src(%arg7 : memref<2560xf32, #tpu.memory_space<vmem>>) dst(%dma_wait3A_1705 : memref<2560xf32, #tpu.memory_space<hbm>>)
      tpu.yield
    }) : () -> ()
    return
  }
}

module attributes {stable_mosaic.version = 14 : i64} {
  func.func @body(%arg0: i32, %arg1: memref<80x6144xf32, #tpu.memory_space<vmem>>, %arg2: memref<1024x81xf32, #tpu.memory_space<vmem>>, %arg3: memref<1x6144xf32, #tpu.memory_space<vmem>>, %arg4: memref<6144x1024xf32, #tpu.memory_space<vmem>>) attributes {dimension_semantics = [#tpu.dimension_semantics<parallel>], iteration_bounds = array<i64: 17>, scalar_prefetch = 0 : i64, scratch_operands = 0 : i64, tpu.core_type = #tpu.core_type<tc>, window_params = [{transform_indices = @transform_0, window_bounds = array<i64: 80, 6144>}, {pipeline_mode = #tpu.pipeline_mode<synchronous>, transform_indices = @transform_1, window_bounds = array<i64: 1024, 81>}, {transform_indices = @transform_2, window_bounds = array<i64: 1, 6144>}, {transform_indices = @transform_3, window_bounds = array<i64: 6144, 1024>}]} {
    %get3A = arith.constant 0 : index
    %get3A_0 = arith.constant 0 : index
    %get3A_1 = vector.load %arg1[%get3A, %get3A_0] : memref<80x6144xf32, #tpu.memory_space<vmem>>, vector<80x6144xf32>
    %get3A_2 = arith.constant 0 : index
    %get3A_3 = arith.constant 0 : index
    %get3A_4 = vector.load %arg3[%get3A_2, %get3A_3] : memref<1x6144xf32, #tpu.memory_space<vmem>>, vector<1x6144xf32>
    %concatenate3A = tpu.concatenate %get3A_1, %get3A_4 in 0 : vector<80x6144xf32>, vector<1x6144xf32> -> vector<81x6144xf32>
    %get3A_5 = arith.constant 0 : index
    %get3A_6 = arith.constant 0 : index
    %get3A_7 = vector.load %arg2[%get3A_5, %get3A_6] : memref<1024x81xf32, #tpu.memory_space<vmem>>, vector<1024x81xf32>
    %dot_general3A = arith.constant dense<0.000000e+00> : vector<6144x1024xf32>
    %dot_general3A_8 = tpu.matmul %concatenate3A, %get3A_7, %dot_general3A {dimension_numbers = #tpu.dot_dimension_numbers<[0], [1], [1], [0], [0, 1, 1, 0], [], []>, transpose_lhs_hint = false} : vector<81x6144xf32>, vector<1024x81xf32>, vector<6144x1024xf32> -> vector<6144x1024xf32>
    %swap3A = arith.constant 0 : index
    %swap3A_9 = arith.constant 0 : index
    %swap3A_10 = vector.load %arg4[%swap3A, %swap3A_9] : memref<6144x1024xf32, #tpu.memory_space<vmem>>, vector<6144x1024xf32>
    tpu.vector_store %arg4[%swap3A, %swap3A_9], %dot_general3A_8 {strides = array<i32>} : memref<6144x1024xf32, #tpu.memory_space<vmem>>, vector<6144x1024xf32>,
    return
  }
  func.func @transform_0(%arg0: i32) -> (i32, i32) {
    %c0_i32 = arith.constant 0 : i32
    %c0_i32_0 = arith.constant 0 : i32
    return %c0_i32, %arg0 : i32, i32
  }
  func.func @transform_1(%arg0: i32) -> (i32, i32) {
    %c0_i32 = arith.constant 0 : i32
    %c0_i32_0 = arith.constant 0 : i32
    %c0_i32_1 = arith.constant 0 : i32
    return %c0_i32, %c0_i32_0 : i32, i32
  }
  func.func @transform_2(%arg0: i32) -> (i32, i32) {
    %c0_i32 = arith.constant 0 : i32
    %c0_i32_0 = arith.constant 0 : i32
    return %c0_i32, %arg0 : i32, i32
  }
  func.func @transform_3(%arg0: i32) -> (i32, i32) {
    %c0_i32 = arith.constant 0 : i32
    %c0_i32_0 = arith.constant 0 : i32
    return %arg0, %c0_i32 : i32, i32
  }
}

</mosaic_0001>

<sc_bundles>
// kernel: kernel.4.cloned.1.call-start
scs
__scs_entry_jumppad:
0x0: {  	(pc) =	sbr.rel $0x88, $3  }
0x1: {  	(tag) =	ssettag $0x0;
	lr =	simm.s32 $0x1  }
0x2: {  	[smem:$0x3F9D] =	sst lr;
	_ =	strace $0xD0000000  }
0x3: {  	_ = 	snop  }
0x4: {  	_ = 	snop  }
0x5: {  	_ = 	snop  }
0x6: {  	_ = 	snop  }
0x7: {  	_ = 	snop  }
__scs_overlays_trampoline_lowered:
0x8: {  	[smem:$0x3FAC] =	sst s0  }
0x9: {  	[smem:$0x3FAD] =	sst s1  }
0xa: {  	[smem:$0x3FAE] =	sst s2  }
0xb: {  	[smem:$0x3FAF] =	sst s3  }
0xc: {  	[smem:$0x3FB0] =	sst s4  }
0xd: {  	[smem:$0x3FB1] =	sst s5  }
0xe: {  	[smem:$0x3FB2] =	sst s6  }
0xf: {  	[smem:$0x3FB3] =	sst s7  }
0x10: {  	[smem:$0x3FB4] =	sst s8  }
0x11: {  	[smem:$0x3FB5] =	sst s9;
	s0 =	simm.s32 @!p0 $0x0  }
0x12: {  	s1 =	sld [smem:$0x3F9B];
	s0 =	simm.s32 @p0 $0x1  }
0x13: {  	[smem:$0x3FB6] =	sst s0;
	s0 =	simm.s32 @!p1 $0x0  }
0x14: {  	s2 =	sld [smem:$0x3F9A];
	s0 =	simm.s32 @p1 $0x1  }
0x15: {  	[smem:$0x3FB7] =	sst s0;
	s0 =	simm.s32 @!p2 $0x0  }
0x16: {  	s3 =	sld [smem:$0x3FDB];
	s0 =	simm.s32 @p2 $0x1  }
0x17: {  	s4 =	simm.s32 $0x1BF5;
	[smem:$0x3FB9] =	sst s0  }
0x18: {  	s0 =	sld [smem:$0x3F9C];
	_ =	swait.ge [sflag:s4], $0x0  }
0x19: {  	s7 =	sld [smem:$0x3F9D]  }
0x1a: {  	s8 =	sadd.s32 $0xFFFFE003, lr  }
0x1b: {  	s9 =	sadd.s32 $0xFFFFFEF7, lr;
	s5 =	simm.s32 $0xFFFFFFFF;
	p2 =	slt.u32 s8, $0xFFFFF086  }
0x1c: {  	p1 =	slt.u32 s9, $0xF7A;
	s5 =	simm.s32 @!p2 $0x0  }
0x1d: {  	s5 =	simm.s32 @p1 $0x1;
	p0 =	seq.s32 s7, s2  }
0x1e: {  	s7 =	smul.u32 @!p0 $0xF7A, s2;
	p2 =	seq.s32 @!p0 s5, $0x0  }
0x1f: {  	s9 =	smul.u32 $0xF7A, s1;
	s8 =	simm.s32 @!p0 $0x1BF5;
	p2 =	por !p2, p0  }
0x20: {  	[sflag:s8] =	ssyncset.s32 @!p0 $0xFFFFF086;
	s6 =	sadd.s32 @!p0 s3, s7;
	s7 =	simm.s32 @!p0 $0x108  }
0x21: {  	s3 =	sadd.s32 s3, s9;
	s6 =	sadd.s32 @!p0 $0x88, s6;
	s7 =	simm.s32 @p2 $0x1082  }
0x22: {  	[simem:s7], [sflag:s8] =	dma.local @!p0 [hbm:s6], $0xF7A  }
0x23: {  	s9 =	sor.u32 $0xD0000000, s2;
	s6 =	simm.s32 $0x108;
	_ =	swait.ge @!p0 [sflag:s8], $0x0  }
0x24: {  	s3 =	sadd.s32 $0x88, s3;
	s6 =	simm.s32 @!p1 $0x1082;
	[sflag:s4] =	ssyncset.s32 $0xFFFFF086  }
0x25: {  	[simem:s6], [sflag:s4] =	dma.local [hbm:s3], $0xF7A  }
0x26: {  	[smem:$0x3F9D] =	sst s1;
	(tag) =	ssettag s2;
	_ =	strace s9  }
0x27: {  	s1 =	sld [smem:$0x3FAD]  }
0x28: {  	s2 =	sld [smem:$0x3FAE]  }
0x29: {  	s4 =	sld [smem:$0x3FB0]  }
0x2a: {  	p0 =	seq.s32 s5, $0x0;
	s5 =	sld [smem:$0x3FB1]  }
0x2b: {  	s6 =	sld [smem:$0x3FB2]  }
0x2c: {  	s7 =	sld [smem:$0x3FB3]  }
0x2d: {  	s3 =	simm.s32 $0x108;
	s8 =	sld [smem:$0x3FB4]  }
0x2e: {  	s3 =	simm.s32 @!p0 $0x1082;
	s9 =	sld [smem:$0x3FB5]  }
0x2f: {  	lr =	sadd.s32 s0, s3;
	s0 =	sld [smem:$0x3FAC]  }
0x30: {  	s3 =	sld [smem:$0x3FAF]  }
0x31: {  	[smem:$0x3FB8] =	sst s10  }
0x32: {  	s10 =	sld [smem:$0x3FB6];
	_ =	sdelay $0x3  }
0x33: {  	p0 =	seq.s32 s10, $0x1;
	s10 =	sld [smem:$0x3FB8];
	_ =	sdelay $0x3  }
0x34: {  	[smem:$0x3FB8] =	sst s10  }
0x35: {  	s10 =	sld [smem:$0x3FB7];
	_ =	sdelay $0x3  }
0x36: {  	p1 =	seq.s32 s10, $0x1;
	s10 =	sld [smem:$0x3FB8];
	_ =	sdelay $0x3  }
0x37: {  	[smem:$0x3FB8] =	sst s10  }
0x38: {  	s10 =	sld [smem:$0x3FB9]  }
0x39: {  	_ = 	snop;
	(pc) =	sbr.ind lr, $3  }
0x3a: {  	_ = 	snop  }
0x3b: {  	_ = 	snop  }
0x3c: {  	p2 =	seq.s32 s10, $0x1;
	s10 =	sld [smem:$0x3FB8]  }
0x3d: {  	_ =	shalt  }
0x3e: {  	_ =	shalt  }
0x3f: {  	_ =	shalt  }
0x40: {  	_ =	shalt  }
0x41: {  	_ =	shalt  }
0x42: {  	_ =	shalt  }
0x43: {  	_ =	shalt  }
0x44: {  	_ =	shalt  }
0x45: {  	_ =	shalt  }
0x46: {  	_ =	shalt  }
0x47: {  	_ =	shalt  }
0x48: {  	_ =	shalt  }
0x49: {  	_ =	shalt  }
0x4a: {  	_ =	shalt  }
0x4b: {  	_ =	shalt  }
0x4c: {  	_ =	shalt  }
0x4d: {  	_ =	shalt  }
0x4e: {  	_ =	shalt  }
0x4f: {  	_ =	shalt  }
0x50: {  	_ =	shalt  }
0x51: {  	_ =	shalt  }
0x52: {  	_ =	shalt  }
0x53: {  	_ =	shalt  }
0x54: {  	_ =	shalt  }
0x55: {  	_ =	shalt  }
0x56: {  	_ =	shalt  }
0x57: {  	_ =	shalt  }
0x58: {  	_ =	shalt  }
0x59: {  	_ =	shalt  }
0x5a: {  	_ =	shalt  }
0x5b: {  	_ =	shalt  }
0x5c: {  	_ =	shalt  }
0x5d: {  	_ =	shalt  }
0x5e: {  	_ =	shalt  }
0x5f: {  	_ =	shalt  }
0x60: {  	_ =	shalt  }
0x61: {  	_ =	shalt  }
0x62: {  	_ =	shalt  }
0x63: {  	_ =	shalt  }
0x64: {  	_ =	shalt  }
0x65: {  	_ =	shalt  }
0x66: {  	_ =	shalt  }
0x67: {  	_ =	shalt  }
0x68: {  	_ =	shalt  }
0x69: {  	_ =	shalt  }
0x6a: {  	_ =	shalt  }
0x6b: {  	_ =	shalt  }
0x6c: {  	_ =	shalt  }
0x6d: {  	_ =	shalt  }
0x6e: {  	_ =	shalt  }
0x6f: {  	_ =	shalt  }
0x70: {  	_ =	shalt  }
0x71: {  	_ =	shalt  }
0x72: {  	_ =	shalt  }
0x73: {  	_ =	shalt  }
0x74: {  	_ =	shalt  }
0x75: {  	_ =	shalt  }
0x76: {  	_ =	shalt  }
0x77: {  	_ =	shalt  }
0x78: {  	_ =	shalt  }
0x79: {  	_ =	shalt  }
0x7a: {  	_ =	shalt  }
0x7b: {  	_ =	shalt  }
0x7c: {  	_ =	shalt  }
0x7d: {  	_ =	shalt  }
0x7e: {  	_ =	shalt  }
0x7f: {  	_ =	shalt  }
0x80: {  	_ =	shalt  }
0x81: {  	_ =	shalt  }
0x82: {  	_ =	shalt  }
0x83: {  	_ =	shalt  }
0x84: {  	_ =	shalt  }
0x85: {  	_ =	shalt  }
0x86: {  	_ =	shalt  }
0x87: {  	_ =	shalt  }
.Lfunc_end0:
.L_simem_size_0:
called_computation_lowered:
.L_overlay_start_0:
0x88: {  	s2 =	sld [smem:$0x3FD9]  }
0x89: {  	s3 =	sld [smem:$0x3FFE];
	_ =	sdelay $0x1  }
0x8a: {  	s1 =	srdreg.scid  }
0x8b: {  	s0 =	sand.u32 $0x1, s1  }
0x8c: {  	s17 =	sshll.u32 s0, $0xA;
	s2 =	sadd.s32 s3, s2  }
0x8d: {  	s2 =	sadd.s32 s2, s17  }
0x8e: {  	[smem:$0x3FC4] =	sst s2  }
0x8f: {  	_ = 	snop  }
0x90: {  	s2 =	sld [smem:$0x3FD0];
	(tm) =	ssettm $0x1  }
0x91: {  	s18 =	sld [smem:$0x3FFB];
	_ =	sdelay $0x3  }
0x92: {  	_ =	strace s18  }
0x93: {  	s3 =	sld [smem:$0x3FFC];
	_ =	sdelay $0x3  }
0x94: {  	_ =	strace s3  }
0x95: {  	s3 =	sld [smem:$0x3FFD];
	_ =	sdelay $0x3  }
0x96: {  	_ =	strace s3  }
0x97: {  	_ =	strace $0x8FFFFFFF  }
0x98: {  	s19 =	sld [smem:$0x3FDB];
	_ =	sdelay $0x1  }
0x99: {  	s4 =	simm.s32 $_scs_section_size  }
0x9a: {  	s5 =	simm.s32 $_size__tile_overlayer_lowered;
	s6 =	simm.s32 $_tile_overlayer_lowered  }
0x9b: {  	s22 =	simm.s32 $0x1BFF;
	s21 =	sshll.u32 s6, $0x1;
	s3 =	sadd.s32 s4, s19  }
0x9c: {  	s7 =	simm.s32 $0x0;
	s20 =	sshll.u32 s5, $0x1;
	s5 =	sadd.s32 s21, s3  }
0x9d: {  	[timem:s7], [sflag:s22] =	dma.local [hbm:s5], s20  }
0x9e: {  	_ =	swait.ge [sflag:s22], s20  }
0x9f: {  	s4 =	ssub.s32 $0x0, s20;
	[sflag:s22] =	ssyncset.done $0x0  }
0xa0: {  	[sflag:s22] =	ssyncadd.s32 s4;
	_ =	sdelay $0x1  }
0xa1: {  	s23 =	simm.s32 $0x1B8B  }
0xa2: {  	_ =	swait.ge [sflag:s23], $0x1  }
0xa3: {  	[sflag:s23] =	ssyncset.done $0x0  }
0xa4: {  	s25 =	simm.s32 $0x1B8E;
	s24 =	sld [smem:$0x3FFE];
	[sflag:s23] =	ssyncadd.s32 $0xFFFFFFFF  }
0xa5: {  	s26 =	simm.s32 $execute0_lowered;
	[smem:$0x3FD2] =	sst s25  }
0xa6: {  	s5 =	sshll.u32 s26, $0x1;
	_ =	strace $0x80000046;
	[dreg:$0x1] =	wrdreg $0xFFFFFFFF  }
0xa7: {  	s28 =	simm.s32 $_size_execute0_lowered;
	s3 =	sadd.s32 s3, s5;
	[dreg:$0x0] =	wrdreg $0x0  }
0xa8: {  	s5 =	sshll.u32 s28, $0x1;
	[dreg:$0x2] =	wrdreg s3  }
0xa9: {  	[dreg:$0x3] =	wrdreg s5  }
0xaa: {  	[dreg:$0x4] =	wrdreg $0xC0  }
0xab: {  	_ =	task [dreg:s7], $0x5FFFF  }
0xac: {  	[dreg:$0x1] =	wrdreg $0xFFFFFFFF  }
0xad: {  	[dreg:$0x0] =	wrdreg $0x60  }
0xae: {  	[dreg:$0x2] =	wrdreg s2  }
0xaf: {  	[dreg:$0x3] =	wrdreg s24  }
0xb0: {  	[dreg:$0x4] =	wrdreg $0x9  }
0xb1: {  	_ =	task.clear_ibuf [dreg:s7], $0x5FFFF;
	_ =	strace $0x90000046  }
0xb2: {  	s29 =	simm.s32 $0x9;
	_ =	strace $0x80000048  }
0xb3: {  	_ =	swait.ge [sflag:s29], $0x1  }
0xb4: {  	[sflag:s29] =	ssyncadd.s32 $0xFFFFFFFF  }
0xb5: {  	_ =	strace $0x90000048  }
0xb6: {  	_ =	sfence  }
0xb7: {  	s30 =	sld [smem:$0x0];
	_ =	sdelay $0x2  }
0xb8: {  	s31 =	sshll.u32 s1, $0xD;
	s1 =	sshrl.u32 s1, $0x2  }
0xb9: {  	s3 =	sand.u32 $0x4000, s31;
	s1 =	sadd.s32 s1, s30  }
0xba: {  	s0 =	sor.u32 s3, s0;
	s1 =	sshll.u32 s1, $0x11  }
0xbb: {  	s0 =	sor.u32 s1, s0  }
0xbc: {  	s0 =	sadd.s32 $0x8F2B, s0  }
0xbd: {  	[sflag:s0] =	ssyncadd.remote.s32 $0x1  }
0xbe: {  	_ =	sfence.sel $0xFFFF  }
0xbf: {  	[dreg:$0x0] =	wrdreg $0xFFFFFFFF;
	(pc) =	sbr.abs _section_cstart, $3  }
0xc0: {  	[dreg:$0x1] =	wrdreg $0xFFFFFFFF  }
0xc1: {  	_ =	task.clear_ibuf [dreg:s7], $0x2FFFF;
	_ =	strace $0x9FFFFFFF  }
0xc2: {  	(tm) =	ssettm $0x7FFFFFFF  }
0xc3: {  	_ =	shalt  }
tec
execute0_lowered:
.L_overlay_start_1:
0x0: {  	(tag) =	ssettag $0x1  }
0x1: {  	s0 =	srdreg.scid;
	s3 =	rddreg [dreg:$0x0]  }
0x2: {  	s11 =	stileid.u32;
	s4 =	rddreg [dreg:$0x1];
	s2 =	simm.s32 $0x0  }
0x3: {  	s23 =	simm.s32 $0x120;
	s24 =	simm.s32 $0xB20;
	s25 =	simm.s32 $0x1A0  }
0x4: {  	s26 =	simm.s32 $0xBA0;
	s6 =	simm.s32 $0x2A0;
	[smem:$0x7FF] =	sst s2  }
0x5: {  	v0 =	vlaneseq.u32;
	s7 =	simm.s32 $0xCA0;
	_ =	strace $0x80000047;
	[dreg:$0x5] =	wrdreg s23  }
0x6: {  	s8 =	simm.s32 $0x320;
	s9 =	simm.s32 $0xD20;
	v33 =	vmul.u32 $0x10, v0;
	[dreg:$0x6] =	wrdreg s24  }
0x7: {  	s10 =	simm.s32 $0x3A0;
	s13 =	simm.s32 $0xDA0;
	[dreg:$0x7] =	wrdreg s25  }
0x8: {  	s14 =	simm.s32 $0x420;
	s30 =	simm.s32 $0xF20;
	[dreg:$0x8] =	wrdreg s26;
	v63 =	vor.u32 $0x1, v33;
	v45 =	vor.u32 $0x2, v33;
	v59 =	vor.u32 $0x3, v33  }
0x9: {  	s31 =	simm.s32 $0x5A0;
	s29 =	simm.s32 $0xFA0;
	[dreg:$0xb] =	wrdreg s6;
	v0 =	vor.u32 $0x4, v33;
	v60 =	vor.u32 $0x5, v33;
	v56 =	vor.u32 $0x6, v33  }
0xa: {  	s28 =	simm.s32 $0x10A0;
	s20 =	simm.s32 $0x720;
	[dreg:$0xc] =	wrdreg s7;
	v61 =	vor.u32 $0x7, v33;
	v57 =	vor.u32 $0x8, v33;
	v54 =	vor.u32 $0x9, v33  }
0xb: {  	s21 =	simm.s32 $0x1120;
	s16 =	simm.s32 $0x820;
	[dreg:$0xd] =	wrdreg s8;
	v58 =	vor.u32 $0xA, v33;
	v55 =	vor.u32 $0xB, v33;
	v51 =	vor.u32 $0xC, v33  }
0xc: {  	s17 =	simm.s32 $0x1220;
	s18 =	simm.s32 $0x8A0;
	[dreg:$0xe] =	wrdreg s9;
	v52 =	vor.u32 $0xD, v33;
	v9 =	vor.u32 $0xE, v33;
	v50 =	vor.u32 $0xF, v33  }
0xd: {  	s19 =	simm.s32 $0x12A0;
	p0 =	por $0x0, $0x0;
	[dreg:$0xf] =	wrdreg s10;
	v7 =	vor.u32 $0x100, v33;
	v3 =	vor.u32 $0x101, v33;
	v41 =	vor.u32 $0x102, v33  }
0xe: {  	s0 =	sand.u32 $0x1, s0;
	s1 =	sshll.u32 s11, $0x1;
	[dreg:$0x10] =	wrdreg s13;
	v46 =	vor.u32 $0x103, v33;
	v12 =	vor.u32 $0x104, v33;
	v11 =	vor.u32 $0x105, v33  }
0xf: {  	s1 =	sor.u32 s0, s1;
	s0 =	ssub.s32 $0x2, s0;
	[dreg:$0x11] =	wrdreg s14;
	v47 =	vor.u32 $0x106, v33;
	v26 =	vor.u32 $0x107, v33;
	v37 =	vor.u32 $0x108, v33  }
0x10: {  	s24 =	simm.s32 $0xE20;
	s25 =	simm.s32 $0x4A0;
	s6 =	simm.s32 $0x80;
	v48 =	vor.u32 $0x109, v33;
	v15 =	vor.u32 $0x10A, v33;
	v42 =	vor.u32 $0x10B, v33  }
0x11: {  	s26 =	simm.s32 $0xEA0;
	s8 =	simm.s32 $0xA0;
	s23 =	simm.s32 $0x11A0;
	v49 =	vor.u32 $0x10C, v33;
	v35 =	vor.u32 $0x10D, v33;
	v16 =	vor.u32 $0x10E, v33  }
0x12: {  	s13 =	simm.s32 $0x1320;
	s14 =	simm.s32 $0x9A0;
	[dreg:$0x12] =	wrdreg s24;
	v14 =	vor.u32 $0x10F, v33;
	v5 =	vor.u32 $0x200, v33;
	v53 =	vor.u32 $0x201, v33  }
0x13: {  	s7 =	simm.s32 $0x1;
	s5 =	smul.u32 $0x14, s1;
	[dreg:$0x13] =	wrdreg s25;
	v4 =	vor.u32 $0x202, v33;
	v39 =	vor.u32 $0x203, v33;
	v40 =	vor.u32 $0x204, v33  }
0x14: {  	s1 =	smul.u32 $0x140, s1;
	s12 =	sshrl.u32 s0, $0x1;
	[dreg:$0x14] =	wrdreg s26;
	v43 =	vor.u32 $0x205, v33;
	v32 =	vor.u32 $0x206, v33;
	v34 =	vor.u32 $0x207, v33  }
0x15: {  	v18 =	vor.u32 $0x208, v33;
	v13 =	vor.u32 $0x209, v33;
	v17 =	vor.u32 $0x20A, v33;
	s24 =	simm.s32 $0x620;
	s25 =	simm.s32 $0x1020;
	s0 =	ssub.s32 s0, s12  }
0x16: {  	v10 =	vor.u32 $0x20B, v33;
	v22 =	vor.u32 $0x20C, v33;
	v31 =	vor.u32 $0x20D, v33;
	s26 =	simm.s32 $0x6A0;
	s5 =	sadd.s32 s5, s4;
	s15 =	smax.u32 s0, $0x1  }
0x17: {  	v62 =	vor.u32 $0x20E, v33;
	v20 =	vor.u32 $0x20F, v33;
	v36 =	vor.u32 $0x300, v33;
	s1 =	sadd.s32 s1, s4;
	s4 =	simm.s32 $0x220;
	p1 =	sne.s32 s15, $0x1  }
.Ltmp0:
0x18: {  	v19 =	vor.u32 $0x301, v33;
	v8 =	vor.u32 $0x302, v33;
	v6 =	vor.u32 $0x303, v33;
	s22 =	sadd.s32 $0x600, s5;
	[dreg:$0x9] =	wrdreg s4;
	(pc) =	sbr.rel @!p1 .LBB2_1-.Ltmp0, $4  }
0x19: {  	v27 =	vor.u32 $0x304, v33;
	v29 =	vor.u32 $0x305, v33;
	v44 =	vor.u32 $0x306, v33;
	s12 =	simm.s32 $0x920;
	s1 =	sadd.s32 $0xA00, s1;
	[dreg:$0x3] =	wrdreg s22  }
0x1a: {  	v28 =	vor.u32 $0x307, v33;
	v21 =	vor.u32 $0x308, v33;
	[tilespmem:$0x1FFD0] =	vst v0;
	v0 =	vor.u32 $0x30E, v33;
	s5 =	simm.s32 $0xC20;
	s4 =	simm.s32 $0x2;
	[dreg:$0x4] =	wrdreg s1  }
0x1b: {  	v23 =	vor.u32 $0x309, v33;
	v30 =	vor.u32 $0x30A, v33;
	[tilespmem:$0x1FFE0] =	vst v0;
	v0 =	vor.u32 $0x30F, v33;
	[dreg:$0xa] =	wrdreg s5;
	s5 =	simm.s32 $0xAA0;
	s22 =	simm.s32 $0x7A0  }
0x1c: {  	v24 =	vor.u32 $0x30B, v33;
	v38 =	vor.u32 $0x30C, v33;
	v25 =	vor.u32 $0x30D, v33;
	[tilespmem:$0x1FFF0] =	vst v0;
	s1 =	sadd.s32 $0xFFFFFFFF, s15;
	s15 =	simm.s32 $0x13A0;
	s0 =	rddreg [dreg:$0x3]  }
0x1d: {  	[tilespmem:s2], [sflag:$0x2] =	stream.linear.gather [hbm4b:s0+s2], $0xA0, $0x38;
	[tilespmem:$0x14A0] =	vst v63  }
0x1e: {  	_ =	swait.ge [sflag:s4], $0xA0  }
0x1f: {  	[tilespmem:$0x1F950] =	vst v35  }
0x20: {  	[tilespmem:$0x1FF90] =	vst v9  }
0x21: {  	[tilespmem:$0x1FF80] =	vst v50  }
0x22: {  	[tilespmem:$0x1F960] =	vst v3  }
0x23: {  	[tilespmem:$0x1F970] =	vst v41  }
0x24: {  	[tilespmem:$0x1FF50] =	vst v46  }
0x25: {  	[tilespmem:$0x1F980] =	vst v12  }
0x26: {  	[tilespmem:$0x1F990] =	vst v11  }
0x27: {  	[tilespmem:$0x1FF60] =	vst v47  }
0x28: {  	[tilespmem:$0x1F9A0] =	vst v37  }
0x29: {  	[tilespmem:$0x1FF70] =	vst v48  }
0x2a: {  	[tilespmem:$0x1F9B0] =	vst v42  }
0x2b: {  	[tilespmem:$0x1F9C0] =	vst v4  }
0x2c: {  	[tilespmem:$0x1FFC0] =	vst v61  }
0x2d: {  	[tilespmem:$0x1F9D0] =	vst v7  }
0x2e: {  	[tilespmem:$0x1FFA0] =	vst v54  }
0x2f: {  	[tilespmem:$0x1F9F0] =	vst v8  }
0x30: {  	[tilespmem:$0x1FFB0] =	vst v59  }
0x31: {  	[tilespmem:$0x1FD60] =	vst v36  }
0x32: {  	[tilespmem:$0x1FD80] =	vst v44  }
0x33: {  	[tilespmem:$0x1FD90] =	vst v23  }
0x34: {  	[tilespmem:$0x1FDC0] =	vst v21  }
0x35: {  	[tilespmem:$0x1FDD0] =	vst v24  }
0x36: {  	[tilespmem:$0x1FDE0] =	vst v25  }
0x37: {  	[tilespmem:$0x1FDF0] =	vst v19  }
0x38: {  	[sflag:s4] =	ssyncset.done $0x0;
	[tilespmem:$0x1FE00] =	vst v27  }
0x39: {  	[tilespmem:$0x1FE10] =	vst v28;
	[sflag:s4] =	ssyncadd.s32 $0xFFFFFF60  }
0x3a: {  	[tilespmem:s5], [sflag:$0x1] =	stream.indirect.gather [hbm4b:s3+s6], $0x1, s8, s6, $0xb8;
	[tilespmem:$0x14A0] =	vst v63  }
0x3b: {  	[tilespmem:$0x1FE20] =	vst v30;
	v0 =	vld [tilespmem:$0x0]  }
0x3c: {  	v2 =	vmov v35;
	v35 =	vld [tilespmem:$0x1FFD0];
	[tilespmem:$0x1FE30] =	vst v20  }
0x3d: {  	[tilespmem:$0x1FE40] =	vst v31  }
0x3e: {  	[tilespmem:$0x1FE50] =	vst v34  }
0x3f: {  	[tilespmem:$0x1FE70] =	vst v62  }
0x40: {  	[tilespmem:v33+s8+$0x0] =	vst.idx.msk $0xffff, v0;
	v1 =	vadd.s32 $0x186A0, v0  }
0x41: {  	[tilespmem:v63+s8+$0x0] =	vst.idx.msk $0xffff, v1;
	v1 =	vadd.s32 $0x30D40, v0  }
0x42: {  	[tilespmem:v45+s8+$0x0] =	vst.idx.msk $0xffff, v1;
	v1 =	vadd.s32 $0x493E0, v0  }
0x43: {  	[tilespmem:v59+s8+$0x0] =	vst.idx.msk $0xffff, v1;
	v1 =	vadd.s32 $0x61A80, v0  }
0x44: {  	[tilespmem:v35+s8+$0x0] =	vst.idx.msk $0xffff, v1;
	v1 =	vadd.s32 $0x7A120, v0  }
0x45: {  	[tilespmem:v60+s8+$0x0] =	vst.idx.msk $0xffff, v1;
	v1 =	vadd.s32 $0x927C0, v0  }
0x46: {  	[tilespmem:v56+s8+$0x0] =	vst.idx.msk $0xffff, v1;
	v1 =	vadd.s32 $0xAAE60, v0  }
0x47: {  	[tilespmem:v61+s8+$0x0] =	vst.idx.msk $0xffff, v1;
	v1 =	vadd.s32 $0xC3500, v0  }
0x48: {  	[tilespmem:v57+s8+$0x0] =	vst.idx.msk $0xffff, v1;
	v1 =	vadd.s32 $0xDBBA0, v0  }
0x49: {  	s11 =	rddreg [dreg:$0x6];
	[tilespmem:v54+s8+$0x0] =	vst.idx.msk $0xffff, v1;
	v1 =	vadd.s32 $0xF4240, v0  }
0x4a: {  	s9 =	rddreg [dreg:$0x5];
	[tilespmem:v58+s8+$0x0] =	vst.idx.msk $0xffff, v1;
	v1 =	vadd.s32 $0x10C8E0, v0  }
0x4b: {  	s0 =	rddreg [dreg:$0x7];
	[tilespmem:v55+s8+$0x0] =	vst.idx.msk $0xffff, v1;
	v1 =	vadd.s32 $0x124F80, v0  }
0x4c: {  	[dreg:$0x15] =	wrdreg s11;
	[tilespmem:v51+s8+$0x0] =	vst.idx.msk $0xffff, v1;
	v1 =	vadd.s32 $0x13D620, v0  }
0x4d: {  	[dreg:$0x16] =	wrdreg s9;
	[tilespmem:v52+s8+$0x0] =	vst.idx.msk $0xffff, v1;
	v1 =	vadd.s32 $0x155CC0, v0  }
0x4e: {  	s9 =	rddreg [dreg:$0x15];
	v0 =	vadd.s32 $0x16E360, v0;
	[tilespmem:v9+s8+$0x0] =	vst.idx.msk $0xffff, v1  }
0x4f: {  	s10 =	rddreg [dreg:$0x16];
	[tilespmem:v50+s8+$0x0] =	vst.idx.msk $0xffff, v0  }
0x50: {  	[tilespmem:s9], [sflag:$0x1] =	stream.indirect.gather [hbm4b:s3+s6], $0x1, s10, s6, $0xb8;
	[tilespmem:$0x14A0] =	vst v63  }
0x51: {  	[tilespmem:$0x1FE90] =	vst v32;
	s11 =	smov.u32 s1;
	s1 =	rddreg [dreg:$0x8]  }
0x52: {  	[tilespmem:s1], [sflag:$0x1] =	stream.indirect.gather [hbm4b:s3+s6], $0x1, s0, s6, $0xb8;
	[tilespmem:$0x14A0] =	vst v63  }
0x53: {  	[tilespmem:$0x1FEA0] =	vst v13;
	v0 =	vld [tilespmem:$0x10]  }
0x54: {  	[tilespmem:$0x1FEB0] =	vst v22  }
0x55: {  	[tilespmem:$0x1FEF0] =	vst v18  }
0x56: {  	[tilespmem:$0x1FF40] =	vst v26;
	v54 =	vor.u32 $0x50E, v33  }
0x57: {  	[tilespmem:$0x1FBD0] =	vst v54  }
0x58: {  	[tilespmem:v7+s8+$0x0] =	vst.idx.msk $0xffff, v0;
	v1 =	vadd.s32 $0x186A0, v0  }
0x59: {  	[tilespmem:v3+s8+$0x0] =	vst.idx.msk $0xffff, v1;
	v1 =	vadd.s32 $0x30D40, v0  }
0x5a: {  	[tilespmem:v41+s8+$0x0] =	vst.idx.msk $0xffff, v1;
	v1 =	vadd.s32 $0x493E0, v0  }
0x5b: {  	[tilespmem:v46+s8+$0x0] =	vst.idx.msk $0xffff, v1;
	v1 =	vadd.s32 $0x61A80, v0  }
0x5c: {  	[tilespmem:v12+s8+$0x0] =	vst.idx.msk $0xffff, v1;
	v1 =	vadd.s32 $0x7A120, v0  }
0x5d: {  	[tilespmem:v11+s8+$0x0] =	vst.idx.msk $0xffff, v1;
	v1 =	vadd.s32 $0x927C0, v0  }
0x5e: {  	[tilespmem:v47+s8+$0x0] =	vst.idx.msk $0xffff, v1;
	v1 =	vadd.s32 $0xAAE60, v0  }
0x5f: {  	[tilespmem:v26+s8+$0x0] =	vst.idx.msk $0xffff, v1;
	v1 =	vadd.s32 $0xC3500, v0  }
0x60: {  	[tilespmem:v37+s8+$0x0] =	vst.idx.msk $0xffff, v1;
	v1 =	vadd.s32 $0xDBBA0, v0  }
0x61: {  	[tilespmem:v48+s8+$0x0] =	vst.idx.msk $0xffff, v1;
	v1 =	vadd.s32 $0xF4240, v0  }
0x62: {  	[tilespmem:v15+s8+$0x0] =	vst.idx.msk $0xffff, v1;
	v1 =	vadd.s32 $0x10C8E0, v0  }
0x63: {  	[tilespmem:v42+s8+$0x0] =	vst.idx.msk $0xffff, v1;
	v1 =	vadd.s32 $0x124F80, v0  }
0x64: {  	[tilespmem:v49+s8+$0x0] =	vst.idx.msk $0xffff, v1;
	v1 =	vadd.s32 $0x13D620, v0  }
0x65: {  	s9 =	rddreg [dreg:$0xa];
	[tilespmem:v2+s8+$0x0] =	vst.idx.msk $0xffff, v1;
	v1 =	vadd.s32 $0x155CC0, v0  }
0x66: {  	s10 =	rddreg [dreg:$0x9];
	v0 =	vadd.s32 $0x16E360, v0;
	[tilespmem:v16+s8+$0x0] =	vst.idx.msk $0xffff, v1  }
0x67: {  	s1 =	rddreg [dreg:$0xc];
	[tilespmem:v14+s8+$0x0] =	vst.idx.msk $0xffff, v0  }
0x68: {  	v9 =	vmov v45;
	[tilespmem:s9], [sflag:$0x1] =	stream.indirect.gather [hbm4b:s3+s6], $0x1, s10, s6, $0xb8;
	[tilespmem:$0x14A0] =	vst v63  }
0x69: {  	[tilespmem:$0x1FD50] =	vst v9;
	s0 =	rddreg [dreg:$0xb]  }
0x6a: {  	v50 =	vor.u32 $0x402, v33;
	[tilespmem:s1], [sflag:$0x1] =	stream.indirect.gather [hbm4b:s3+s6], $0x1, s0, s6, $0xb8;
	[tilespmem:$0x14A0] =	vst v63  }
0x6b: {  	[tilespmem:$0x1FA10] =	vst v50;
	v7 =	vor.u32 $0x404, v33;
	v3 =	vmov v38;
	v0 =	vld [tilespmem:$0x20]  }
0x6c: {  	[tilespmem:$0x1FA30] =	vst v7;
	v45 =	vmov v3  }
0x6d: {  	[tilespmem:$0x1FDA0] =	vst v45;
	v12 =	vmov v10  }
0x6e: {  	v11 =	vmov v39;
	[tilespmem:$0x1FF00] =	vst v12  }
0x6f: {  	[tilespmem:$0x1FF10] =	vst v11  }
0x70: {  	[tilespmem:v5+s8+$0x0] =	vst.idx.msk $0xffff, v0;
	v1 =	vadd.s32 $0x186A0, v0  }
0x71: {  	[tilespmem:v53+s8+$0x0] =	vst.idx.msk $0xffff, v1;
	v1 =	vadd.s32 $0x30D40, v0  }
0x72: {  	[tilespmem:v4+s8+$0x0] =	vst.idx.msk $0xffff, v1;
	v1 =	vadd.s32 $0x493E0, v0  }
0x73: {  	[tilespmem:v39+s8+$0x0] =	vst.idx.msk $0xffff, v1;
	v1 =	vadd.s32 $0x61A80, v0  }
0x74: {  	[tilespmem:v40+s8+$0x0] =	vst.idx.msk $0xffff, v1;
	v1 =	vadd.s32 $0x7A120, v0  }
0x75: {  	[tilespmem:v43+s8+$0x0] =	vst.idx.msk $0xffff, v1;
	v1 =	vadd.s32 $0x927C0, v0  }
0x76: {  	[tilespmem:v32+s8+$0x0] =	vst.idx.msk $0xffff, v1;
	v1 =	vadd.s32 $0xAAE60, v0  }
0x77: {  	[tilespmem:v34+s8+$0x0] =	vst.idx.msk $0xffff, v1;
	v1 =	vadd.s32 $0xC3500, v0  }
0x78: {  	[tilespmem:v18+s8+$0x0] =	vst.idx.msk $0xffff, v1;
	v1 =	vadd.s32 $0xDBBA0, v0  }
0x79: {  	[tilespmem:v13+s8+$0x0] =	vst.idx.msk $0xffff, v1;
	v1 =	vadd.s32 $0xF4240, v0  }
0x7a: {  	[tilespmem:v17+s8+$0x0] =	vst.idx.msk $0xffff, v1;
	v1 =	vadd.s32 $0x10C8E0, v0  }
0x7b: {  	[tilespmem:v10+s8+$0x0] =	vst.idx.msk $0xffff, v1;
	v1 =	vadd.s32 $0x124F80, v0  }
0x7c: {  	[tilespmem:v22+s8+$0x0] =	vst.idx.msk $0xffff, v1;
	v1 =	vadd.s32 $0x13D620, v0  }
0x7d: {  	s9 =	rddreg [dreg:$0xe];
	[tilespmem:v31+s8+$0x0] =	vst.idx.msk $0xffff, v1;
	v1 =	vadd.s32 $0x155CC0, v0  }
0x7e: {  	s10 =	rddreg [dreg:$0xd];
	v0 =	vadd.s32 $0x16E360, v0;
	[tilespmem:v62+s8+$0x0] =	vst.idx.msk $0xffff, v1  }
0x7f: {  	s1 =	rddreg [dreg:$0x10];
	[tilespmem:v20+s8+$0x0] =	vst.idx.msk $0xffff, v0  }
0x80: {  	v47 =	vor.u32 $0x401, v33;
	[tilespmem:s9], [sflag:$0x1] =	stream.indirect.gather [hbm4b:s3+s6], $0x1, s10, s6, $0xb8;
	[tilespmem:$0x14A0] =	vst v63  }
0x81: {  	[tilespmem:$0x1FA00] =	vst v47;
	s0 =	rddreg [dreg:$0xf]  }
0x82: {  	v37 =	vor.u32 $0x407, v33;
	[tilespmem:s1], [sflag:$0x1] =	stream.indirect.gather [hbm4b:s3+s6], $0x1, s0, s6, $0xb8;
	[tilespmem:$0x14A0] =	vst v63  }
0x83: {  	v48 =	vmov v29;
	[tilespmem:$0x1FA60] =	vst v37;
	v0 =	vld [tilespmem:$0x30]  }
0x84: {  	[tilespmem:$0x1FDB0] =	vst v48;
	v42 =	vmov v16  }
0x85: {  	[tilespmem:$0x1FF30] =	vst v42;
	v4 =	vor.u32 $0x403, v33  }
0x86: {  	[tilespmem:$0x1FA20] =	vst v4;
	v39 =	vor.u32 $0x40C, v33  }
0x87: {  	[tilespmem:$0x1FAB0] =	vst v39  }
0x88: {  	[tilespmem:v36+s8+$0x0] =	vst.idx.msk $0xffff, v0;
	v1 =	vadd.s32 $0x186A0, v0  }
0x89: {  	[tilespmem:v19+s8+$0x0] =	vst.idx.msk $0xffff, v1;
	v1 =	vadd.s32 $0x30D40, v0  }
0x8a: {  	[tilespmem:v8+s8+$0x0] =	vst.idx.msk $0xffff, v1;
	v1 =	vadd.s32 $0x493E0, v0  }
0x8b: {  	[tilespmem:v6+s8+$0x0] =	vst.idx.msk $0xffff, v1;
	v1 =	vadd.s32 $0x61A80, v0  }
0x8c: {  	[tilespmem:v27+s8+$0x0] =	vst.idx.msk $0xffff, v1;
	v1 =	vadd.s32 $0x7A120, v0  }
0x8d: {  	[tilespmem:v29+s8+$0x0] =	vst.idx.msk $0xffff, v1;
	v1 =	vadd.s32 $0x927C0, v0  }
0x8e: {  	v46 =	vld [tilespmem:$0x1FFE0];
	[tilespmem:v44+s8+$0x0] =	vst.idx.msk $0xffff, v1;
	v1 =	vadd.s32 $0xAAE60, v0  }
0x8f: {  	v2 =	vld [tilespmem:$0x1FFF0];
	[tilespmem:v28+s8+$0x0] =	vst.idx.msk $0xffff, v1;
	v1 =	vadd.s32 $0xC3500, v0  }
0x90: {  	[tilespmem:v21+s8+$0x0] =	vst.idx.msk $0xffff, v1;
	v1 =	vadd.s32 $0xDBBA0, v0  }
0x91: {  	[tilespmem:v23+s8+$0x0] =	vst.idx.msk $0xffff, v1;
	v1 =	vadd.s32 $0xF4240, v0  }
0x92: {  	[tilespmem:v30+s8+$0x0] =	vst.idx.msk $0xffff, v1;
	v1 =	vadd.s32 $0x10C8E0, v0  }
0x93: {  	[tilespmem:v24+s8+$0x0] =	vst.idx.msk $0xffff, v1;
	v1 =	vadd.s32 $0x124F80, v0  }
0x94: {  	[tilespmem:v38+s8+$0x0] =	vst.idx.msk $0xffff, v1;
	v1 =	vadd.s32 $0x13D620, v0  }
0x95: {  	s9 =	rddreg [dreg:$0x12];
	[tilespmem:v25+s8+$0x0] =	vst.idx.msk $0xffff, v1;
	v1 =	vadd.s32 $0x155CC0, v0  }
0x96: {  	s10 =	rddreg [dreg:$0x11];
	v0 =	vadd.s32 $0x16E360, v0;
	[tilespmem:v46+s8+$0x0] =	vst.idx.msk $0xffff, v1  }
0x97: {  	s1 =	rddreg [dreg:$0x14];
	[tilespmem:v2+s8+$0x0] =	vst.idx.msk $0xffff, v0  }
0x98: {  	v41 =	vmov v49;
	v49 =	vmov v43;
	v43 =	vor.u32 $0x504, v33;
	[tilespmem:s9], [sflag:$0x1] =	stream.indirect.gather [hbm4b:s3+s6], $0x1, s10, s6, $0xb8;
	[tilespmem:$0x14A0] =	vst v63  }
0x99: {  	[tilespmem:$0x1FB30] =	vst v43;
	s0 =	rddreg [dreg:$0x13]  }
0x9a: {  	v8 =	vor.u32 $0x405, v33;
	[tilespmem:s1], [sflag:$0x1] =	stream.indirect.gather [hbm4b:s3+s6], $0x1, s0, s6, $0xb8;
	[tilespmem:$0x14A0] =	vst v63  }
0x9b: {  	[tilespmem:$0x1FA40] =	vst v8;
	v29 =	vmov v56;
	v56 =	vor.u32 $0x406, v33;
	v1 =	vor.u32 $0x400, v33;
	v0 =	vld [tilespmem:$0x40]  }
0x9c: {  	[tilespmem:$0x1FA50] =	vst v56;
	v38 =	vor.u32 $0x40B, v33  }
0x9d: {  	[tilespmem:$0x1FAA0] =	vst v38  }
0x9e: {  	v46 =	vor.u32 $0x505, v33;
	[tilespmem:$0x1F9E0] =	vst v1  }
0x9f: {  	[tilespmem:$0x1FB40] =	vst v46  }
0xa0: {  	[tilespmem:v1+s8+$0x0] =	vst.idx.msk $0xffff, v0;
	v1 =	vadd.s32 $0x186A0, v0  }
0xa1: {  	[tilespmem:v47+s8+$0x0] =	vst.idx.msk $0xffff, v1;
	v1 =	vadd.s32 $0x30D40, v0  }
0xa2: {  	v47 =	vor.u32 $0x509, v33;
	[tilespmem:v50+s8+$0x0] =	vst.idx.msk $0xffff, v1  }
0xa3: {  	v1 =	vadd.s32 $0x493E0, v0;
	[tilespmem:$0x1FB80] =	vst v47  }
0xa4: {  	v50 =	vor.u32 $0x50A, v33;
	[tilespmem:v4+s8+$0x0] =	vst.idx.msk $0xffff, v1  }
0xa5: {  	v1 =	vadd.s32 $0x61A80, v0;
	[tilespmem:$0x1FB90] =	vst v50  }
0xa6: {  	v4 =	vor.u32 $0x408, v33;
	[tilespmem:v7+s8+$0x0] =	vst.idx.msk $0xffff, v1  }
0xa7: {  	v1 =	vadd.s32 $0x7A120, v0;
	[tilespmem:$0x1FA70] =	vst v4  }
0xa8: {  	v7 =	vor.u32 $0x409, v33;
	[tilespmem:v8+s8+$0x0] =	vst.idx.msk $0xffff, v1  }
0xa9: {  	v1 =	vadd.s32 $0x927C0, v0;
	[tilespmem:$0x1FA80] =	vst v7  }
0xaa: {  	v8 =	vor.u32 $0x40A, v33;
	[tilespmem:v56+s8+$0x0] =	vst.idx.msk $0xffff, v1  }
0xab: {  	v1 =	vadd.s32 $0xAAE60, v0;
	[tilespmem:$0x1FA90] =	vst v8  }
0xac: {  	v56 =	vor.u32 $0x50F, v33;
	[tilespmem:v37+s8+$0x0] =	vst.idx.msk $0xffff, v1  }
0xad: {  	v1 =	vadd.s32 $0xC3500, v0;
	[tilespmem:$0x1FBE0] =	vst v56  }
0xae: {  	[tilespmem:v4+s8+$0x0] =	vst.idx.msk $0xffff, v1;
	v1 =	vadd.s32 $0xDBBA0, v0  }
0xaf: {  	v4 =	vor.u32 $0x40D, v33;
	[tilespmem:v7+s8+$0x0] =	vst.idx.msk $0xffff, v1  }
0xb0: {  	v1 =	vadd.s32 $0xF4240, v0;
	[tilespmem:$0x1FAC0] =	vst v4  }
0xb1: {  	v7 =	vor.u32 $0x40E, v33;
	[tilespmem:v8+s8+$0x0] =	vst.idx.msk $0xffff, v1  }
0xb2: {  	v1 =	vadd.s32 $0x10C8E0, v0;
	v8 =	vor.u32 $0x40F, v33;
	[tilespmem:$0x1FAD0] =	vst v7  }
0xb3: {  	[tilespmem:v38+s8+$0x0] =	vst.idx.msk $0xffff, v1;
	v1 =	vadd.s32 $0x124F80, v0  }
0xb4: {  	[tilespmem:v39+s8+$0x0] =	vst.idx.msk $0xffff, v1;
	v1 =	vadd.s32 $0x13D620, v0  }
0xb5: {  	[tilespmem:v4+s8+$0x0] =	vst.idx.msk $0xffff, v1;
	v1 =	vadd.s32 $0x155CC0, v0  }
0xb6: {  	v0 =	vadd.s32 $0x16E360, v0;
	[tilespmem:v7+s8+$0x0] =	vst.idx.msk $0xffff, v1  }
0xb7: {  	s10 =	simm.s32 $0x520;
	[tilespmem:v8+s8+$0x0] =	vst.idx.msk $0xffff, v0  }
0xb8: {  	[tilespmem:s30], [sflag:$0x1] =	stream.indirect.gather [hbm4b:s3+s6], $0x1, s10, s6, $0xb8;
	[tilespmem:$0x14A0] =	vst v63  }
0xb9: {  	[tilespmem:$0x1FAE0] =	vst v8  }
0xba: {  	v39 =	vor.u32 $0x609, v33;
	[tilespmem:s29], [sflag:$0x1] =	stream.indirect.gather [hbm4b:s3+s6], $0x1, s31, s6, $0xb8;
	[tilespmem:$0x14A0] =	vst v63  }
0xbb: {  	v4 =	vor.u32 $0x501, v33;
	[tilespmem:$0x1FC80] =	vst v39;
	v1 =	vor.u32 $0x500, v33;
	v0 =	vld [tilespmem:$0x50]  }
0xbc: {  	[tilespmem:$0x1FB00] =	vst v4  }
0xbd: {  	v7 =	vor.u32 $0x502, v33;
	[tilespmem:$0x1FAF0] =	vst v1  }
0xbe: {  	v8 =	vor.u32 $0x503, v33;
	[tilespmem:$0x1FB10] =	vst v7  }
0xbf: {  	[tilespmem:$0x1FB20] =	vst v8  }
0xc0: {  	[tilespmem:v1+s8+$0x0] =	vst.idx.msk $0xffff, v0;
	v1 =	vadd.s32 $0x186A0, v0  }
0xc1: {  	[tilespmem:v4+s8+$0x0] =	vst.idx.msk $0xffff, v1;
	v1 =	vadd.s32 $0x30D40, v0  }
0xc2: {  	v4 =	vor.u32 $0x506, v33;
	[tilespmem:v7+s8+$0x0] =	vst.idx.msk $0xffff, v1  }
0xc3: {  	v1 =	vadd.s32 $0x493E0, v0;
	[tilespmem:$0x1FB50] =	vst v4  }
0xc4: {  	v7 =	vor.u32 $0x507, v33;
	[tilespmem:v8+s8+$0x0] =	vst.idx.msk $0xffff, v1  }
0xc5: {  	v1 =	vadd.s32 $0x61A80, v0;
	[tilespmem:$0x1FB60] =	vst v7  }
0xc6: {  	v8 =	vor.u32 $0x508, v33;
	[tilespmem:v43+s8+$0x0] =	vst.idx.msk $0xffff, v1  }
0xc7: {  	v1 =	vadd.s32 $0x7A120, v0;
	[tilespmem:$0x1FB70] =	vst v8  }
0xc8: {  	[tilespmem:v46+s8+$0x0] =	vst.idx.msk $0xffff, v1;
	v1 =	vadd.s32 $0x927C0, v0  }
0xc9: {  	[tilespmem:v4+s8+$0x0] =	vst.idx.msk $0xffff, v1;
	v1 =	vadd.s32 $0xAAE60, v0  }
0xca: {  	v4 =	vor.u32 $0x50B, v33;
	[tilespmem:v7+s8+$0x0] =	vst.idx.msk $0xffff, v1  }
0xcb: {  	v1 =	vadd.s32 $0xC3500, v0;
	[tilespmem:$0x1FBA0] =	vst v4  }
0xcc: {  	v7 =	vor.u32 $0x50C, v33;
	[tilespmem:v8+s8+$0x0] =	vst.idx.msk $0xffff, v1  }
0xcd: {  	v1 =	vadd.s32 $0xDBBA0, v0;
	v8 =	vor.u32 $0x50D, v33;
	[tilespmem:$0x1FBB0] =	vst v7  }
0xce: {  	[tilespmem:v47+s8+$0x0] =	vst.idx.msk $0xffff, v1;
	v1 =	vadd.s32 $0xF4240, v0  }
0xcf: {  	[tilespmem:v50+s8+$0x0] =	vst.idx.msk $0xffff, v1;
	v1 =	vadd.s32 $0x10C8E0, v0  }
0xd0: {  	[tilespmem:v4+s8+$0x0] =	vst.idx.msk $0xffff, v1;
	v1 =	vadd.s32 $0x124F80, v0  }
0xd1: {  	[tilespmem:v7+s8+$0x0] =	vst.idx.msk $0xffff, v1;
	v1 =	vadd.s32 $0x13D620, v0  }
0xd2: {  	[tilespmem:v8+s8+$0x0] =	vst.idx.msk $0xffff, v1;
	v1 =	vadd.s32 $0x155CC0, v0  }
0xd3: {  	v0 =	vadd.s32 $0x16E360, v0;
	[tilespmem:v54+s8+$0x0] =	vst.idx.msk $0xffff, v1  }
0xd4: {  	[tilespmem:v56+s8+$0x0] =	vst.idx.msk $0xffff, v0  }
0xd5: {  	[tilespmem:s25], [sflag:$0x1] =	stream.indirect.gather [hbm4b:s3+s6], $0x1, s24, s6, $0xb8;
	[tilespmem:$0x14A0] =	vst v63  }
0xd6: {  	[tilespmem:$0x1FBC0] =	vst v8  }
0xd7: {  	v50 =	vor.u32 $0x704, v33;
	[tilespmem:s28], [sflag:$0x1] =	stream.indirect.gather [hbm4b:s3+s6], $0x1, s26, s6, $0xb8;
	[tilespmem:$0x14A0] =	vst v63  }
0xd8: {  	v4 =	vor.u32 $0x601, v33;
	[tilespmem:$0x1FD30] =	vst v50;
	v1 =	vor.u32 $0x600, v33;
	v0 =	vld [tilespmem:$0x60]  }
0xd9: {  	v7 =	vor.u32 $0x602, v33;
	[tilespmem:$0x1FC00] =	vst v4  }
0xda: {  	v8 =	vor.u32 $0x603, v33;
	[tilespmem:$0x1FC10] =	vst v7  }
0xdb: {  	[tilespmem:$0x1FC20] =	vst v8  }
0xdc: {  	[tilespmem:$0x1FBF0] =	vst v1  }
0xdd: {  	[tilespmem:v1+s8+$0x0] =	vst.idx.msk $0xffff, v0;
	v1 =	vadd.s32 $0x186A0, v0  }
0xde: {  	v37 =	vor.u32 $0x604, v33;
	[tilespmem:v4+s8+$0x0] =	vst.idx.msk $0xffff, v1;
	v1 =	vadd.s32 $0x30D40, v0  }
0xdf: {  	v4 =	vor.u32 $0x606, v33;
	[tilespmem:v7+s8+$0x0] =	vst.idx.msk $0xffff, v1  }
0xe0: {  	v38 =	vor.u32 $0x605, v33;
	v1 =	vadd.s32 $0x493E0, v0;
	[tilespmem:$0x1FC50] =	vst v4  }
0xe1: {  	v7 =	vor.u32 $0x607, v33;
	[tilespmem:v8+s8+$0x0] =	vst.idx.msk $0xffff, v1  }
0xe2: {  	v1 =	vadd.s32 $0x61A80, v0;
	[tilespmem:$0x1FC60] =	vst v7  }
0xe3: {  	v8 =	vor.u32 $0x608, v33;
	[tilespmem:v37+s8+$0x0] =	vst.idx.msk $0xffff, v1  }
0xe4: {  	v1 =	vadd.s32 $0x7A120, v0;
	[tilespmem:$0x1FC70] =	vst v8  }
0xe5: {  	[tilespmem:v38+s8+$0x0] =	vst.idx.msk $0xffff, v1;
	v1 =	vadd.s32 $0x927C0, v0  }
0xe6: {  	v43 =	vor.u32 $0x60A, v33;
	[tilespmem:v4+s8+$0x0] =	vst.idx.msk $0xffff, v1;
	v1 =	vadd.s32 $0xAAE60, v0  }
0xe7: {  	v4 =	vor.u32 $0x60B, v33;
	[tilespmem:v7+s8+$0x0] =	vst.idx.msk $0xffff, v1  }
0xe8: {  	v1 =	vadd.s32 $0xC3500, v0;
	v7 =	vor.u32 $0x60C, v33;
	[tilespmem:$0x1FCA0] =	vst v4  }
0xe9: {  	[tilespmem:v8+s8+$0x0] =	vst.idx.msk $0xffff, v1;
	v1 =	vadd.s32 $0xDBBA0, v0;
	v8 =	vor.u32 $0x60D, v33  }
0xea: {  	v46 =	vor.u32 $0x60E, v33;
	[tilespmem:v39+s8+$0x0] =	vst.idx.msk $0xffff, v1;
	v1 =	vadd.s32 $0xF4240, v0  }
0xeb: {  	v47 =	vor.u32 $0x60F, v33;
	[tilespmem:v43+s8+$0x0] =	vst.idx.msk $0xffff, v1;
	v1 =	vadd.s32 $0x10C8E0, v0  }
0xec: {  	[tilespmem:v4+s8+$0x0] =	vst.idx.msk $0xffff, v1;
	v1 =	vadd.s32 $0x124F80, v0  }
0xed: {  	[tilespmem:v7+s8+$0x0] =	vst.idx.msk $0xffff, v1;
	v1 =	vadd.s32 $0x13D620, v0  }
0xee: {  	[tilespmem:v8+s8+$0x0] =	vst.idx.msk $0xffff, v1;
	v1 =	vadd.s32 $0x155CC0, v0  }
0xef: {  	v0 =	vadd.s32 $0x16E360, v0;
	[tilespmem:v46+s8+$0x0] =	vst.idx.msk $0xffff, v1  }
0xf0: {  	[tilespmem:v47+s8+$0x0] =	vst.idx.msk $0xffff, v0  }
0xf1: {  	[tilespmem:s21], [sflag:$0x1] =	stream.indirect.gather [hbm4b:s3+s6], $0x1, s20, s6, $0xb8;
	[tilespmem:$0x14A0] =	vst v63  }
0xf2: {  	[tilespmem:$0x1FCB0] =	vst v7  }
0xf3: {  	[tilespmem:s23], [sflag:$0x1] =	stream.indirect.gather [hbm4b:s3+s6], $0x1, s22, s6, $0xb8;
	[tilespmem:$0x14A0] =	vst v63  }
0xf4: {  	[tilespmem:$0x1FCC0] =	vst v8;
	v4 =	vor.u32 $0x701, v33;
	v1 =	vor.u32 $0x700, v33;
	v0 =	vld [tilespmem:$0x70]  }
0xf5: {  	v7 =	vor.u32 $0x702, v33;
	[tilespmem:$0x1FD00] =	vst v4  }
0xf6: {  	v8 =	vor.u32 $0x703, v33;
	[tilespmem:$0x1FD10] =	vst v7  }
0xf7: {  	[tilespmem:$0x1FD20] =	vst v8  }
0xf8: {  	[tilespmem:$0x1FCF0] =	vst v1  }
0xf9: {  	v16 =	vmov v15;
	v15 =	vor.u32 $0x705, v33;
	[tilespmem:v1+s8+$0x0] =	vst.idx.msk $0xffff, v0;
	v1 =	vadd.s32 $0x186A0, v0  }
0xfa: {  	v54 =	vmov v17;
	v17 =	vor.u32 $0x706, v33;
	[tilespmem:v4+s8+$0x0] =	vst.idx.msk $0xffff, v1;
	v1 =	vadd.s32 $0x30D40, v0  }
0xfb: {  	[tilespmem:v7+s8+$0x0] =	vst.idx.msk $0xffff, v1;
	v1 =	vadd.s32 $0x493E0, v0;
	v7 =	vor.u32 $0x707, v33  }
0xfc: {  	[tilespmem:v8+s8+$0x0] =	vst.idx.msk $0xffff, v1;
	v1 =	vadd.s32 $0x61A80, v0;
	v8 =	vor.u32 $0x708, v33  }
0xfd: {  	v56 =	vmov v53;
	v53 =	vor.u32 $0x709, v33;
	[tilespmem:v50+s8+$0x0] =	vst.idx.msk $0xffff, v1;
	v1 =	vadd.s32 $0x7A120, v0  }
0xfe: {  	v3 =	vmov v15;
	[tilespmem:v15+s8+$0x0] =	vst.idx.msk $0xffff, v1;
	v1 =	vadd.s32 $0x927C0, v0;
	v15 =	vor.u32 $0x70A, v33  }
0xff: {  	v4 =	vmov v17;
	[tilespmem:v17+s8+$0x0] =	vst.idx.msk $0xffff, v1;
	v1 =	vadd.s32 $0xAAE60, v0;
	v17 =	vor.u32 $0x70B, v33  }
0x100: {  	v35 =	vmov v7;
	[tilespmem:v7+s8+$0x0] =	vst.idx.msk $0xffff, v1;
	v1 =	vadd.s32 $0xC3500, v0;
	v7 =	vor.u32 $0x70C, v33  }
0x101: {  	v39 =	vmov v8;
	[tilespmem:v8+s8+$0x0] =	vst.idx.msk $0xffff, v1;
	v1 =	vadd.s32 $0xDBBA0, v0;
	v8 =	vor.u32 $0x70D, v33  }
0x102: {  	v10 =	vmov v63;
	v63 =	vor.u32 $0x70E, v33;
	[tilespmem:v53+s8+$0x0] =	vst.idx.msk $0xffff, v1;
	v1 =	vadd.s32 $0xF4240, v0  }
0x103: {  	v50 =	vmovc v14;
	v14 =	vmovc v5;
	v5 =	vmov v15;
	[tilespmem:v15+s8+$0x0] =	vst.idx.msk $0xffff, v1;
	v1 =	vadd.s32 $0x10C8E0, v0;
	v15 =	vor.u32 $0x70F, v33  }
0x104: {  	[tilespmem:v17+s8+$0x0] =	vst.idx.msk $0xffff, v1;
	v1 =	vadd.s32 $0x124F80, v0  }
0x105: {  	[tilespmem:v7+s8+$0x0] =	vst.idx.msk $0xffff, v1;
	v1 =	vadd.s32 $0x13D620, v0  }
0x106: {  	[tilespmem:v8+s8+$0x0] =	vst.idx.msk $0xffff, v1;
	v1 =	vadd.s32 $0x155CC0, v0  }
0x107: {  	v0 =	vadd.s32 $0x16E360, v0;
	[tilespmem:v63+s8+$0x0] =	vst.idx.msk $0xffff, v1  }
0x108: {  	[tilespmem:v15+s8+$0x0] =	vst.idx.msk $0xffff, v0  }
0x109: {  	[tilespmem:s17], [sflag:$0x1] =	stream.indirect.gather [hbm4b:s3+s6], $0x1, s16, s6, $0xb8;
	[tilespmem:$0x14A0] =	vst v63  }
0x10a: {  	[tilespmem:$0x1FEE0] =	vst v49  }
0x10b: {  	[tilespmem:s19], [sflag:$0x1] =	stream.indirect.gather [hbm4b:s3+s6], $0x1, s18, s6, $0xb8;
	[tilespmem:$0x14A0] =	vst v63  }
0x10c: {  	v59 =	vmov v41;
	[tilespmem:$0x1FD40] =	vst v16;
	v41 =	vmov v7;
	v7 =	vor.u32 $0x800, v33;
	v16 =	vld [tilespmem:$0x80]  }
0x10d: {  	[tilespmem:$0x1FC90] =	vst v43;
	v43 =	vmov v6;
	v6 =	vmov v8;
	v8 =	vor.u32 $0x801, v33  }
0x10e: {  	[tilespmem:$0x1FC30] =	vst v37  }
0x10f: {  	v13 =	vor.u32 $0x802, v33;
	[tilespmem:$0x1FC40] =	vst v38  }
0x110: {  	[tilespmem:$0x1FEC0] =	vst v14;
	v14 =	vor.u32 $0x803, v33  }
0x111: {  	v1 =	vmovc v15;
	v15 =	vor.u32 $0x804, v33;
	v0 =	vmov v7;
	[tilespmem:v7+s8+$0x0] =	vst.idx.msk $0xffff, v16;
	v7 =	vadd.s32 $0x186A0, v16  }
0x112: {  	v11 =	vor.u32 $0x805, v33;
	[tilespmem:v8+s8+$0x0] =	vst.idx.msk $0xffff, v7;
	v7 =	vadd.s32 $0x30D40, v16  }
0x113: {  	v12 =	vor.u32 $0x806, v33;
	[tilespmem:$0x1FD70] =	vst v43  }
0x114: {  	v43 =	vmovc v13;
	v42 =	vmov v8;
	v8 =	vadd.s32 $0x493E0, v16;
	[tilespmem:v13+s8+$0x0] =	vst.idx.msk $0xffff, v7;
	v13 =	vor.u32 $0x807, v33  }
0x115: {  	v9 =	vadd.s32 $0x61A80, v16;
	[tilespmem:v14+s8+$0x0] =	vst.idx.msk $0xffff, v8;
	v7 =	vmov v14;
	v14 =	vor.u32 $0x808, v33  }
0x116: {  	v62 =	vmov v10;
	v10 =	vadd.s32 $0x7A120, v16;
	[tilespmem:v15+s8+$0x0] =	vst.idx.msk $0xffff, v9;
	v9 =	vor.u32 $0x809, v33  }
0x117: {  	v44 =	vmov v11;
	[tilespmem:v11+s8+$0x0] =	vst.idx.msk $0xffff, v10;
	v11 =	vadd.s32 $0x927C0, v16;
	v10 =	vor.u32 $0x80A, v33  }
0x118: {  	v8 =	vmov v12;
	[tilespmem:v12+s8+$0x0] =	vst.idx.msk $0xffff, v11;
	v12 =	vadd.s32 $0xAAE60, v16;
	v11 =	vor.u32 $0x80B, v33  }
0x119: {  	v45 =	vmov v13;
	[tilespmem:v13+s8+$0x0] =	vst.idx.msk $0xffff, v12;
	v13 =	vadd.s32 $0xC3500, v16;
	v12 =	vor.u32 $0x80C, v33  }
0x11a: {  	v2 =	vmov v14;
	[tilespmem:v14+s8+$0x0] =	vst.idx.msk $0xffff, v13;
	v14 =	vadd.s32 $0xDBBA0, v16;
	v13 =	vor.u32 $0x80D, v33  }
0x11b: {  	v38 =	vmov v15;
	v15 =	vadd.s32 $0xF4240, v16;
	[tilespmem:v9+s8+$0x0] =	vst.idx.msk $0xffff, v14;
	v14 =	vor.u32 $0x80E, v33  }
0x11c: {  	v37 =	vmov v17;
	v17 =	vadd.s32 $0x10C8E0, v16;
	[tilespmem:v10+s8+$0x0] =	vst.idx.msk $0xffff, v15;
	v15 =	vor.u32 $0x80F, v33  }
0x11d: {  	[tilespmem:v11+s8+$0x0] =	vst.idx.msk $0xffff, v17;
	v17 =	vadd.s32 $0x124F80, v16  }
0x11e: {  	[tilespmem:v12+s8+$0x0] =	vst.idx.msk $0xffff, v17;
	v17 =	vadd.s32 $0x13D620, v16  }
0x11f: {  	[tilespmem:v13+s8+$0x0] =	vst.idx.msk $0xffff, v17;
	v17 =	vadd.s32 $0x155CC0, v16  }
0x120: {  	v16 =	vadd.s32 $0x16E360, v16;
	[tilespmem:v14+s8+$0x0] =	vst.idx.msk $0xffff, v17  }
0x121: {  	[tilespmem:v15+s8+$0x0] =	vst.idx.msk $0xffff, v16  }
0x122: {  	[tilespmem:s13], [sflag:$0x1] =	stream.indirect.gather [hbm4b:s3+s6], $0x1, s12, s6, $0xb8;
	[tilespmem:$0x14A0] =	vst v63  }
0x123: {  	[tilespmem:$0x1FCD0] =	vst v46  }
0x124: {  	[tilespmem:s15], [sflag:$0x1] =	stream.indirect.gather [hbm4b:s3+s6], $0x1, s14, s6, $0xb8;
	[tilespmem:$0x14A0] =	vst v63  }
0x125: {  	[tilespmem:$0x1FCE0] =	vst v47;
	v16 =	vor.u32 $0x900, v33;
	v34 =	vld [tilespmem:$0x90]  }
0x126: {  	[tilespmem:$0x1FE60] =	vst v54;
	v17 =	vor.u32 $0x901, v33  }
0x127: {  	v18 =	vor.u32 $0x902, v33;
	[tilespmem:$0x1FE80] =	vst v56;
	v47 =	vmov v40  }
0x128: {  	v19 =	vor.u32 $0x903, v33;
	[tilespmem:$0x1FED0] =	vst v47  }
0x129: {  	v20 =	vor.u32 $0x904, v33;
	[tilespmem:$0x1FF20] =	vst v50  }
0x12a: {  	v21 =	vor.u32 $0x905, v33;
	[tilespmem:v16+s8+$0x0] =	vst.idx.msk $0xffff, v34;
	v22 =	vadd.s32 $0x186A0, v34  }
0x12b: {  	v23 =	vadd.s32 $0x30D40, v34;
	[tilespmem:v17+s8+$0x0] =	vst.idx.msk $0xffff, v22;
	v22 =	vor.u32 $0x906, v33  }
0x12c: {  	v24 =	vadd.s32 $0x493E0, v34;
	[tilespmem:v18+s8+$0x0] =	vst.idx.msk $0xffff, v23;
	v23 =	vor.u32 $0x907, v33  }
0x12d: {  	v25 =	vadd.s32 $0x61A80, v34;
	[tilespmem:v19+s8+$0x0] =	vst.idx.msk $0xffff, v24;
	v24 =	vor.u32 $0x908, v33  }
0x12e: {  	v26 =	vadd.s32 $0x7A120, v34;
	[tilespmem:v20+s8+$0x0] =	vst.idx.msk $0xffff, v25;
	v25 =	vor.u32 $0x909, v33  }
0x12f: {  	v27 =	vadd.s32 $0x927C0, v34;
	[tilespmem:v21+s8+$0x0] =	vst.idx.msk $0xffff, v26;
	v26 =	vor.u32 $0x90A, v33  }
0x130: {  	v28 =	vadd.s32 $0xAAE60, v34;
	[tilespmem:v22+s8+$0x0] =	vst.idx.msk $0xffff, v27;
	v27 =	vor.u32 $0x90B, v33  }
0x131: {  	v56 =	vmov v29;
	v29 =	vadd.s32 $0xC3500, v34;
	[tilespmem:v23+s8+$0x0] =	vst.idx.msk $0xffff, v28;
	v28 =	vor.u32 $0x90C, v33  }
0x132: {  	v30 =	vadd.s32 $0xDBBA0, v34;
	[tilespmem:v24+s8+$0x0] =	vst.idx.msk $0xffff, v29;
	v29 =	vor.u32 $0x90D, v33  }
0x133: {  	v61 =	vmovc v60;
	v31 =	vadd.s32 $0xF4240, v34;
	v60 =	vadd.s32 $0x10C8E0, v34;
	[tilespmem:v25+s8+$0x0] =	vst.idx.msk $0xffff, v30;
	v30 =	vor.u32 $0x90E, v33  }
0x134: {  	[tilespmem:v26+s8+$0x0] =	vst.idx.msk $0xffff, v31;
	v31 =	vor.u32 $0x90F, v33  }
0x135: {  	v48 =	vld [tilespmem:$0x1FF70];
	v36 =	vadd.s32 $0x124F80, v34;
	[tilespmem:v27+s8+$0x0] =	vst.idx.msk $0xffff, v60  }
0x136: {  	v49 =	vmov v59;
	v59 =	vld [tilespmem:$0x1FFB0];
	v60 =	vmov v61;
	v61 =	vadd.s32 $0x13D620, v34;
	[tilespmem:v28+s8+$0x0] =	vst.idx.msk $0xffff, v36  }
0x137: {  	v54 =	vld [tilespmem:$0x1FFA0];
	v36 =	vadd.s32 $0x155CC0, v34;
	[tilespmem:v29+s8+$0x0] =	vst.idx.msk $0xffff, v61  }
0x138: {  	v46 =	vld [tilespmem:$0x1FF50];
	v61 =	vadd.s32 $0x16E360, v34;
	[tilespmem:v30+s8+$0x0] =	vst.idx.msk $0xffff, v36  }
0x139: {  	s9 =	simm.s32 $0x1420;
	s1 =	simm.s32 $0xA20;
	v47 =	vld [tilespmem:$0x1FF60];
	[tilespmem:v31+s8+$0x0] =	vst.idx.msk $0xffff, v61  }
0x13a: {  	v50 =	vld [tilespmem:$0x1FF80];
	[tilespmem:s9], [sflag:$0x1] =	stream.indirect.gather [hbm4b:s3+s6], $0x1, s1, s6, $0xb8  }
0x13b: {  	v40 =	vmov v53;
	v53 =	vmov v52;
	v52 =	vmov v51;
	v51 =	vld [tilespmem:$0x1FF90];
	_ =	swait.ge [sflag:s7], $0x80  }
0x13c: {  	[sflag:s7] =	ssyncset.done $0x0  }
0x13d: {  	[sflag:s7] =	ssyncadd.s32 $0xFFFFFF80  }
0x13e: {  	_ =	swait.ge [sflag:s7], $0x80  }
0x13f: {  	[sflag:s7] =	ssyncset.done $0x0  }
0x140: {  	[sflag:s7] =	ssyncadd.s32 $0xFFFFFF80  }
0x141: {  	_ =	swait.ge [sflag:s7], $0x80  }
0x142: {  	[sflag:s7] =	ssyncset.done $0x0  }
0x143: {  	[sflag:s7] =	ssyncadd.s32 $0xFFFFFF80  }
0x144: {  	_ =	swait.ge [sflag:s7], $0x80  }
0x145: {  	[sflag:s7] =	ssyncset.done $0x0  }
0x146: {  	[sflag:s7] =	ssyncadd.s32 $0xFFFFFF80  }
0x147: {  	_ =	swait.ge [sflag:s7], $0x80  }
0x148: {  	[sflag:s7] =	ssyncset.done $0x0  }
0x149: {  	[sflag:s7] =	ssyncadd.s32 $0xFFFFFF80  }
0x14a: {  	_ =	swait.ge [sflag:s7], $0x80  }
0x14b: {  	[sflag:s7] =	ssyncset.done $0x0  }
0x14c: {  	[sflag:s7] =	ssyncadd.s32 $0xFFFFFF80  }
0x14d: {  	_ =	swait.ge [sflag:s7], $0x80  }
0x14e: {  	[sflag:s7] =	ssyncset.done $0x0  }
0x14f: {  	[sflag:s7] =	ssyncadd.s32 $0xFFFFFF80  }
0x150: {  	_ =	swait.ge [sflag:s7], $0x80  }
0x151: {  	[sflag:s7] =	ssyncset.done $0x0  }
0x152: {  	[sflag:s7] =	ssyncadd.s32 $0xFFFFFF80  }
0x153: {  	_ =	swait.ge [sflag:s7], $0x80  }
0x154: {  	[sflag:s7] =	ssyncset.done $0x0  }
0x155: {  	[sflag:s7] =	ssyncadd.s32 $0xFFFFFF80  }
0x156: {  	_ =	swait.ge [sflag:s7], $0x80  }
0x157: {  	[sflag:s7] =	ssyncset.done $0x0  }
0x158: {  	[sflag:s7] =	ssyncadd.s32 $0xFFFFFF80  }
0x159: {  	_ =	swait.ge [sflag:s7], $0x80  }
0x15a: {  	[sflag:s7] =	ssyncset.done $0x0  }
0x15b: {  	[sflag:s7] =	ssyncadd.s32 $0xFFFFFF80  }
0x15c: {  	_ =	swait.ge [sflag:s7], $0x80  }
0x15d: {  	[sflag:s7] =	ssyncset.done $0x0  }
0x15e: {  	[sflag:s7] =	ssyncadd.s32 $0xFFFFFF80  }
0x15f: {  	_ =	swait.ge [sflag:s7], $0x80  }
0x160: {  	[sflag:s7] =	ssyncset.done $0x0  }
0x161: {  	[sflag:s7] =	ssyncadd.s32 $0xFFFFFF80  }
0x162: {  	_ =	swait.ge [sflag:s7], $0x80  }
0x163: {  	[sflag:s7] =	ssyncset.done $0x0  }
0x164: {  	[sflag:s7] =	ssyncadd.s32 $0xFFFFFF80  }
0x165: {  	_ =	swait.ge [sflag:s7], $0x80  }
0x166: {  	[sflag:s7] =	ssyncset.done $0x0  }
0x167: {  	[sflag:s7] =	ssyncadd.s32 $0xFFFFFF80  }
0x168: {  	_ =	swait.ge [sflag:s7], $0x80  }
0x169: {  	[sflag:s7] =	ssyncset.done $0x0  }
0x16a: {  	[sflag:s7] =	ssyncadd.s32 $0xFFFFFF80  }
0x16b: {  	_ =	swait.ge [sflag:s7], $0x80  }
0x16c: {  	[sflag:s7] =	ssyncset.done $0x0  }
0x16d: {  	[sflag:s7] =	ssyncadd.s32 $0xFFFFFF80  }
0x16e: {  	_ =	swait.ge [sflag:s7], $0x80  }
0x16f: {  	[sflag:s7] =	ssyncset.done $0x0  }
0x170: {  	[sflag:s7] =	ssyncadd.s32 $0xFFFFFF80  }
0x171: {  	_ =	swait.ge [sflag:s7], $0x80  }
0x172: {  	[sflag:s7] =	ssyncset.done $0x0  }
0x173: {  	[sflag:s7] =	ssyncadd.s32 $0xFFFFFF80  }
0x174: {  	p1 =	sne.s32 s11, $0x1;
	_ =	swait.ge [sflag:s7], $0x80  }
.Ltmp1:
0x175: {  	[sflag:s7] =	ssyncset.done $0x0;
	(pc) =	sbr.rel @!p1 .LBB2_7-.Ltmp1, $4  }
0x176: {  	s10 =	rddreg [dreg:$0x4];
	[sflag:s7] =	ssyncadd.s32 $0xFFFFFF80  }
0x177: {  	[hbm4b:s10+s2] =	stream.linear.scatter [tilespmem:s5], [sflag:$0x2], $0xA00, $0x38;
	[tilespmem:$0x14A0] =	vst v63  }
0x178: {  	p0 =	por $0x1, $0x1;
	_ =	swait.ge [sflag:s4], $0xA00  }
0x179: {  	s1 =	sadd.s32 $0xFFFFFFFF, s11;
	s0 =	rddreg [dreg:$0x3];
	[sflag:s4] =	ssyncset.done $0x0;
	v61 =	vld [tilespmem:$0x1FFC0]  }
0x17a: {  	v36 =	vmov v63  }
.LBB2_4:
0x17b: {  	[sflag:s4] =	ssyncadd.s32 $0xFFFFF600  }
0x17c: {  	[tilespmem:s2], [sflag:$0x2] =	stream.linear.gather [hbm4b:s0+s2], $0xA0, $0x38;
	[tilespmem:$0x14A0] =	vst v63  }
0x17d: {  	_ =	swait.ge [sflag:s4], $0xA0  }
0x17e: {  	[sflag:s4] =	ssyncset.done $0x0  }
0x17f: {  	[sflag:s4] =	ssyncadd.s32 $0xFFFFFF60  }
0x180: {  	[tilespmem:s5], [sflag:$0x1] =	stream.indirect.gather [hbm4b:s3+s6], $0x1, s8, s6, $0xb8;
	[tilespmem:$0x14A0] =	vst v63  }
0x181: {  	v32 =	vld [tilespmem:$0x0];
	_ =	sdelay $0x4  }
0x182: {  	[tilespmem:v33+s8+$0x0] =	vst.idx.msk $0xffff, v32;
	v63 =	vadd.s32 $0x186A0, v32  }
0x183: {  	[tilespmem:v62+s8+$0x0] =	vst.idx.msk $0xffff, v63;
	v63 =	vld [tilespmem:$0x1FD50];
	_ =	sdelay $0x6  }
0x184: {  	v34 =	vmov v33;
	v33 =	vadd.s32 $0x30D40, v32  }
0x185: {  	[tilespmem:v63+s8+$0x0] =	vst.idx.msk $0xffff, v33;
	v63 =	vadd.s32 $0x493E0, v32  }
0x186: {  	[tilespmem:v59+s8+$0x0] =	vst.idx.msk $0xffff, v63;
	v63 =	vld [tilespmem:$0x1FFD0];
	_ =	sdelay $0x6  }
0x187: {  	v33 =	vadd.s32 $0x61A80, v32  }
0x188: {  	[tilespmem:v63+s8+$0x0] =	vst.idx.msk $0xffff, v33;
	v63 =	vadd.s32 $0x7A120, v32  }
0x189: {  	[tilespmem:v60+s8+$0x0] =	vst.idx.msk $0xffff, v63;
	v63 =	vadd.s32 $0x927C0, v32  }
0x18a: {  	[tilespmem:v56+s8+$0x0] =	vst.idx.msk $0xffff, v63;
	v63 =	vadd.s32 $0xAAE60, v32  }
0x18b: {  	[tilespmem:v61+s8+$0x0] =	vst.idx.msk $0xffff, v63;
	v63 =	vadd.s32 $0xC3500, v32  }
0x18c: {  	[tilespmem:v57+s8+$0x0] =	vst.idx.msk $0xffff, v63;
	v63 =	vadd.s32 $0xDBBA0, v32  }
0x18d: {  	[tilespmem:v54+s8+$0x0] =	vst.idx.msk $0xffff, v63;
	v63 =	vadd.s32 $0xF4240, v32  }
0x18e: {  	[tilespmem:v58+s8+$0x0] =	vst.idx.msk $0xffff, v63;
	v63 =	vadd.s32 $0x10C8E0, v32  }
0x18f: {  	[tilespmem:v55+s8+$0x0] =	vst.idx.msk $0xffff, v63;
	v63 =	vadd.s32 $0x124F80, v32  }
0x190: {  	[tilespmem:v52+s8+$0x0] =	vst.idx.msk $0xffff, v63;
	v63 =	vadd.s32 $0x13D620, v32  }
0x191: {  	s0 =	rddreg [dreg:$0x6];
	[tilespmem:v53+s8+$0x0] =	vst.idx.msk $0xffff, v63;
	v63 =	vadd.s32 $0x155CC0, v32  }
0x192: {  	s9 =	rddreg [dreg:$0x5];
	v32 =	vadd.s32 $0x16E360, v32;
	[tilespmem:v51+s8+$0x0] =	vst.idx.msk $0xffff, v63  }
0x193: {  	s10 =	rddreg [dreg:$0x8];
	[tilespmem:v50+s8+$0x0] =	vst.idx.msk $0xffff, v32  }
0x194: {  	v63 =	vld [tilespmem:$0x1F9D0];
	[tilespmem:s0], [sflag:$0x1] =	stream.indirect.gather [hbm4b:s3+s6], $0x1, s9, s6, $0xb8  }
0x195: {  	s11 =	rddreg [dreg:$0x7]  }
0x196: {  	[tilespmem:s10], [sflag:$0x1] =	stream.indirect.gather [hbm4b:s3+s6], $0x1, s11, s6, $0xb8;
	[tilespmem:$0x14A0] =	vst v63  }
0x197: {  	v32 =	vld [tilespmem:$0x10];
	_ =	sdelay $0x4  }
0x198: {  	[tilespmem:v63+s8+$0x0] =	vst.idx.msk $0xffff, v32;
	v63 =	vld [tilespmem:$0x1F960];
	_ =	sdelay $0x6  }
0x199: {  	v33 =	vadd.s32 $0x186A0, v32  }
0x19a: {  	[tilespmem:v63+s8+$0x0] =	vst.idx.msk $0xffff, v33;
	v63 =	vld [tilespmem:$0x1F970];
	_ =	sdelay $0x6  }
0x19b: {  	v33 =	vadd.s32 $0x30D40, v32  }
0x19c: {  	[tilespmem:v63+s8+$0x0] =	vst.idx.msk $0xffff, v33;
	v63 =	vadd.s32 $0x493E0, v32  }
0x19d: {  	[tilespmem:v46+s8+$0x0] =	vst.idx.msk $0xffff, v63;
	v63 =	vld [tilespmem:$0x1F980];
	_ =	sdelay $0x6  }
0x19e: {  	v33 =	vadd.s32 $0x61A80, v32  }
0x19f: {  	[tilespmem:v63+s8+$0x0] =	vst.idx.msk $0xffff, v33;
	v63 =	vld [tilespmem:$0x1F990];
	_ =	sdelay $0x6  }
0x1a0: {  	v33 =	vadd.s32 $0x7A120, v32  }
0x1a1: {  	[tilespmem:v63+s8+$0x0] =	vst.idx.msk $0xffff, v33;
	v63 =	vadd.s32 $0x927C0, v32  }
0x1a2: {  	[tilespmem:v47+s8+$0x0] =	vst.idx.msk $0xffff, v63;
	v63 =	vld [tilespmem:$0x1FF40];
	_ =	sdelay $0x6  }
0x1a3: {  	v33 =	vadd.s32 $0xAAE60, v32  }
0x1a4: {  	[tilespmem:v63+s8+$0x0] =	vst.idx.msk $0xffff, v33;
	v63 =	vld [tilespmem:$0x1F9A0];
	_ =	sdelay $0x6  }
0x1a5: {  	v33 =	vadd.s32 $0xC3500, v32  }
0x1a6: {  	[tilespmem:v63+s8+$0x0] =	vst.idx.msk $0xffff, v33;
	v63 =	vadd.s32 $0xDBBA0, v32  }
0x1a7: {  	[tilespmem:v48+s8+$0x0] =	vst.idx.msk $0xffff, v63;
	v63 =	vld [tilespmem:$0x1FD40];
	_ =	sdelay $0x6  }
0x1a8: {  	v33 =	vadd.s32 $0xF4240, v32  }
0x1a9: {  	[tilespmem:v63+s8+$0x0] =	vst.idx.msk $0xffff, v33;
	v63 =	vld [tilespmem:$0x1F9B0];
	_ =	sdelay $0x6  }
0x1aa: {  	v33 =	vadd.s32 $0x10C8E0, v32  }
0x1ab: {  	[tilespmem:v63+s8+$0x0] =	vst.idx.msk $0xffff, v33;
	v63 =	vadd.s32 $0x124F80, v32  }
0x1ac: {  	[tilespmem:v49+s8+$0x0] =	vst.idx.msk $0xffff, v63;
	v63 =	vld [tilespmem:$0x1F950];
	_ =	sdelay $0x6  }
0x1ad: {  	v33 =	vadd.s32 $0x13D620, v32  }
0x1ae: {  	[tilespmem:v63+s8+$0x0] =	vst.idx.msk $0xffff, v33;
	v63 =	vld [tilespmem:$0x1FF30];
	_ =	sdelay $0x6  }
0x1af: {  	v33 =	vadd.s32 $0x155CC0, v32  }
0x1b0: {  	[tilespmem:v63+s8+$0x0] =	vst.idx.msk $0xffff, v33;
	v63 =	vld [tilespmem:$0x1FF20];
	_ =	sdelay $0x5  }
0x1b1: {  	s0 =	rddreg [dreg:$0xa]  }
0x1b2: {  	s9 =	rddreg [dreg:$0x9];
	v32 =	vadd.s32 $0x16E360, v32  }
0x1b3: {  	s10 =	rddreg [dreg:$0xc];
	[tilespmem:v63+s8+$0x0] =	vst.idx.msk $0xffff, v32  }
0x1b4: {  	v63 =	vld [tilespmem:$0x1FEC0];
	[tilespmem:s0], [sflag:$0x1] =	stream.indirect.gather [hbm4b:s3+s6], $0x1, s9, s6, $0xb8  }
0x1b5: {  	s11 =	rddreg [dreg:$0xb]  }
0x1b6: {  	[tilespmem:s10], [sflag:$0x1] =	stream.indirect.gather [hbm4b:s3+s6], $0x1, s11, s6, $0xb8;
	[tilespmem:$0x14A0] =	vst v63  }
0x1b7: {  	v32 =	vld [tilespmem:$0x20];
	_ =	sdelay $0x4  }
0x1b8: {  	[tilespmem:v63+s8+$0x0] =	vst.idx.msk $0xffff, v32;
	v63 =	vld [tilespmem:$0x1FE80];
	_ =	sdelay $0x6  }
0x1b9: {  	v33 =	vadd.s32 $0x186A0, v32  }
0x1ba: {  	[tilespmem:v63+s8+$0x0] =	vst.idx.msk $0xffff, v33;
	v63 =	vld [tilespmem:$0x1F9C0];
	_ =	sdelay $0x6  }
0x1bb: {  	v33 =	vadd.s32 $0x30D40, v32  }
0x1bc: {  	[tilespmem:v63+s8+$0x0] =	vst.idx.msk $0xffff, v33;
	v63 =	vld [tilespmem:$0x1FF10];
	_ =	sdelay $0x6  }
0x1bd: {  	v33 =	vadd.s32 $0x493E0, v32  }
0x1be: {  	[tilespmem:v63+s8+$0x0] =	vst.idx.msk $0xffff, v33;
	v63 =	vld [tilespmem:$0x1FED0];
	_ =	sdelay $0x6  }
0x1bf: {  	v33 =	vadd.s32 $0x61A80, v32  }
0x1c0: {  	[tilespmem:v63+s8+$0x0] =	vst.idx.msk $0xffff, v33;
	v63 =	vld [tilespmem:$0x1FEE0];
	_ =	sdelay $0x6  }
0x1c1: {  	v33 =	vadd.s32 $0x7A120, v32  }
0x1c2: {  	[tilespmem:v63+s8+$0x0] =	vst.idx.msk $0xffff, v33;
	v63 =	vld [tilespmem:$0x1FE90];
	_ =	sdelay $0x6  }
0x1c3: {  	v33 =	vadd.s32 $0x927C0, v32  }
0x1c4: {  	[tilespmem:v63+s8+$0x0] =	vst.idx.msk $0xffff, v33;
	v63 =	vld [tilespmem:$0x1FE50];
	_ =	sdelay $0x6  }
0x1c5: {  	v33 =	vadd.s32 $0xAAE60, v32  }
0x1c6: {  	[tilespmem:v63+s8+$0x0] =	vst.idx.msk $0xffff, v33;
	v63 =	vld [tilespmem:$0x1FEF0];
	_ =	sdelay $0x6  }
0x1c7: {  	v33 =	vadd.s32 $0xC3500, v32  }
0x1c8: {  	[tilespmem:v63+s8+$0x0] =	vst.idx.msk $0xffff, v33;
	v63 =	vld [tilespmem:$0x1FEA0];
	_ =	sdelay $0x6  }
0x1c9: {  	v33 =	vadd.s32 $0xDBBA0, v32  }
0x1ca: {  	[tilespmem:v63+s8+$0x0] =	vst.idx.msk $0xffff, v33;
	v63 =	vld [tilespmem:$0x1FE60];
	_ =	sdelay $0x6  }
0x1cb: {  	v33 =	vadd.s32 $0xF4240, v32  }
0x1cc: {  	[tilespmem:v63+s8+$0x0] =	vst.idx.msk $0xffff, v33;
	v63 =	vld [tilespmem:$0x1FF00];
	_ =	sdelay $0x6  }
0x1cd: {  	v33 =	vadd.s32 $0x10C8E0, v32  }
0x1ce: {  	[tilespmem:v63+s8+$0x0] =	vst.idx.msk $0xffff, v33;
	v63 =	vld [tilespmem:$0x1FEB0];
	_ =	sdelay $0x6  }
0x1cf: {  	v33 =	vadd.s32 $0x124F80, v32  }
0x1d0: {  	[tilespmem:v63+s8+$0x0] =	vst.idx.msk $0xffff, v33;
	v63 =	vld [tilespmem:$0x1FE40];
	_ =	sdelay $0x6  }
0x1d1: {  	v33 =	vadd.s32 $0x13D620, v32  }
0x1d2: {  	[tilespmem:v63+s8+$0x0] =	vst.idx.msk $0xffff, v33;
	v63 =	vld [tilespmem:$0x1FE70];
	_ =	sdelay $0x6  }
0x1d3: {  	v33 =	vadd.s32 $0x155CC0, v32  }
0x1d4: {  	[tilespmem:v63+s8+$0x0] =	vst.idx.msk $0xffff, v33;
	v63 =	vld [tilespmem:$0x1FE30];
	_ =	sdelay $0x5  }
0x1d5: {  	s0 =	rddreg [dreg:$0xe]  }
0x1d6: {  	s9 =	rddreg [dreg:$0xd];
	v32 =	vadd.s32 $0x16E360, v32  }
0x1d7: {  	s10 =	rddreg [dreg:$0x10];
	[tilespmem:v63+s8+$0x0] =	vst.idx.msk $0xffff, v32  }
0x1d8: {  	v63 =	vld [tilespmem:$0x1FD60];
	[tilespmem:s0], [sflag:$0x1] =	stream.indirect.gather [hbm4b:s3+s6], $0x1, s9, s6, $0xb8  }
0x1d9: {  	s11 =	rddreg [dreg:$0xf]  }
0x1da: {  	[tilespmem:s10], [sflag:$0x1] =	stream.indirect.gather [hbm4b:s3+s6], $0x1, s11, s6, $0xb8;
	[tilespmem:$0x14A0] =	vst v63  }
0x1db: {  	v32 =	vld [tilespmem:$0x30];
	_ =	sdelay $0x4  }
0x1dc: {  	[tilespmem:v63+s8+$0x0] =	vst.idx.msk $0xffff, v32;
	v63 =	vld [tilespmem:$0x1FDF0];
	_ =	sdelay $0x6  }
0x1dd: {  	v33 =	vadd.s32 $0x186A0, v32  }
0x1de: {  	[tilespmem:v63+s8+$0x0] =	vst.idx.msk $0xffff, v33;
	v63 =	vld [tilespmem:$0x1F9F0];
	_ =	sdelay $0x6  }
0x1df: {  	v33 =	vadd.s32 $0x30D40, v32  }
0x1e0: {  	[tilespmem:v63+s8+$0x0] =	vst.idx.msk $0xffff, v33;
	v63 =	vld [tilespmem:$0x1FD70];
	_ =	sdelay $0x6  }
0x1e1: {  	v33 =	vadd.s32 $0x493E0, v32  }
0x1e2: {  	[tilespmem:v63+s8+$0x0] =	vst.idx.msk $0xffff, v33;
	v63 =	vld [tilespmem:$0x1FE00];
	_ =	sdelay $0x6  }
0x1e3: {  	v33 =	vadd.s32 $0x61A80, v32  }
0x1e4: {  	[tilespmem:v63+s8+$0x0] =	vst.idx.msk $0xffff, v33;
	v63 =	vld [tilespmem:$0x1FDB0];
	_ =	sdelay $0x6  }
0x1e5: {  	v33 =	vadd.s32 $0x7A120, v32  }
0x1e6: {  	[tilespmem:v63+s8+$0x0] =	vst.idx.msk $0xffff, v33;
	v63 =	vld [tilespmem:$0x1FD80];
	_ =	sdelay $0x6  }
0x1e7: {  	v33 =	vadd.s32 $0x927C0, v32  }
0x1e8: {  	[tilespmem:v63+s8+$0x0] =	vst.idx.msk $0xffff, v33;
	v63 =	vld [tilespmem:$0x1FE10];
	_ =	sdelay $0x6  }
0x1e9: {  	v33 =	vadd.s32 $0xAAE60, v32  }
0x1ea: {  	[tilespmem:v63+s8+$0x0] =	vst.idx.msk $0xffff, v33;
	v63 =	vld [tilespmem:$0x1FDC0];
	_ =	sdelay $0x6  }
0x1eb: {  	v33 =	vadd.s32 $0xC3500, v32  }
0x1ec: {  	[tilespmem:v63+s8+$0x0] =	vst.idx.msk $0xffff, v33;
	v63 =	vld [tilespmem:$0x1FD90];
	_ =	sdelay $0x6  }
0x1ed: {  	v33 =	vadd.s32 $0xDBBA0, v32  }
0x1ee: {  	[tilespmem:v63+s8+$0x0] =	vst.idx.msk $0xffff, v33;
	v63 =	vld [tilespmem:$0x1FE20];
	_ =	sdelay $0x6  }
0x1ef: {  	v33 =	vadd.s32 $0xF4240, v32  }
0x1f0: {  	[tilespmem:v63+s8+$0x0] =	vst.idx.msk $0xffff, v33;
	v63 =	vld [tilespmem:$0x1FDD0];
	_ =	sdelay $0x6  }
0x1f1: {  	v33 =	vadd.s32 $0x10C8E0, v32  }
0x1f2: {  	[tilespmem:v63+s8+$0x0] =	vst.idx.msk $0xffff, v33;
	v63 =	vld [tilespmem:$0x1FDA0];
	_ =	sdelay $0x6  }
0x1f3: {  	v33 =	vadd.s32 $0x124F80, v32  }
0x1f4: {  	[tilespmem:v63+s8+$0x0] =	vst.idx.msk $0xffff, v33;
	v63 =	vld [tilespmem:$0x1FDE0];
	_ =	sdelay $0x6  }
0x1f5: {  	v33 =	vadd.s32 $0x13D620, v32  }
0x1f6: {  	[tilespmem:v63+s8+$0x0] =	vst.idx.msk $0xffff, v33;
	v63 =	vld [tilespmem:$0x1FFE0];
	_ =	sdelay $0x6  }
0x1f7: {  	v33 =	vadd.s32 $0x155CC0, v32  }
0x1f8: {  	[tilespmem:v63+s8+$0x0] =	vst.idx.msk $0xffff, v33;
	v63 =	vld [tilespmem:$0x1FFF0];
	_ =	sdelay $0x5  }
0x1f9: {  	s0 =	rddreg [dreg:$0x12]  }
0x1fa: {  	s9 =	rddreg [dreg:$0x11];
	v32 =	vadd.s32 $0x16E360, v32  }
0x1fb: {  	s10 =	rddreg [dreg:$0x14];
	[tilespmem:v63+s8+$0x0] =	vst.idx.msk $0xffff, v32  }
0x1fc: {  	v63 =	vld [tilespmem:$0x1F9E0];
	[tilespmem:s0], [sflag:$0x1] =	stream.indirect.gather [hbm4b:s3+s6], $0x1, s9, s6, $0xb8  }
0x1fd: {  	s11 =	rddreg [dreg:$0x13]  }
0x1fe: {  	[tilespmem:s10], [sflag:$0x1] =	stream.indirect.gather [hbm4b:s3+s6], $0x1, s11, s6, $0xb8;
	[tilespmem:$0x14A0] =	vst v63  }
0x1ff: {  	v32 =	vld [tilespmem:$0x40];
	_ =	sdelay $0x4  }
0x200: {  	[tilespmem:v63+s8+$0x0] =	vst.idx.msk $0xffff, v32;
	v63 =	vld [tilespmem:$0x1FA00];
	_ =	sdelay $0x6  }
0x201: {  	v33 =	vadd.s32 $0x186A0, v32  }
0x202: {  	[tilespmem:v63+s8+$0x0] =	vst.idx.msk $0xffff, v33;
	v63 =	vld [tilespmem:$0x1FA10];
	_ =	sdelay $0x6  }
0x203: {  	v33 =	vadd.s32 $0x30D40, v32  }
0x204: {  	[tilespmem:v63+s8+$0x0] =	vst.idx.msk $0xffff, v33;
	v63 =	vld [tilespmem:$0x1FA20];
	_ =	sdelay $0x6  }
0x205: {  	v33 =	vadd.s32 $0x493E0, v32  }
0x206: {  	[tilespmem:v63+s8+$0x0] =	vst.idx.msk $0xffff, v33;
	v63 =	vld [tilespmem:$0x1FA30];
	_ =	sdelay $0x6  }
0x207: {  	v33 =	vadd.s32 $0x61A80, v32  }
0x208: {  	[tilespmem:v63+s8+$0x0] =	vst.idx.msk $0xffff, v33;
	v63 =	vld [tilespmem:$0x1FA40];
	_ =	sdelay $0x6  }
0x209: {  	v33 =	vadd.s32 $0x7A120, v32  }
0x20a: {  	[tilespmem:v63+s8+$0x0] =	vst.idx.msk $0xffff, v33;
	v63 =	vld [tilespmem:$0x1FA50];
	_ =	sdelay $0x6  }
0x20b: {  	v33 =	vadd.s32 $0x927C0, v32  }
0x20c: {  	[tilespmem:v63+s8+$0x0] =	vst.idx.msk $0xffff, v33;
	v63 =	vld [tilespmem:$0x1FA60];
	_ =	sdelay $0x6  }
0x20d: {  	v33 =	vadd.s32 $0xAAE60, v32  }
0x20e: {  	[tilespmem:v63+s8+$0x0] =	vst.idx.msk $0xffff, v33;
	v63 =	vld [tilespmem:$0x1FA70];
	_ =	sdelay $0x6  }
0x20f: {  	v33 =	vadd.s32 $0xC3500, v32  }
0x210: {  	[tilespmem:v63+s8+$0x0] =	vst.idx.msk $0xffff, v33;
	v63 =	vld [tilespmem:$0x1FA80];
	_ =	sdelay $0x6  }
0x211: {  	v33 =	vadd.s32 $0xDBBA0, v32  }
0x212: {  	[tilespmem:v63+s8+$0x0] =	vst.idx.msk $0xffff, v33;
	v63 =	vld [tilespmem:$0x1FA90];
	_ =	sdelay $0x6  }
0x213: {  	v33 =	vadd.s32 $0xF4240, v32  }
0x214: {  	[tilespmem:v63+s8+$0x0] =	vst.idx.msk $0xffff, v33;
	v63 =	vld [tilespmem:$0x1FAA0];
	_ =	sdelay $0x6  }
0x215: {  	v33 =	vadd.s32 $0x10C8E0, v32  }
0x216: {  	[tilespmem:v63+s8+$0x0] =	vst.idx.msk $0xffff, v33;
	v63 =	vld [tilespmem:$0x1FAB0];
	_ =	sdelay $0x6  }
0x217: {  	v33 =	vadd.s32 $0x124F80, v32  }
0x218: {  	[tilespmem:v63+s8+$0x0] =	vst.idx.msk $0xffff, v33;
	v63 =	vld [tilespmem:$0x1FAC0];
	_ =	sdelay $0x6  }
0x219: {  	v33 =	vadd.s32 $0x13D620, v32  }
0x21a: {  	[tilespmem:v63+s8+$0x0] =	vst.idx.msk $0xffff, v33;
	v63 =	vld [tilespmem:$0x1FAD0];
	_ =	sdelay $0x6  }
0x21b: {  	v33 =	vadd.s32 $0x155CC0, v32  }
0x21c: {  	[tilespmem:v63+s8+$0x0] =	vst.idx.msk $0xffff, v33;
	v63 =	vld [tilespmem:$0x1FAE0];
	_ =	sdelay $0x6  }
0x21d: {  	v32 =	vadd.s32 $0x16E360, v32  }
0x21e: {  	s11 =	simm.s32 $0x520;
	[tilespmem:v63+s8+$0x0] =	vst.idx.msk $0xffff, v32  }
0x21f: {  	v63 =	vld [tilespmem:$0x1FAF0];
	[tilespmem:s30], [sflag:$0x1] =	stream.indirect.gather [hbm4b:s3+s6], $0x1, s11, s6, $0xb8  }
0x220: {  	_ = 	snop  }
0x221: {  	[tilespmem:s29], [sflag:$0x1] =	stream.indirect.gather [hbm4b:s3+s6], $0x1, s31, s6, $0xb8;
	[tilespmem:$0x14A0] =	vst v63  }
0x222: {  	v32 =	vld [tilespmem:$0x50];
	_ =	sdelay $0x4  }
0x223: {  	[tilespmem:v63+s8+$0x0] =	vst.idx.msk $0xffff, v32;
	v63 =	vld [tilespmem:$0x1FB00];
	_ =	sdelay $0x6  }
0x224: {  	v33 =	vadd.s32 $0x186A0, v32  }
0x225: {  	[tilespmem:v63+s8+$0x0] =	vst.idx.msk $0xffff, v33;
	v63 =	vld [tilespmem:$0x1FB10];
	_ =	sdelay $0x6  }
0x226: {  	v33 =	vadd.s32 $0x30D40, v32  }
0x227: {  	[tilespmem:v63+s8+$0x0] =	vst.idx.msk $0xffff, v33;
	v63 =	vld [tilespmem:$0x1FB20];
	_ =	sdelay $0x6  }
0x228: {  	v33 =	vadd.s32 $0x493E0, v32  }
0x229: {  	[tilespmem:v63+s8+$0x0] =	vst.idx.msk $0xffff, v33;
	v63 =	vld [tilespmem:$0x1FB30];
	_ =	sdelay $0x6  }
0x22a: {  	v33 =	vadd.s32 $0x61A80, v32  }
0x22b: {  	[tilespmem:v63+s8+$0x0] =	vst.idx.msk $0xffff, v33;
	v63 =	vld [tilespmem:$0x1FB40];
	_ =	sdelay $0x6  }
0x22c: {  	v33 =	vadd.s32 $0x7A120, v32  }
0x22d: {  	[tilespmem:v63+s8+$0x0] =	vst.idx.msk $0xffff, v33;
	v63 =	vld [tilespmem:$0x1FB50];
	_ =	sdelay $0x6  }
0x22e: {  	v33 =	vadd.s32 $0x927C0, v32  }
0x22f: {  	[tilespmem:v63+s8+$0x0] =	vst.idx.msk $0xffff, v33;
	v63 =	vld [tilespmem:$0x1FB60];
	_ =	sdelay $0x6  }
0x230: {  	v33 =	vadd.s32 $0xAAE60, v32  }
0x231: {  	[tilespmem:v63+s8+$0x0] =	vst.idx.msk $0xffff, v33;
	v63 =	vld [tilespmem:$0x1FB70];
	_ =	sdelay $0x6  }
0x232: {  	v33 =	vadd.s32 $0xC3500, v32  }
0x233: {  	[tilespmem:v63+s8+$0x0] =	vst.idx.msk $0xffff, v33;
	v63 =	vld [tilespmem:$0x1FB80];
	_ =	sdelay $0x6  }
0x234: {  	v33 =	vadd.s32 $0xDBBA0, v32  }
0x235: {  	[tilespmem:v63+s8+$0x0] =	vst.idx.msk $0xffff, v33;
	v63 =	vld [tilespmem:$0x1FB90];
	_ =	sdelay $0x6  }
0x236: {  	v33 =	vadd.s32 $0xF4240, v32  }
0x237: {  	[tilespmem:v63+s8+$0x0] =	vst.idx.msk $0xffff, v33;
	v63 =	vld [tilespmem:$0x1FBA0];
	_ =	sdelay $0x6  }
0x238: {  	v33 =	vadd.s32 $0x10C8E0, v32  }
0x239: {  	[tilespmem:v63+s8+$0x0] =	vst.idx.msk $0xffff, v33;
	v63 =	vld [tilespmem:$0x1FBB0];
	_ =	sdelay $0x6  }
0x23a: {  	v33 =	vadd.s32 $0x124F80, v32  }
0x23b: {  	[tilespmem:v63+s8+$0x0] =	vst.idx.msk $0xffff, v33;
	v63 =	vld [tilespmem:$0x1FBC0];
	_ =	sdelay $0x6  }
0x23c: {  	v33 =	vadd.s32 $0x13D620, v32  }
0x23d: {  	[tilespmem:v63+s8+$0x0] =	vst.idx.msk $0xffff, v33;
	v63 =	vld [tilespmem:$0x1FBD0];
	_ =	sdelay $0x6  }
0x23e: {  	v33 =	vadd.s32 $0x155CC0, v32  }
0x23f: {  	[tilespmem:v63+s8+$0x0] =	vst.idx.msk $0xffff, v33;
	v63 =	vld [tilespmem:$0x1FBE0];
	_ =	sdelay $0x6  }
0x240: {  	v32 =	vadd.s32 $0x16E360, v32  }
0x241: {  	[tilespmem:v63+s8+$0x0] =	vst.idx.msk $0xffff, v32  }
0x242: {  	v63 =	vld [tilespmem:$0x1FBF0];
	[tilespmem:s25], [sflag:$0x1] =	stream.indirect.gather [hbm4b:s3+s6], $0x1, s24, s6, $0xb8  }
0x243: {  	_ = 	snop  }
0x244: {  	[tilespmem:s28], [sflag:$0x1] =	stream.indirect.gather [hbm4b:s3+s6], $0x1, s26, s6, $0xb8;
	[tilespmem:$0x14A0] =	vst v63  }
0x245: {  	v32 =	vld [tilespmem:$0x60];
	_ =	sdelay $0x4  }
0x246: {  	[tilespmem:v63+s8+$0x0] =	vst.idx.msk $0xffff, v32;
	v63 =	vld [tilespmem:$0x1FC00];
	_ =	sdelay $0x6  }
0x247: {  	v33 =	vadd.s32 $0x186A0, v32  }
0x248: {  	[tilespmem:v63+s8+$0x0] =	vst.idx.msk $0xffff, v33;
	v63 =	vld [tilespmem:$0x1FC10];
	_ =	sdelay $0x6  }
0x249: {  	v33 =	vadd.s32 $0x30D40, v32  }
0x24a: {  	[tilespmem:v63+s8+$0x0] =	vst.idx.msk $0xffff, v33;
	v63 =	vld [tilespmem:$0x1FC20];
	_ =	sdelay $0x6  }
0x24b: {  	v33 =	vadd.s32 $0x493E0, v32  }
0x24c: {  	[tilespmem:v63+s8+$0x0] =	vst.idx.msk $0xffff, v33;
	v63 =	vld [tilespmem:$0x1FC30];
	_ =	sdelay $0x6  }
0x24d: {  	v33 =	vadd.s32 $0x61A80, v32  }
0x24e: {  	[tilespmem:v63+s8+$0x0] =	vst.idx.msk $0xffff, v33;
	v63 =	vld [tilespmem:$0x1FC40];
	_ =	sdelay $0x6  }
0x24f: {  	v33 =	vadd.s32 $0x7A120, v32  }
0x250: {  	[tilespmem:v63+s8+$0x0] =	vst.idx.msk $0xffff, v33;
	v63 =	vld [tilespmem:$0x1FC50];
	_ =	sdelay $0x6  }
0x251: {  	v33 =	vadd.s32 $0x927C0, v32  }
0x252: {  	[tilespmem:v63+s8+$0x0] =	vst.idx.msk $0xffff, v33;
	v63 =	vld [tilespmem:$0x1FC60];
	_ =	sdelay $0x6  }
0x253: {  	v33 =	vadd.s32 $0xAAE60, v32  }
0x254: {  	[tilespmem:v63+s8+$0x0] =	vst.idx.msk $0xffff, v33;
	v63 =	vld [tilespmem:$0x1FC70];
	_ =	sdelay $0x6  }
0x255: {  	v33 =	vadd.s32 $0xC3500, v32  }
0x256: {  	[tilespmem:v63+s8+$0x0] =	vst.idx.msk $0xffff, v33;
	v63 =	vld [tilespmem:$0x1FC80];
	_ =	sdelay $0x6  }
0x257: {  	v33 =	vadd.s32 $0xDBBA0, v32  }
0x258: {  	[tilespmem:v63+s8+$0x0] =	vst.idx.msk $0xffff, v33;
	v63 =	vld [tilespmem:$0x1FC90];
	_ =	sdelay $0x6  }
0x259: {  	v33 =	vadd.s32 $0xF4240, v32  }
0x25a: {  	[tilespmem:v63+s8+$0x0] =	vst.idx.msk $0xffff, v33;
	v63 =	vld [tilespmem:$0x1FCA0];
	_ =	sdelay $0x6  }
0x25b: {  	v33 =	vadd.s32 $0x10C8E0, v32  }
0x25c: {  	[tilespmem:v63+s8+$0x0] =	vst.idx.msk $0xffff, v33;
	v63 =	vld [tilespmem:$0x1FCB0];
	_ =	sdelay $0x6  }
0x25d: {  	v33 =	vadd.s32 $0x124F80, v32  }
0x25e: {  	[tilespmem:v63+s8+$0x0] =	vst.idx.msk $0xffff, v33;
	v63 =	vld [tilespmem:$0x1FCC0];
	_ =	sdelay $0x6  }
0x25f: {  	v33 =	vadd.s32 $0x13D620, v32  }
0x260: {  	[tilespmem:v63+s8+$0x0] =	vst.idx.msk $0xffff, v33;
	v63 =	vld [tilespmem:$0x1FCD0];
	_ =	sdelay $0x6  }
0x261: {  	v33 =	vadd.s32 $0x155CC0, v32  }
0x262: {  	[tilespmem:v63+s8+$0x0] =	vst.idx.msk $0xffff, v33;
	v63 =	vld [tilespmem:$0x1FCE0];
	_ =	sdelay $0x6  }
0x263: {  	v32 =	vadd.s32 $0x16E360, v32  }
0x264: {  	[tilespmem:v63+s8+$0x0] =	vst.idx.msk $0xffff, v32  }
0x265: {  	v63 =	vld [tilespmem:$0x1FCF0];
	[tilespmem:s21], [sflag:$0x1] =	stream.indirect.gather [hbm4b:s3+s6], $0x1, s20, s6, $0xb8  }
0x266: {  	_ = 	snop  }
0x267: {  	[tilespmem:s23], [sflag:$0x1] =	stream.indirect.gather [hbm4b:s3+s6], $0x1, s22, s6, $0xb8;
	[tilespmem:$0x14A0] =	vst v63  }
0x268: {  	v32 =	vld [tilespmem:$0x70];
	_ =	sdelay $0x4  }
0x269: {  	[tilespmem:v63+s8+$0x0] =	vst.idx.msk $0xffff, v32;
	v63 =	vld [tilespmem:$0x1FD00];
	_ =	sdelay $0x6  }
0x26a: {  	v33 =	vadd.s32 $0x186A0, v32  }
0x26b: {  	[tilespmem:v63+s8+$0x0] =	vst.idx.msk $0xffff, v33;
	v63 =	vld [tilespmem:$0x1FD10];
	_ =	sdelay $0x6  }
0x26c: {  	v33 =	vadd.s32 $0x30D40, v32  }
0x26d: {  	[tilespmem:v63+s8+$0x0] =	vst.idx.msk $0xffff, v33;
	v63 =	vld [tilespmem:$0x1FD20];
	_ =	sdelay $0x6  }
0x26e: {  	v33 =	vadd.s32 $0x493E0, v32  }
0x26f: {  	[tilespmem:v63+s8+$0x0] =	vst.idx.msk $0xffff, v33;
	v63 =	vld [tilespmem:$0x1FD30];
	_ =	sdelay $0x6  }
0x270: {  	v33 =	vadd.s32 $0x61A80, v32  }
0x271: {  	[tilespmem:v63+s8+$0x0] =	vst.idx.msk $0xffff, v33;
	v63 =	vadd.s32 $0x7A120, v32  }
0x272: {  	[tilespmem:v3+s8+$0x0] =	vst.idx.msk $0xffff, v63;
	v63 =	vadd.s32 $0x927C0, v32  }
0x273: {  	[tilespmem:v4+s8+$0x0] =	vst.idx.msk $0xffff, v63;
	v63 =	vadd.s32 $0xAAE60, v32  }
0x274: {  	[tilespmem:v35+s8+$0x0] =	vst.idx.msk $0xffff, v63;
	v63 =	vadd.s32 $0xC3500, v32  }
0x275: {  	[tilespmem:v39+s8+$0x0] =	vst.idx.msk $0xffff, v63;
	v63 =	vadd.s32 $0xDBBA0, v32  }
0x276: {  	[tilespmem:v40+s8+$0x0] =	vst.idx.msk $0xffff, v63;
	v63 =	vadd.s32 $0xF4240, v32  }
0x277: {  	[tilespmem:v5+s8+$0x0] =	vst.idx.msk $0xffff, v63;
	v63 =	vadd.s32 $0x10C8E0, v32  }
0x278: {  	[tilespmem:v37+s8+$0x0] =	vst.idx.msk $0xffff, v63;
	v63 =	vadd.s32 $0x124F80, v32  }
0x279: {  	[tilespmem:v41+s8+$0x0] =	vst.idx.msk $0xffff, v63;
	v63 =	vadd.s32 $0x13D620, v32  }
0x27a: {  	[tilespmem:v6+s8+$0x0] =	vst.idx.msk $0xffff, v63;
	v63 =	vadd.s32 $0x155CC0, v32  }
0x27b: {  	v32 =	vadd.s32 $0x16E360, v32;
	[tilespmem:v36+s8+$0x0] =	vst.idx.msk $0xffff, v63  }
0x27c: {  	[tilespmem:v1+s8+$0x0] =	vst.idx.msk $0xffff, v32  }
0x27d: {  	[tilespmem:s17], [sflag:$0x1] =	stream.indirect.gather [hbm4b:s3+s6], $0x1, s16, s6, $0xb8;
	[tilespmem:$0x14A0] =	vst v63  }
0x27e: {  	_ = 	snop  }
0x27f: {  	[tilespmem:s19], [sflag:$0x1] =	stream.indirect.gather [hbm4b:s3+s6], $0x1, s18, s6, $0xb8;
	[tilespmem:$0x14A0] =	vst v63  }
0x280: {  	v32 =	vld [tilespmem:$0x80];
	_ =	sdelay $0x4  }
0x281: {  	[tilespmem:v0+s8+$0x0] =	vst.idx.msk $0xffff, v32;
	v63 =	vadd.s32 $0x186A0, v32  }
0x282: {  	[tilespmem:v42+s8+$0x0] =	vst.idx.msk $0xffff, v63;
	v63 =	vadd.s32 $0x30D40, v32  }
0x283: {  	[tilespmem:v43+s8+$0x0] =	vst.idx.msk $0xffff, v63;
	v63 =	vadd.s32 $0x493E0, v32  }
0x284: {  	[tilespmem:v7+s8+$0x0] =	vst.idx.msk $0xffff, v63;
	v63 =	vadd.s32 $0x61A80, v32  }
0x285: {  	[tilespmem:v38+s8+$0x0] =	vst.idx.msk $0xffff, v63;
	v63 =	vadd.s32 $0x7A120, v32  }
0x286: {  	[tilespmem:v44+s8+$0x0] =	vst.idx.msk $0xffff, v63;
	v63 =	vadd.s32 $0x927C0, v32  }
0x287: {  	[tilespmem:v8+s8+$0x0] =	vst.idx.msk $0xffff, v63;
	v63 =	vadd.s32 $0xAAE60, v32  }
0x288: {  	[tilespmem:v45+s8+$0x0] =	vst.idx.msk $0xffff, v63;
	v63 =	vadd.s32 $0xC3500, v32  }
0x289: {  	[tilespmem:v2+s8+$0x0] =	vst.idx.msk $0xffff, v63;
	v63 =	vadd.s32 $0xDBBA0, v32  }
0x28a: {  	[tilespmem:v9+s8+$0x0] =	vst.idx.msk $0xffff, v63;
	v63 =	vadd.s32 $0xF4240, v32  }
0x28b: {  	[tilespmem:v10+s8+$0x0] =	vst.idx.msk $0xffff, v63;
	v63 =	vadd.s32 $0x10C8E0, v32  }
0x28c: {  	[tilespmem:v11+s8+$0x0] =	vst.idx.msk $0xffff, v63;
	v63 =	vadd.s32 $0x124F80, v32  }
0x28d: {  	[tilespmem:v12+s8+$0x0] =	vst.idx.msk $0xffff, v63;
	v63 =	vadd.s32 $0x13D620, v32  }
0x28e: {  	[tilespmem:v13+s8+$0x0] =	vst.idx.msk $0xffff, v63;
	v63 =	vadd.s32 $0x155CC0, v32  }
0x28f: {  	v32 =	vadd.s32 $0x16E360, v32;
	[tilespmem:v14+s8+$0x0] =	vst.idx.msk $0xffff, v63  }
0x290: {  	[tilespmem:v15+s8+$0x0] =	vst.idx.msk $0xffff, v32  }
0x291: {  	[tilespmem:s13], [sflag:$0x1] =	stream.indirect.gather [hbm4b:s3+s6], $0x1, s12, s6, $0xb8;
	[tilespmem:$0x14A0] =	vst v63  }
0x292: {  	_ = 	snop  }
0x293: {  	[tilespmem:s15], [sflag:$0x1] =	stream.indirect.gather [hbm4b:s3+s6], $0x1, s14, s6, $0xb8;
	[tilespmem:$0x14A0] =	vst v63  }
0x294: {  	v32 =	vld [tilespmem:$0x90];
	_ =	sdelay $0x4  }
0x295: {  	[tilespmem:v16+s8+$0x0] =	vst.idx.msk $0xffff, v32;
	v63 =	vadd.s32 $0x186A0, v32  }
0x296: {  	[tilespmem:v17+s8+$0x0] =	vst.idx.msk $0xffff, v63;
	v63 =	vadd.s32 $0x30D40, v32  }
0x297: {  	[tilespmem:v18+s8+$0x0] =	vst.idx.msk $0xffff, v63;
	v63 =	vadd.s32 $0x493E0, v32  }
0x298: {  	[tilespmem:v19+s8+$0x0] =	vst.idx.msk $0xffff, v63;
	v63 =	vadd.s32 $0x61A80, v32  }
0x299: {  	[tilespmem:v20+s8+$0x0] =	vst.idx.msk $0xffff, v63;
	v63 =	vadd.s32 $0x7A120, v32  }
0x29a: {  	[tilespmem:v21+s8+$0x0] =	vst.idx.msk $0xffff, v63;
	v63 =	vadd.s32 $0x927C0, v32  }
0x29b: {  	[tilespmem:v22+s8+$0x0] =	vst.idx.msk $0xffff, v63;
	v63 =	vadd.s32 $0xAAE60, v32  }
0x29c: {  	[tilespmem:v23+s8+$0x0] =	vst.idx.msk $0xffff, v63;
	v63 =	vadd.s32 $0xC3500, v32  }
0x29d: {  	[tilespmem:v24+s8+$0x0] =	vst.idx.msk $0xffff, v63;
	v63 =	vadd.s32 $0xDBBA0, v32  }
0x29e: {  	[tilespmem:v25+s8+$0x0] =	vst.idx.msk $0xffff, v63;
	v63 =	vadd.s32 $0xF4240, v32  }
0x29f: {  	[tilespmem:v26+s8+$0x0] =	vst.idx.msk $0xffff, v63;
	v63 =	vadd.s32 $0x10C8E0, v32  }
0x2a0: {  	[tilespmem:v27+s8+$0x0] =	vst.idx.msk $0xffff, v63;
	v63 =	vadd.s32 $0x124F80, v32  }
0x2a1: {  	[tilespmem:v28+s8+$0x0] =	vst.idx.msk $0xffff, v63;
	v63 =	vadd.s32 $0x13D620, v32  }
0x2a2: {  	v33 =	vadd.s32 $0x155CC0, v32;
	[tilespmem:v29+s8+$0x0] =	vst.idx.msk $0xffff, v63  }
0x2a3: {  	v32 =	vadd.s32 $0x16E360, v32;
	[tilespmem:v30+s8+$0x0] =	vst.idx.msk $0xffff, v33  }
0x2a4: {  	s0 =	simm.s32 $0xA20;
	s9 =	simm.s32 $0x1420;
	[tilespmem:v31+s8+$0x0] =	vst.idx.msk $0xffff, v32  }
0x2a5: {  	[tilespmem:s9], [sflag:$0x1] =	stream.indirect.gather [hbm4b:s3+s6], $0x1, s0, s6, $0xb8;
	[tilespmem:$0x14A0] =	vst v63  }
0x2a6: {  	_ =	swait.ge [sflag:s7], $0x80  }
0x2a7: {  	[sflag:s7] =	ssyncset.done $0x0  }
0x2a8: {  	[sflag:s7] =	ssyncadd.s32 $0xFFFFFF80  }
0x2a9: {  	_ =	swait.ge [sflag:s7], $0x80  }
0x2aa: {  	[sflag:s7] =	ssyncset.done $0x0  }
0x2ab: {  	[sflag:s7] =	ssyncadd.s32 $0xFFFFFF80  }
0x2ac: {  	_ =	swait.ge [sflag:s7], $0x80  }
0x2ad: {  	[sflag:s7] =	ssyncset.done $0x0  }
0x2ae: {  	[sflag:s7] =	ssyncadd.s32 $0xFFFFFF80  }
0x2af: {  	_ =	swait.ge [sflag:s7], $0x80  }
0x2b0: {  	[sflag:s7] =	ssyncset.done $0x0  }
0x2b1: {  	[sflag:s7] =	ssyncadd.s32 $0xFFFFFF80  }
0x2b2: {  	_ =	swait.ge [sflag:s7], $0x80  }
0x2b3: {  	[sflag:s7] =	ssyncset.done $0x0  }
0x2b4: {  	[sflag:s7] =	ssyncadd.s32 $0xFFFFFF80  }
0x2b5: {  	_ =	swait.ge [sflag:s7], $0x80  }
0x2b6: {  	[sflag:s7] =	ssyncset.done $0x0  }
0x2b7: {  	[sflag:s7] =	ssyncadd.s32 $0xFFFFFF80  }
0x2b8: {  	_ =	swait.ge [sflag:s7], $0x80  }
0x2b9: {  	[sflag:s7] =	ssyncset.done $0x0  }
0x2ba: {  	[sflag:s7] =	ssyncadd.s32 $0xFFFFFF80  }
0x2bb: {  	_ =	swait.ge [sflag:s7], $0x80  }
0x2bc: {  	[sflag:s7] =	ssyncset.done $0x0  }
0x2bd: {  	[sflag:s7] =	ssyncadd.s32 $0xFFFFFF80  }
0x2be: {  	_ =	swait.ge [sflag:s7], $0x80  }
0x2bf: {  	[sflag:s7] =	ssyncset.done $0x0  }
0x2c0: {  	[sflag:s7] =	ssyncadd.s32 $0xFFFFFF80  }
0x2c1: {  	_ =	swait.ge [sflag:s7], $0x80  }
0x2c2: {  	[sflag:s7] =	ssyncset.done $0x0  }
0x2c3: {  	[sflag:s7] =	ssyncadd.s32 $0xFFFFFF80  }
0x2c4: {  	_ =	swait.ge [sflag:s7], $0x80  }
0x2c5: {  	[sflag:s7] =	ssyncset.done $0x0  }
0x2c6: {  	[sflag:s7] =	ssyncadd.s32 $0xFFFFFF80  }
0x2c7: {  	_ =	swait.ge [sflag:s7], $0x80  }
0x2c8: {  	[sflag:s7] =	ssyncset.done $0x0  }
0x2c9: {  	[sflag:s7] =	ssyncadd.s32 $0xFFFFFF80  }
0x2ca: {  	_ =	swait.ge [sflag:s7], $0x80  }
0x2cb: {  	[sflag:s7] =	ssyncset.done $0x0  }
0x2cc: {  	[sflag:s7] =	ssyncadd.s32 $0xFFFFFF80  }
0x2cd: {  	_ =	swait.ge [sflag:s7], $0x80  }
0x2ce: {  	[sflag:s7] =	ssyncset.done $0x0  }
0x2cf: {  	[sflag:s7] =	ssyncadd.s32 $0xFFFFFF80  }
0x2d0: {  	_ =	swait.ge [sflag:s7], $0x80  }
0x2d1: {  	[sflag:s7] =	ssyncset.done $0x0  }
0x2d2: {  	[sflag:s7] =	ssyncadd.s32 $0xFFFFFF80  }
0x2d3: {  	_ =	swait.ge [sflag:s7], $0x80  }
0x2d4: {  	[sflag:s7] =	ssyncset.done $0x0  }
0x2d5: {  	[sflag:s7] =	ssyncadd.s32 $0xFFFFFF80  }
0x2d6: {  	_ =	swait.ge [sflag:s7], $0x80  }
0x2d7: {  	[sflag:s7] =	ssyncset.done $0x0  }
0x2d8: {  	[sflag:s7] =	ssyncadd.s32 $0xFFFFFF80  }
0x2d9: {  	_ =	swait.ge [sflag:s7], $0x80  }
0x2da: {  	[sflag:s7] =	ssyncset.done $0x0  }
0x2db: {  	[sflag:s7] =	ssyncadd.s32 $0xFFFFFF80  }
0x2dc: {  	_ =	swait.ge [sflag:s7], $0x80  }
0x2dd: {  	[sflag:s7] =	ssyncset.done $0x0  }
0x2de: {  	[sflag:s7] =	ssyncadd.s32 $0xFFFFFF80  }
0x2df: {  	p1 =	sne.s32 s1, $0x1;
	_ =	swait.ge [sflag:s7], $0x80  }
.Ltmp2:
0x2e0: {  	[sflag:s7] =	ssyncset.done $0x0;
	(pc) =	sbr.rel @p1 .LBB2_4-.Ltmp2, $4  }
0x2e1: {  	s11 =	rddreg [dreg:$0x4];
	[sflag:s7] =	ssyncadd.s32 $0xFFFFFF80  }
0x2e2: {  	[hbm4b:s11+s2] =	stream.linear.scatter [tilespmem:s5], [sflag:$0x2], $0xA00, $0x38;
	[tilespmem:$0x14A0] =	vst v63  }
0x2e3: {  	_ =	swait.ge [sflag:s4], $0xA00  }
0x2e4: {  	s1 =	sadd.s32 $0xFFFFFFFF, s1;
	v33 =	vmov v34;
	s0 =	rddreg [dreg:$0x3];
	[sflag:s4] =	ssyncset.done $0x0  }
0x2e5: {  	v2 =	vld [tilespmem:$0x1FFD0]  }
0x2e6: {  	v36 =	vld [tilespmem:$0x1FD60]  }
0x2e7: {  	v6 =	vld [tilespmem:$0x1FD70]  }
0x2e8: {  	v44 =	vld [tilespmem:$0x1FD80]  }
0x2e9: {  	v23 =	vld [tilespmem:$0x1FD90]  }
0x2ea: {  	v38 =	vld [tilespmem:$0x1FDA0]  }
0x2eb: {  	v8 =	vld [tilespmem:$0x1F9F0]  }
0x2ec: {  	v29 =	vld [tilespmem:$0x1FDB0]  }
0x2ed: {  	v21 =	vld [tilespmem:$0x1FDC0]  }
0x2ee: {  	v24 =	vld [tilespmem:$0x1FDD0]  }
0x2ef: {  	v25 =	vld [tilespmem:$0x1FDE0]  }
0x2f0: {  	v19 =	vld [tilespmem:$0x1FDF0]  }
0x2f1: {  	v27 =	vld [tilespmem:$0x1FE00]  }
0x2f2: {  	v28 =	vld [tilespmem:$0x1FE10]  }
0x2f3: {  	v30 =	vld [tilespmem:$0x1FE20]  }
0x2f4: {  	v20 =	vld [tilespmem:$0x1FE30]  }
0x2f5: {  	v31 =	vld [tilespmem:$0x1FE40]  }
0x2f6: {  	v34 =	vld [tilespmem:$0x1FE50]  }
0x2f7: {  	v17 =	vld [tilespmem:$0x1FE60]  }
0x2f8: {  	v63 =	vmov v62;
	v62 =	vld [tilespmem:$0x1FE70]  }
0x2f9: {  	v0 =	vld [tilespmem:$0x1FE80]  }
0x2fa: {  	v32 =	vld [tilespmem:$0x1FE90]  }
0x2fb: {  	v13 =	vld [tilespmem:$0x1FEA0]  }
0x2fc: {  	v22 =	vld [tilespmem:$0x1FEB0]  }
0x2fd: {  	v5 =	vld [tilespmem:$0x1FEC0]  }
0x2fe: {  	v40 =	vld [tilespmem:$0x1FED0]  }
0x2ff: {  	v43 =	vld [tilespmem:$0x1FEE0]  }
0x300: {  	v18 =	vld [tilespmem:$0x1FEF0]  }
0x301: {  	v10 =	vld [tilespmem:$0x1FF00]  }
0x302: {  	v39 =	vld [tilespmem:$0x1FF10]  }
0x303: {  	v4 =	vld [tilespmem:$0x1F9C0]  }
0x304: {  	v16 =	vld [tilespmem:$0x1FF30]  }
0x305: {  	v14 =	vld [tilespmem:$0x1FF20]  }
0x306: {  	v41 =	vld [tilespmem:$0x1F970]  }
0x307: {  	v11 =	vld [tilespmem:$0x1F990]  }
0x308: {  	v37 =	vld [tilespmem:$0x1F9A0]  }
0x309: {  	v42 =	vld [tilespmem:$0x1F9B0]  }
0x30a: {  	s15 =	simm.s32 $0xFA0;
	s31 =	simm.s32 $0x5A0;
	v35 =	vld [tilespmem:$0x1F950]  }
0x30b: {  	s30 =	simm.s32 $0xF20;
	s29 =	simm.s32 $0x520;
	s28 =	simm.s32 $0x10A0;
	v3 =	vld [tilespmem:$0x1F960]  }
0x30c: {  	s26 =	simm.s32 $0x6A0;
	s25 =	simm.s32 $0x1020;
	s24 =	simm.s32 $0x620;
	v12 =	vld [tilespmem:$0x1F980]  }
0x30d: {  	s23 =	simm.s32 $0x11A0;
	s22 =	simm.s32 $0x7A0;
	s21 =	simm.s32 $0x1120;
	v26 =	vld [tilespmem:$0x1FF40]  }
0x30e: {  	s20 =	simm.s32 $0x720;
	s19 =	simm.s32 $0x12A0;
	s18 =	simm.s32 $0x8A0;
	v15 =	vld [tilespmem:$0x1FD40]  }
0x30f: {  	s17 =	simm.s32 $0x1220;
	s16 =	simm.s32 $0x820;
	s14 =	simm.s32 $0x9A0;
	v7 =	vld [tilespmem:$0x1F9D0]  }
0x310: {  	s13 =	simm.s32 $0x1320;
	s12 =	simm.s32 $0x920;
	s11 =	stileid.u32;
	v9 =	vmovc v51;
	v51 =	vmov v52;
	v52 =	vmov v53;
	v45 =	vld [tilespmem:$0x1FD50];
	v53 =	vmov v0  }
.LBB2_6:
0x311: {  	[sflag:s4] =	ssyncadd.s32 @p0 $0xFFFFF600  }
0x312: {  	[tilespmem:s2], [sflag:$0x2] =	stream.linear.gather [hbm4b:s0+s2], $0xA0, $0x38;
	[tilespmem:$0x14A0] =	vst v63  }
0x313: {  	_ =	swait.ge [sflag:s4], $0xA0  }
0x314: {  	[sflag:s4] =	ssyncset.done $0x0  }
0x315: {  	[sflag:s4] =	ssyncadd.s32 $0xFFFFFF60  }
0x316: {  	[tilespmem:s5], [sflag:$0x1] =	stream.indirect.gather [hbm4b:s3+s6], $0x1, s8, s6, $0xb8;
	[tilespmem:$0x14A0] =	vst v63  }
0x317: {  	v0 =	vld [tilespmem:$0x0];
	_ =	sdelay $0x4  }
0x318: {  	[tilespmem:v33+s8+$0x0] =	vst.idx.msk $0xffff, v0;
	v1 =	vadd.s32 $0x186A0, v0  }
0x319: {  	[tilespmem:v63+s8+$0x0] =	vst.idx.msk $0xffff, v1;
	v63 =	vadd.s32 $0x30D40, v0  }
0x31a: {  	[tilespmem:v45+s8+$0x0] =	vst.idx.msk $0xffff, v63;
	v63 =	vadd.s32 $0x493E0, v0  }
0x31b: {  	v45 =	vadd.s32 $0x61A80, v0;
	[tilespmem:v59+s8+$0x0] =	vst.idx.msk $0xffff, v63  }
0x31c: {  	v59 =	vadd.s32 $0x7A120, v0;
	[tilespmem:v2+s8+$0x0] =	vst.idx.msk $0xffff, v45  }
0x31d: {  	[tilespmem:v60+s8+$0x0] =	vst.idx.msk $0xffff, v59;
	v60 =	vadd.s32 $0x927C0, v0  }
0x31e: {  	v63 =	vadd.s32 $0xAAE60, v0;
	[tilespmem:v56+s8+$0x0] =	vst.idx.msk $0xffff, v60  }
0x31f: {  	v45 =	vadd.s32 $0xC3500, v0;
	[tilespmem:v61+s8+$0x0] =	vst.idx.msk $0xffff, v63  }
0x320: {  	v56 =	vadd.s32 $0xDBBA0, v0;
	[tilespmem:v57+s8+$0x0] =	vst.idx.msk $0xffff, v45  }
0x321: {  	v57 =	vadd.s32 $0xF4240, v0;
	[tilespmem:v54+s8+$0x0] =	vst.idx.msk $0xffff, v56  }
0x322: {  	v59 =	vadd.s32 $0x10C8E0, v0;
	[tilespmem:v58+s8+$0x0] =	vst.idx.msk $0xffff, v57  }
0x323: {  	v60 =	vadd.s32 $0x124F80, v0;
	[tilespmem:v55+s8+$0x0] =	vst.idx.msk $0xffff, v59  }
0x324: {  	v61 =	vadd.s32 $0x13D620, v0;
	[tilespmem:v51+s8+$0x0] =	vst.idx.msk $0xffff, v60  }
0x325: {  	s0 =	rddreg [dreg:$0x6];
	v63 =	vadd.s32 $0x155CC0, v0;
	[tilespmem:v52+s8+$0x0] =	vst.idx.msk $0xffff, v61  }
0x326: {  	s1 =	rddreg [dreg:$0x5];
	v0 =	vadd.s32 $0x16E360, v0;
	[tilespmem:v9+s8+$0x0] =	vst.idx.msk $0xffff, v63  }
0x327: {  	s9 =	rddreg [dreg:$0x8];
	[tilespmem:v50+s8+$0x0] =	vst.idx.msk $0xffff, v0  }
0x328: {  	[tilespmem:s0], [sflag:$0x1] =	stream.indirect.gather [hbm4b:s3+s6], $0x1, s1, s6, $0xb8;
	[tilespmem:$0x14A0] =	vst v63  }
0x329: {  	s10 =	rddreg [dreg:$0x7]  }
0x32a: {  	[tilespmem:s9], [sflag:$0x1] =	stream.indirect.gather [hbm4b:s3+s6], $0x1, s10, s6, $0xb8;
	[tilespmem:$0x14A0] =	vst v63  }
0x32b: {  	v0 =	vld [tilespmem:$0x10];
	_ =	sdelay $0x4  }
0x32c: {  	[tilespmem:v7+s8+$0x0] =	vst.idx.msk $0xffff, v0;
	v7 =	vadd.s32 $0x186A0, v0  }
0x32d: {  	v9 =	vadd.s32 $0x30D40, v0;
	[tilespmem:v3+s8+$0x0] =	vst.idx.msk $0xffff, v7  }
0x32e: {  	[tilespmem:v41+s8+$0x0] =	vst.idx.msk $0xffff, v9;
	v41 =	vadd.s32 $0x493E0, v0  }
0x32f: {  	v45 =	vadd.s32 $0x61A80, v0;
	[tilespmem:v46+s8+$0x0] =	vst.idx.msk $0xffff, v41  }
0x330: {  	v46 =	vadd.s32 $0x7A120, v0;
	[tilespmem:v12+s8+$0x0] =	vst.idx.msk $0xffff, v45  }
0x331: {  	v50 =	vadd.s32 $0x927C0, v0;
	[tilespmem:v11+s8+$0x0] =	vst.idx.msk $0xffff, v46  }
0x332: {  	v51 =	vadd.s32 $0xAAE60, v0;
	[tilespmem:v47+s8+$0x0] =	vst.idx.msk $0xffff, v50  }
0x333: {  	v52 =	vadd.s32 $0xC3500, v0;
	[tilespmem:v26+s8+$0x0] =	vst.idx.msk $0xffff, v51  }
0x334: {  	v54 =	vadd.s32 $0xDBBA0, v0;
	[tilespmem:v37+s8+$0x0] =	vst.idx.msk $0xffff, v52  }
0x335: {  	v55 =	vadd.s32 $0xF4240, v0;
	[tilespmem:v48+s8+$0x0] =	vst.idx.msk $0xffff, v54  }
0x336: {  	v56 =	vadd.s32 $0x10C8E0, v0;
	[tilespmem:v15+s8+$0x0] =	vst.idx.msk $0xffff, v55  }
0x337: {  	v57 =	vadd.s32 $0x124F80, v0;
	[tilespmem:v42+s8+$0x0] =	vst.idx.msk $0xffff, v56  }
0x338: {  	v58 =	vadd.s32 $0x13D620, v0;
	[tilespmem:v49+s8+$0x0] =	vst.idx.msk $0xffff, v57  }
0x339: {  	s0 =	rddreg [dreg:$0xa];
	v59 =	vadd.s32 $0x155CC0, v0;
	[tilespmem:v35+s8+$0x0] =	vst.idx.msk $0xffff, v58  }
0x33a: {  	s1 =	rddreg [dreg:$0x9];
	v0 =	vadd.s32 $0x16E360, v0;
	[tilespmem:v16+s8+$0x0] =	vst.idx.msk $0xffff, v59  }
0x33b: {  	s9 =	rddreg [dreg:$0xc];
	[tilespmem:v14+s8+$0x0] =	vst.idx.msk $0xffff, v0  }
0x33c: {  	[tilespmem:s0], [sflag:$0x1] =	stream.indirect.gather [hbm4b:s3+s6], $0x1, s1, s6, $0xb8;
	[tilespmem:$0x14A0] =	vst v63  }
0x33d: {  	s10 =	rddreg [dreg:$0xb]  }
0x33e: {  	[tilespmem:s9], [sflag:$0x1] =	stream.indirect.gather [hbm4b:s3+s6], $0x1, s10, s6, $0xb8;
	[tilespmem:$0x14A0] =	vst v63  }
0x33f: {  	v0 =	vld [tilespmem:$0x20];
	_ =	sdelay $0x4  }
0x340: {  	[tilespmem:v5+s8+$0x0] =	vst.idx.msk $0xffff, v0;
	v60 =	vadd.s32 $0x186A0, v0  }
0x341: {  	v61 =	vadd.s32 $0x30D40, v0;
	[tilespmem:v53+s8+$0x0] =	vst.idx.msk $0xffff, v60  }
0x342: {  	v63 =	vadd.s32 $0x493E0, v0;
	[tilespmem:v4+s8+$0x0] =	vst.idx.msk $0xffff, v61  }
0x343: {  	v4 =	vadd.s32 $0x61A80, v0;
	[tilespmem:v39+s8+$0x0] =	vst.idx.msk $0xffff, v63  }
0x344: {  	v5 =	vadd.s32 $0x7A120, v0;
	[tilespmem:v40+s8+$0x0] =	vst.idx.msk $0xffff, v4  }
0x345: {  	v7 =	vadd.s32 $0x927C0, v0;
	[tilespmem:v43+s8+$0x0] =	vst.idx.msk $0xffff, v5  }
0x346: {  	v9 =	vadd.s32 $0xAAE60, v0;
	[tilespmem:v32+s8+$0x0] =	vst.idx.msk $0xffff, v7  }
0x347: {  	v11 =	vadd.s32 $0xC3500, v0;
	[tilespmem:v34+s8+$0x0] =	vst.idx.msk $0xffff, v9  }
0x348: {  	v12 =	vadd.s32 $0xDBBA0, v0;
	[tilespmem:v18+s8+$0x0] =	vst.idx.msk $0xffff, v11  }
0x349: {  	v14 =	vadd.s32 $0xF4240, v0;
	[tilespmem:v13+s8+$0x0] =	vst.idx.msk $0xffff, v12  }
0x34a: {  	v15 =	vadd.s32 $0x10C8E0, v0;
	[tilespmem:v17+s8+$0x0] =	vst.idx.msk $0xffff, v14  }
0x34b: {  	v16 =	vadd.s32 $0x124F80, v0;
	[tilespmem:v10+s8+$0x0] =	vst.idx.msk $0xffff, v15  }
0x34c: {  	v17 =	vadd.s32 $0x13D620, v0;
	[tilespmem:v22+s8+$0x0] =	vst.idx.msk $0xffff, v16  }
0x34d: {  	s0 =	rddreg [dreg:$0xe];
	v18 =	vadd.s32 $0x155CC0, v0;
	[tilespmem:v31+s8+$0x0] =	vst.idx.msk $0xffff, v17  }
0x34e: {  	s1 =	rddreg [dreg:$0xd];
	v0 =	vadd.s32 $0x16E360, v0;
	[tilespmem:v62+s8+$0x0] =	vst.idx.msk $0xffff, v18  }
0x34f: {  	s9 =	rddreg [dreg:$0x10];
	[tilespmem:v20+s8+$0x0] =	vst.idx.msk $0xffff, v0  }
0x350: {  	[tilespmem:s0], [sflag:$0x1] =	stream.indirect.gather [hbm4b:s3+s6], $0x1, s1, s6, $0xb8;
	[tilespmem:$0x14A0] =	vst v63  }
0x351: {  	s10 =	rddreg [dreg:$0xf]  }
0x352: {  	[tilespmem:s9], [sflag:$0x1] =	stream.indirect.gather [hbm4b:s3+s6], $0x1, s10, s6, $0xb8;
	[tilespmem:$0x14A0] =	vst v63  }
0x353: {  	v0 =	vld [tilespmem:$0x30];
	_ =	sdelay $0x4  }
0x354: {  	[tilespmem:v36+s8+$0x0] =	vst.idx.msk $0xffff, v0;
	v22 =	vadd.s32 $0x186A0, v0  }
0x355: {  	v26 =	vadd.s32 $0x30D40, v0;
	[tilespmem:v19+s8+$0x0] =	vst.idx.msk $0xffff, v22  }
0x356: {  	v31 =	vadd.s32 $0x493E0, v0;
	[tilespmem:v8+s8+$0x0] =	vst.idx.msk $0xffff, v26  }
0x357: {  	v32 =	vadd.s32 $0x61A80, v0;
	[tilespmem:v6+s8+$0x0] =	vst.idx.msk $0xffff, v31  }
0x358: {  	v34 =	vadd.s32 $0x7A120, v0;
	[tilespmem:v27+s8+$0x0] =	vst.idx.msk $0xffff, v32  }
0x359: {  	v35 =	vadd.s32 $0x927C0, v0;
	[tilespmem:v29+s8+$0x0] =	vst.idx.msk $0xffff, v34  }
0x35a: {  	v45 =	vld [tilespmem:$0x1FFE0];
	v36 =	vadd.s32 $0xAAE60, v0;
	[tilespmem:v44+s8+$0x0] =	vst.idx.msk $0xffff, v35  }
0x35b: {  	v46 =	vld [tilespmem:$0x1FFF0];
	v37 =	vadd.s32 $0xC3500, v0;
	[tilespmem:v28+s8+$0x0] =	vst.idx.msk $0xffff, v36  }
0x35c: {  	v39 =	vadd.s32 $0xDBBA0, v0;
	[tilespmem:v21+s8+$0x0] =	vst.idx.msk $0xffff, v37  }
0x35d: {  	v40 =	vadd.s32 $0xF4240, v0;
	[tilespmem:v23+s8+$0x0] =	vst.idx.msk $0xffff, v39  }
0x35e: {  	v41 =	vadd.s32 $0x10C8E0, v0;
	[tilespmem:v30+s8+$0x0] =	vst.idx.msk $0xffff, v40  }
0x35f: {  	v42 =	vadd.s32 $0x124F80, v0;
	[tilespmem:v24+s8+$0x0] =	vst.idx.msk $0xffff, v41  }
0x360: {  	v43 =	vadd.s32 $0x13D620, v0;
	[tilespmem:v38+s8+$0x0] =	vst.idx.msk $0xffff, v42  }
0x361: {  	s0 =	rddreg [dreg:$0x12];
	v44 =	vadd.s32 $0x155CC0, v0;
	[tilespmem:v25+s8+$0x0] =	vst.idx.msk $0xffff, v43  }
0x362: {  	s1 =	rddreg [dreg:$0x11];
	v0 =	vadd.s32 $0x16E360, v0;
	[tilespmem:v45+s8+$0x0] =	vst.idx.msk $0xffff, v44  }
0x363: {  	s9 =	rddreg [dreg:$0x14];
	[tilespmem:v46+s8+$0x0] =	vst.idx.msk $0xffff, v0  }
0x364: {  	[tilespmem:s0], [sflag:$0x1] =	stream.indirect.gather [hbm4b:s3+s6], $0x1, s1, s6, $0xb8;
	[tilespmem:$0x14A0] =	vst v63  }
0x365: {  	s10 =	rddreg [dreg:$0x13]  }
0x366: {  	[tilespmem:s9], [sflag:$0x1] =	stream.indirect.gather [hbm4b:s3+s6], $0x1, s10, s6, $0xb8;
	[tilespmem:$0x14A0] =	vst v63  }
0x367: {  	v47 =	vor.u32 $0x400, v33;
	v0 =	vld [tilespmem:$0x40]  }
0x368: {  	v48 =	vor.u32 $0x401, v33  }
0x369: {  	v49 =	vor.u32 $0x402, v33  }
0x36a: {  	v50 =	vor.u32 $0x403, v33  }
0x36b: {  	v51 =	vor.u32 $0x404, v33  }
0x36c: {  	v53 =	vor.u32 $0x405, v33;
	[tilespmem:v47+s8+$0x0] =	vst.idx.msk $0xffff, v0;
	v52 =	vadd.s32 $0x186A0, v0  }
0x36d: {  	v55 =	vor.u32 $0x406, v33;
	v54 =	vadd.s32 $0x30D40, v0;
	[tilespmem:v48+s8+$0x0] =	vst.idx.msk $0xffff, v52  }
0x36e: {  	v57 =	vor.u32 $0x407, v33;
	v56 =	vadd.s32 $0x493E0, v0;
	[tilespmem:v49+s8+$0x0] =	vst.idx.msk $0xffff, v54  }
0x36f: {  	v59 =	vor.u32 $0x408, v33;
	v58 =	vadd.s32 $0x61A80, v0;
	[tilespmem:v50+s8+$0x0] =	vst.idx.msk $0xffff, v56  }
0x370: {  	v61 =	vor.u32 $0x409, v33;
	v60 =	vadd.s32 $0x7A120, v0;
	[tilespmem:v51+s8+$0x0] =	vst.idx.msk $0xffff, v58  }
0x371: {  	v63 =	vor.u32 $0x40A, v33;
	v62 =	vadd.s32 $0x927C0, v0;
	[tilespmem:v53+s8+$0x0] =	vst.idx.msk $0xffff, v60  }
0x372: {  	v10 =	vor.u32 $0x40B, v33;
	v9 =	vadd.s32 $0xAAE60, v0;
	[tilespmem:v55+s8+$0x0] =	vst.idx.msk $0xffff, v62  }
0x373: {  	v12 =	vor.u32 $0x40C, v33;
	v11 =	vadd.s32 $0xC3500, v0;
	[tilespmem:v57+s8+$0x0] =	vst.idx.msk $0xffff, v9  }
0x374: {  	v14 =	vor.u32 $0x40D, v33;
	v13 =	vadd.s32 $0xDBBA0, v0;
	[tilespmem:v59+s8+$0x0] =	vst.idx.msk $0xffff, v11  }
0x375: {  	v16 =	vor.u32 $0x40E, v33;
	v15 =	vadd.s32 $0xF4240, v0;
	[tilespmem:v61+s8+$0x0] =	vst.idx.msk $0xffff, v13  }
0x376: {  	v18 =	vor.u32 $0x40F, v33;
	v17 =	vadd.s32 $0x10C8E0, v0;
	[tilespmem:v63+s8+$0x0] =	vst.idx.msk $0xffff, v15  }
0x377: {  	v19 =	vadd.s32 $0x124F80, v0;
	[tilespmem:v10+s8+$0x0] =	vst.idx.msk $0xffff, v17  }
0x378: {  	v20 =	vadd.s32 $0x13D620, v0;
	[tilespmem:v12+s8+$0x0] =	vst.idx.msk $0xffff, v19  }
0x379: {  	v21 =	vadd.s32 $0x155CC0, v0;
	[tilespmem:v14+s8+$0x0] =	vst.idx.msk $0xffff, v20  }
0x37a: {  	v0 =	vadd.s32 $0x16E360, v0;
	[tilespmem:v16+s8+$0x0] =	vst.idx.msk $0xffff, v21  }
0x37b: {  	[tilespmem:v18+s8+$0x0] =	vst.idx.msk $0xffff, v0  }
0x37c: {  	[tilespmem:s30], [sflag:$0x1] =	stream.indirect.gather [hbm4b:s3+s6], $0x1, s29, s6, $0xb8;
	[tilespmem:$0x14A0] =	vst v63  }
0x37d: {  	_ = 	snop  }
0x37e: {  	[tilespmem:s15], [sflag:$0x1] =	stream.indirect.gather [hbm4b:s3+s6], $0x1, s31, s6, $0xb8;
	[tilespmem:$0x14A0] =	vst v63  }
0x37f: {  	v22 =	vor.u32 $0x500, v33;
	v0 =	vld [tilespmem:$0x50]  }
0x380: {  	v23 =	vor.u32 $0x501, v33  }
0x381: {  	v24 =	vor.u32 $0x502, v33  }
0x382: {  	v25 =	vor.u32 $0x503, v33  }
0x383: {  	v26 =	vor.u32 $0x504, v33  }
0x384: {  	v28 =	vor.u32 $0x505, v33;
	[tilespmem:v22+s8+$0x0] =	vst.idx.msk $0xffff, v0;
	v27 =	vadd.s32 $0x186A0, v0  }
0x385: {  	v30 =	vor.u32 $0x506, v33;
	v29 =	vadd.s32 $0x30D40, v0;
	[tilespmem:v23+s8+$0x0] =	vst.idx.msk $0xffff, v27  }
0x386: {  	v32 =	vor.u32 $0x507, v33;
	v31 =	vadd.s32 $0x493E0, v0;
	[tilespmem:v24+s8+$0x0] =	vst.idx.msk $0xffff, v29  }
0x387: {  	v35 =	vor.u32 $0x508, v33;
	v34 =	vadd.s32 $0x61A80, v0;
	[tilespmem:v25+s8+$0x0] =	vst.idx.msk $0xffff, v31  }
0x388: {  	v37 =	vor.u32 $0x509, v33;
	v36 =	vadd.s32 $0x7A120, v0;
	[tilespmem:v26+s8+$0x0] =	vst.idx.msk $0xffff, v34  }
0x389: {  	v39 =	vor.u32 $0x50A, v33;
	v38 =	vadd.s32 $0x927C0, v0;
	[tilespmem:v28+s8+$0x0] =	vst.idx.msk $0xffff, v36  }
0x38a: {  	v41 =	vor.u32 $0x50B, v33;
	v40 =	vadd.s32 $0xAAE60, v0;
	[tilespmem:v30+s8+$0x0] =	vst.idx.msk $0xffff, v38  }
0x38b: {  	v43 =	vor.u32 $0x50C, v33;
	v42 =	vadd.s32 $0xC3500, v0;
	[tilespmem:v32+s8+$0x0] =	vst.idx.msk $0xffff, v40  }
0x38c: {  	v45 =	vor.u32 $0x50D, v33;
	v44 =	vadd.s32 $0xDBBA0, v0;
	[tilespmem:v35+s8+$0x0] =	vst.idx.msk $0xffff, v42  }
0x38d: {  	v47 =	vor.u32 $0x50E, v33;
	v46 =	vadd.s32 $0xF4240, v0;
	[tilespmem:v37+s8+$0x0] =	vst.idx.msk $0xffff, v44  }
0x38e: {  	v49 =	vor.u32 $0x50F, v33;
	v48 =	vadd.s32 $0x10C8E0, v0;
	[tilespmem:v39+s8+$0x0] =	vst.idx.msk $0xffff, v46  }
0x38f: {  	v50 =	vadd.s32 $0x124F80, v0;
	[tilespmem:v41+s8+$0x0] =	vst.idx.msk $0xffff, v48  }
0x390: {  	v51 =	vadd.s32 $0x13D620, v0;
	[tilespmem:v43+s8+$0x0] =	vst.idx.msk $0xffff, v50  }
0x391: {  	v52 =	vadd.s32 $0x155CC0, v0;
	[tilespmem:v45+s8+$0x0] =	vst.idx.msk $0xffff, v51  }
0x392: {  	v0 =	vadd.s32 $0x16E360, v0;
	[tilespmem:v47+s8+$0x0] =	vst.idx.msk $0xffff, v52  }
0x393: {  	[tilespmem:v49+s8+$0x0] =	vst.idx.msk $0xffff, v0  }
0x394: {  	[tilespmem:s25], [sflag:$0x1] =	stream.indirect.gather [hbm4b:s3+s6], $0x1, s24, s6, $0xb8;
	[tilespmem:$0x14A0] =	vst v63  }
0x395: {  	_ = 	snop  }
0x396: {  	[tilespmem:s28], [sflag:$0x1] =	stream.indirect.gather [hbm4b:s3+s6], $0x1, s26, s6, $0xb8;
	[tilespmem:$0x14A0] =	vst v63  }
0x397: {  	v53 =	vor.u32 $0x600, v33;
	v0 =	vld [tilespmem:$0x60]  }
0x398: {  	v54 =	vor.u32 $0x601, v33  }
0x399: {  	v55 =	vor.u32 $0x602, v33  }
0x39a: {  	v56 =	vor.u32 $0x603, v33  }
0x39b: {  	v57 =	vor.u32 $0x604, v33  }
0x39c: {  	v59 =	vor.u32 $0x605, v33;
	[tilespmem:v53+s8+$0x0] =	vst.idx.msk $0xffff, v0;
	v58 =	vadd.s32 $0x186A0, v0  }
0x39d: {  	v61 =	vor.u32 $0x606, v33;
	v60 =	vadd.s32 $0x30D40, v0;
	[tilespmem:v54+s8+$0x0] =	vst.idx.msk $0xffff, v58  }
0x39e: {  	v63 =	vor.u32 $0x607, v33;
	v62 =	vadd.s32 $0x493E0, v0;
	[tilespmem:v55+s8+$0x0] =	vst.idx.msk $0xffff, v60  }
0x39f: {  	v9 =	vor.u32 $0x608, v33;
	v8 =	vadd.s32 $0x61A80, v0;
	[tilespmem:v56+s8+$0x0] =	vst.idx.msk $0xffff, v62  }
0x3a0: {  	v11 =	vor.u32 $0x609, v33;
	v10 =	vadd.s32 $0x7A120, v0;
	[tilespmem:v57+s8+$0x0] =	vst.idx.msk $0xffff, v8  }
0x3a1: {  	v13 =	vor.u32 $0x60A, v33;
	v12 =	vadd.s32 $0x927C0, v0;
	[tilespmem:v59+s8+$0x0] =	vst.idx.msk $0xffff, v10  }
0x3a2: {  	v15 =	vor.u32 $0x60B, v33;
	v14 =	vadd.s32 $0xAAE60, v0;
	[tilespmem:v61+s8+$0x0] =	vst.idx.msk $0xffff, v12  }
0x3a3: {  	v17 =	vor.u32 $0x60C, v33;
	v16 =	vadd.s32 $0xC3500, v0;
	[tilespmem:v63+s8+$0x0] =	vst.idx.msk $0xffff, v14  }
0x3a4: {  	v19 =	vor.u32 $0x60D, v33;
	v18 =	vadd.s32 $0xDBBA0, v0;
	[tilespmem:v9+s8+$0x0] =	vst.idx.msk $0xffff, v16  }
0x3a5: {  	v21 =	vor.u32 $0x60E, v33;
	v20 =	vadd.s32 $0xF4240, v0;
	[tilespmem:v11+s8+$0x0] =	vst.idx.msk $0xffff, v18  }
0x3a6: {  	v23 =	vor.u32 $0x60F, v33;
	v22 =	vadd.s32 $0x10C8E0, v0;
	[tilespmem:v13+s8+$0x0] =	vst.idx.msk $0xffff, v20  }
0x3a7: {  	v24 =	vadd.s32 $0x124F80, v0;
	[tilespmem:v15+s8+$0x0] =	vst.idx.msk $0xffff, v22  }
0x3a8: {  	v25 =	vadd.s32 $0x13D620, v0;
	[tilespmem:v17+s8+$0x0] =	vst.idx.msk $0xffff, v24  }
0x3a9: {  	v26 =	vadd.s32 $0x155CC0, v0;
	[tilespmem:v19+s8+$0x0] =	vst.idx.msk $0xffff, v25  }
0x3aa: {  	v0 =	vadd.s32 $0x16E360, v0;
	[tilespmem:v21+s8+$0x0] =	vst.idx.msk $0xffff, v26  }
0x3ab: {  	[tilespmem:v23+s8+$0x0] =	vst.idx.msk $0xffff, v0  }
0x3ac: {  	[tilespmem:s21], [sflag:$0x1] =	stream.indirect.gather [hbm4b:s3+s6], $0x1, s20, s6, $0xb8;
	[tilespmem:$0x14A0] =	vst v63  }
0x3ad: {  	_ = 	snop  }
0x3ae: {  	[tilespmem:s23], [sflag:$0x1] =	stream.indirect.gather [hbm4b:s3+s6], $0x1, s22, s6, $0xb8;
	[tilespmem:$0x14A0] =	vst v63  }
0x3af: {  	v27 =	vor.u32 $0x700, v33;
	v0 =	vld [tilespmem:$0x70]  }
0x3b0: {  	v28 =	vor.u32 $0x701, v33  }
0x3b1: {  	v29 =	vor.u32 $0x702, v33  }
0x3b2: {  	v30 =	vor.u32 $0x703, v33  }
0x3b3: {  	v31 =	vor.u32 $0x704, v33  }
0x3b4: {  	v34 =	vor.u32 $0x705, v33;
	[tilespmem:v27+s8+$0x0] =	vst.idx.msk $0xffff, v0;
	v32 =	vadd.s32 $0x186A0, v0  }
0x3b5: {  	v36 =	vor.u32 $0x706, v33;
	v35 =	vadd.s32 $0x30D40, v0;
	[tilespmem:v28+s8+$0x0] =	vst.idx.msk $0xffff, v32  }
0x3b6: {  	v38 =	vor.u32 $0x707, v33;
	v37 =	vadd.s32 $0x493E0, v0;
	[tilespmem:v29+s8+$0x0] =	vst.idx.msk $0xffff, v35  }
0x3b7: {  	v40 =	vor.u32 $0x708, v33;
	v39 =	vadd.s32 $0x61A80, v0;
	[tilespmem:v30+s8+$0x0] =	vst.idx.msk $0xffff, v37  }
0x3b8: {  	v42 =	vor.u32 $0x709, v33;
	v41 =	vadd.s32 $0x7A120, v0;
	[tilespmem:v31+s8+$0x0] =	vst.idx.msk $0xffff, v39  }
0x3b9: {  	v44 =	vor.u32 $0x70A, v33;
	v43 =	vadd.s32 $0x927C0, v0;
	[tilespmem:v34+s8+$0x0] =	vst.idx.msk $0xffff, v41  }
0x3ba: {  	v46 =	vor.u32 $0x70B, v33;
	v45 =	vadd.s32 $0xAAE60, v0;
	[tilespmem:v36+s8+$0x0] =	vst.idx.msk $0xffff, v43  }
0x3bb: {  	v48 =	vor.u32 $0x70C, v33;
	v47 =	vadd.s32 $0xC3500, v0;
	[tilespmem:v38+s8+$0x0] =	vst.idx.msk $0xffff, v45  }
0x3bc: {  	v50 =	vor.u32 $0x70D, v33;
	v49 =	vadd.s32 $0xDBBA0, v0;
	[tilespmem:v40+s8+$0x0] =	vst.idx.msk $0xffff, v47  }
0x3bd: {  	v52 =	vor.u32 $0x70E, v33;
	v51 =	vadd.s32 $0xF4240, v0;
	[tilespmem:v42+s8+$0x0] =	vst.idx.msk $0xffff, v49  }
0x3be: {  	v54 =	vor.u32 $0x70F, v33;
	v53 =	vadd.s32 $0x10C8E0, v0;
	[tilespmem:v44+s8+$0x0] =	vst.idx.msk $0xffff, v51  }
0x3bf: {  	v55 =	vadd.s32 $0x124F80, v0;
	[tilespmem:v46+s8+$0x0] =	vst.idx.msk $0xffff, v53  }
0x3c0: {  	v56 =	vadd.s32 $0x13D620, v0;
	[tilespmem:v48+s8+$0x0] =	vst.idx.msk $0xffff, v55  }
0x3c1: {  	v57 =	vadd.s32 $0x155CC0, v0;
	[tilespmem:v50+s8+$0x0] =	vst.idx.msk $0xffff, v56  }
0x3c2: {  	v0 =	vadd.s32 $0x16E360, v0;
	[tilespmem:v52+s8+$0x0] =	vst.idx.msk $0xffff, v57  }
0x3c3: {  	[tilespmem:v54+s8+$0x0] =	vst.idx.msk $0xffff, v0  }
0x3c4: {  	[tilespmem:s17], [sflag:$0x1] =	stream.indirect.gather [hbm4b:s3+s6], $0x1, s16, s6, $0xb8;
	[tilespmem:$0x14A0] =	vst v63  }
0x3c5: {  	_ = 	snop  }
0x3c6: {  	[tilespmem:s19], [sflag:$0x1] =	stream.indirect.gather [hbm4b:s3+s6], $0x1, s18, s6, $0xb8;
	[tilespmem:$0x14A0] =	vst v63  }
0x3c7: {  	v58 =	vor.u32 $0x800, v33;
	v0 =	vld [tilespmem:$0x80]  }
0x3c8: {  	v59 =	vor.u32 $0x801, v33  }
0x3c9: {  	v60 =	vor.u32 $0x802, v33  }
0x3ca: {  	v61 =	vor.u32 $0x803, v33  }
0x3cb: {  	v62 =	vor.u32 $0x804, v33  }
0x3cc: {  	v9 =	vor.u32 $0x805, v33;
	[tilespmem:v58+s8+$0x0] =	vst.idx.msk $0xffff, v0;
	v63 =	vadd.s32 $0x186A0, v0  }
0x3cd: {  	v11 =	vor.u32 $0x806, v33;
	v10 =	vadd.s32 $0x30D40, v0;
	[tilespmem:v59+s8+$0x0] =	vst.idx.msk $0xffff, v63  }
0x3ce: {  	v13 =	vor.u32 $0x807, v33;
	v12 =	vadd.s32 $0x493E0, v0;
	[tilespmem:v60+s8+$0x0] =	vst.idx.msk $0xffff, v10  }
0x3cf: {  	v15 =	vor.u32 $0x808, v33;
	v14 =	vadd.s32 $0x61A80, v0;
	[tilespmem:v61+s8+$0x0] =	vst.idx.msk $0xffff, v12  }
0x3d0: {  	v17 =	vor.u32 $0x809, v33;
	v16 =	vadd.s32 $0x7A120, v0;
	[tilespmem:v62+s8+$0x0] =	vst.idx.msk $0xffff, v14  }
0x3d1: {  	v19 =	vor.u32 $0x80A, v33;
	v18 =	vadd.s32 $0x927C0, v0;
	[tilespmem:v9+s8+$0x0] =	vst.idx.msk $0xffff, v16  }
0x3d2: {  	v21 =	vor.u32 $0x80B, v33;
	v20 =	vadd.s32 $0xAAE60, v0;
	[tilespmem:v11+s8+$0x0] =	vst.idx.msk $0xffff, v18  }
0x3d3: {  	v23 =	vor.u32 $0x80C, v33;
	v22 =	vadd.s32 $0xC3500, v0;
	[tilespmem:v13+s8+$0x0] =	vst.idx.msk $0xffff, v20  }
0x3d4: {  	v25 =	vor.u32 $0x80D, v33;
	v24 =	vadd.s32 $0xDBBA0, v0;
	[tilespmem:v15+s8+$0x0] =	vst.idx.msk $0xffff, v22  }
0x3d5: {  	v27 =	vor.u32 $0x80E, v33;
	v26 =	vadd.s32 $0xF4240, v0;
	[tilespmem:v17+s8+$0x0] =	vst.idx.msk $0xffff, v24  }
0x3d6: {  	v29 =	vor.u32 $0x80F, v33;
	v28 =	vadd.s32 $0x10C8E0, v0;
	[tilespmem:v19+s8+$0x0] =	vst.idx.msk $0xffff, v26  }
0x3d7: {  	v30 =	vadd.s32 $0x124F80, v0;
	[tilespmem:v21+s8+$0x0] =	vst.idx.msk $0xffff, v28  }
0x3d8: {  	v31 =	vadd.s32 $0x13D620, v0;
	[tilespmem:v23+s8+$0x0] =	vst.idx.msk $0xffff, v30  }
0x3d9: {  	v32 =	vadd.s32 $0x155CC0, v0;
	[tilespmem:v25+s8+$0x0] =	vst.idx.msk $0xffff, v31  }
0x3da: {  	v0 =	vadd.s32 $0x16E360, v0;
	[tilespmem:v27+s8+$0x0] =	vst.idx.msk $0xffff, v32  }
0x3db: {  	[tilespmem:v29+s8+$0x0] =	vst.idx.msk $0xffff, v0  }
0x3dc: {  	[tilespmem:s13], [sflag:$0x1] =	stream.indirect.gather [hbm4b:s3+s6], $0x1, s12, s6, $0xb8;
	[tilespmem:$0x14A0] =	vst v63  }
0x3dd: {  	s28 =	simm.s32 $0x13A0  }
0x3de: {  	[tilespmem:s28], [sflag:$0x1] =	stream.indirect.gather [hbm4b:s3+s6], $0x1, s14, s6, $0xb8;
	[tilespmem:$0x14A0] =	vst v63  }
0x3df: {  	v34 =	vor.u32 $0x900, v33;
	v0 =	vld [tilespmem:$0x90]  }
0x3e0: {  	v35 =	vor.u32 $0x901, v33  }
0x3e1: {  	v36 =	vor.u32 $0x902, v33  }
0x3e2: {  	v37 =	vor.u32 $0x903, v33  }
0x3e3: {  	v38 =	vor.u32 $0x904, v33  }
0x3e4: {  	v40 =	vor.u32 $0x905, v33;
	[tilespmem:v34+s8+$0x0] =	vst.idx.msk $0xffff, v0;
	v39 =	vadd.s32 $0x186A0, v0  }
0x3e5: {  	v42 =	vor.u32 $0x906, v33;
	v41 =	vadd.s32 $0x30D40, v0;
	[tilespmem:v35+s8+$0x0] =	vst.idx.msk $0xffff, v39  }
0x3e6: {  	v44 =	vor.u32 $0x907, v33;
	v43 =	vadd.s32 $0x493E0, v0;
	[tilespmem:v36+s8+$0x0] =	vst.idx.msk $0xffff, v41  }
0x3e7: {  	v46 =	vor.u32 $0x908, v33;
	v45 =	vadd.s32 $0x61A80, v0;
	[tilespmem:v37+s8+$0x0] =	vst.idx.msk $0xffff, v43  }
0x3e8: {  	v48 =	vor.u32 $0x909, v33;
	v47 =	vadd.s32 $0x7A120, v0;
	[tilespmem:v38+s8+$0x0] =	vst.idx.msk $0xffff, v45  }
0x3e9: {  	v50 =	vor.u32 $0x90A, v33;
	v49 =	vadd.s32 $0x927C0, v0;
	[tilespmem:v40+s8+$0x0] =	vst.idx.msk $0xffff, v47  }
0x3ea: {  	v52 =	vor.u32 $0x90B, v33;
	v51 =	vadd.s32 $0xAAE60, v0;
	[tilespmem:v42+s8+$0x0] =	vst.idx.msk $0xffff, v49  }
0x3eb: {  	v54 =	vor.u32 $0x90C, v33;
	v53 =	vadd.s32 $0xC3500, v0;
	[tilespmem:v44+s8+$0x0] =	vst.idx.msk $0xffff, v51  }
0x3ec: {  	v56 =	vor.u32 $0x90D, v33;
	v55 =	vadd.s32 $0xDBBA0, v0;
	[tilespmem:v46+s8+$0x0] =	vst.idx.msk $0xffff, v53  }
0x3ed: {  	v58 =	vor.u32 $0x90E, v33;
	v57 =	vadd.s32 $0xF4240, v0;
	[tilespmem:v48+s8+$0x0] =	vst.idx.msk $0xffff, v55  }
0x3ee: {  	v60 =	vor.u32 $0x90F, v33;
	v59 =	vadd.s32 $0x10C8E0, v0;
	[tilespmem:v50+s8+$0x0] =	vst.idx.msk $0xffff, v57  }
0x3ef: {  	v61 =	vadd.s32 $0x124F80, v0;
	[tilespmem:v52+s8+$0x0] =	vst.idx.msk $0xffff, v59  }
0x3f0: {  	v62 =	vadd.s32 $0x13D620, v0;
	[tilespmem:v54+s8+$0x0] =	vst.idx.msk $0xffff, v61  }
0x3f1: {  	v63 =	vadd.s32 $0x155CC0, v0;
	[tilespmem:v56+s8+$0x0] =	vst.idx.msk $0xffff, v62  }
0x3f2: {  	v0 =	vadd.s32 $0x16E360, v0;
	[tilespmem:v58+s8+$0x0] =	vst.idx.msk $0xffff, v63  }
0x3f3: {  	s29 =	simm.s32 $0xA20;
	s30 =	simm.s32 $0x1420;
	[tilespmem:v60+s8+$0x0] =	vst.idx.msk $0xffff, v0  }
0x3f4: {  	[tilespmem:s30], [sflag:$0x1] =	stream.indirect.gather [hbm4b:s3+s6], $0x1, s29, s6, $0xb8;
	[tilespmem:$0x14A0] =	vst v63  }
0x3f5: {  	_ =	swait.ge [sflag:s7], $0x80  }
0x3f6: {  	[sflag:s7] =	ssyncset.done $0x0  }
0x3f7: {  	[sflag:s7] =	ssyncadd.s32 $0xFFFFFF80  }
0x3f8: {  	_ =	swait.ge [sflag:s7], $0x80  }
0x3f9: {  	[sflag:s7] =	ssyncset.done $0x0  }
0x3fa: {  	[sflag:s7] =	ssyncadd.s32 $0xFFFFFF80  }
0x3fb: {  	_ =	swait.ge [sflag:s7], $0x80  }
0x3fc: {  	[sflag:s7] =	ssyncset.done $0x0  }
0x3fd: {  	[sflag:s7] =	ssyncadd.s32 $0xFFFFFF80  }
0x3fe: {  	_ =	swait.ge [sflag:s7], $0x80  }
0x3ff: {  	[sflag:s7] =	ssyncset.done $0x0  }
0x400: {  	[sflag:s7] =	ssyncadd.s32 $0xFFFFFF80  }
0x401: {  	_ =	swait.ge [sflag:s7], $0x80  }
0x402: {  	[sflag:s7] =	ssyncset.done $0x0  }
0x403: {  	[sflag:s7] =	ssyncadd.s32 $0xFFFFFF80  }
0x404: {  	_ =	swait.ge [sflag:s7], $0x80  }
0x405: {  	[sflag:s7] =	ssyncset.done $0x0  }
0x406: {  	[sflag:s7] =	ssyncadd.s32 $0xFFFFFF80  }
0x407: {  	_ =	swait.ge [sflag:s7], $0x80  }
0x408: {  	[sflag:s7] =	ssyncset.done $0x0  }
0x409: {  	[sflag:s7] =	ssyncadd.s32 $0xFFFFFF80  }
0x40a: {  	_ =	swait.ge [sflag:s7], $0x80  }
0x40b: {  	[sflag:s7] =	ssyncset.done $0x0  }
0x40c: {  	[sflag:s7] =	ssyncadd.s32 $0xFFFFFF80  }
0x40d: {  	_ =	swait.ge [sflag:s7], $0x80  }
0x40e: {  	[sflag:s7] =	ssyncset.done $0x0  }
0x40f: {  	[sflag:s7] =	ssyncadd.s32 $0xFFFFFF80  }
0x410: {  	_ =	swait.ge [sflag:s7], $0x80  }
0x411: {  	[sflag:s7] =	ssyncset.done $0x0  }
0x412: {  	[sflag:s7] =	ssyncadd.s32 $0xFFFFFF80  }
0x413: {  	_ =	swait.ge [sflag:s7], $0x80  }
0x414: {  	[sflag:s7] =	ssyncset.done $0x0  }
0x415: {  	[sflag:s7] =	ssyncadd.s32 $0xFFFFFF80  }
0x416: {  	_ =	swait.ge [sflag:s7], $0x80  }
0x417: {  	[sflag:s7] =	ssyncset.done $0x0  }
0x418: {  	[sflag:s7] =	ssyncadd.s32 $0xFFFFFF80  }
0x419: {  	_ =	swait.ge [sflag:s7], $0x80  }
0x41a: {  	[sflag:s7] =	ssyncset.done $0x0  }
0x41b: {  	[sflag:s7] =	ssyncadd.s32 $0xFFFFFF80  }
0x41c: {  	_ =	swait.ge [sflag:s7], $0x80  }
0x41d: {  	[sflag:s7] =	ssyncset.done $0x0  }
0x41e: {  	[sflag:s7] =	ssyncadd.s32 $0xFFFFFF80  }
0x41f: {  	_ =	swait.ge [sflag:s7], $0x80  }
0x420: {  	[sflag:s7] =	ssyncset.done $0x0  }
0x421: {  	[sflag:s7] =	ssyncadd.s32 $0xFFFFFF80  }
0x422: {  	_ =	swait.ge [sflag:s7], $0x80  }
0x423: {  	[sflag:s7] =	ssyncset.done $0x0  }
0x424: {  	[sflag:s7] =	ssyncadd.s32 $0xFFFFFF80  }
0x425: {  	_ =	swait.ge [sflag:s7], $0x80  }
0x426: {  	[sflag:s7] =	ssyncset.done $0x0  }
0x427: {  	[sflag:s7] =	ssyncadd.s32 $0xFFFFFF80  }
0x428: {  	_ =	swait.ge [sflag:s7], $0x80  }
0x429: {  	[sflag:s7] =	ssyncset.done $0x0  }
0x42a: {  	[sflag:s7] =	ssyncadd.s32 $0xFFFFFF80  }
0x42b: {  	_ =	swait.ge [sflag:s7], $0x80  }
0x42c: {  	[sflag:s7] =	ssyncset.done $0x0  }
0x42d: {  	[sflag:s7] =	ssyncadd.s32 $0xFFFFFF80  }
0x42e: {  	_ =	swait.ge [sflag:s7], $0x80  }
0x42f: {  	[sflag:s7] =	ssyncset.done $0x0  }
0x430: {  	s31 =	rddreg [dreg:$0x4];
	[sflag:s7] =	ssyncadd.s32 $0xFFFFFF80  }
0x431: {  	[hbm4b:s31+s2] =	stream.linear.scatter [tilespmem:s5], [sflag:$0x2], $0xA00, $0x38;
	[tilespmem:$0x14A0] =	vst v63  }
0x432: {  	_ =	swait.ge [sflag:s4], $0xA00  }
0x433: {  	[sflag:s4] =	ssyncset.done $0x0  }
0x434: {  	[sflag:s4] =	ssyncadd.s32 $0xFFFFF600  }
0x435: {  	_ =	sfence.sel $0x180000  }
0x436: {  	[bflag:$0x0] =	sbarrier.arrive $0xFFFF  }
0x437: {  	_ =	strace $0x90000047  }
0x438: {  	[bflag:$0x2] =	sbarrier.arrive $0xFFFF  }
0x439: {  	p0 =	sne.s32 s11, $0x0;
	s0 =	rddreg [dreg:$0x2]  }
0x43a: {  	s0 =	sadd.s32 @!p0 $0x100000, s0  }
0x43b: {  	[sflag:s0] =	ssyncadd.tile.s32 @!p0 $0x1;
	_ =	shalt  }
.LBB2_1:
0x43c: {  	s15 =	simm.s32 $0xFA0;
	s31 =	simm.s32 $0x5A0  }
0x43d: {  	s30 =	simm.s32 $0xF20;
	s29 =	simm.s32 $0x520;
	s28 =	simm.s32 $0x10A0  }
.Ltmp3:
0x43e: {  	s26 =	simm.s32 $0x6A0;
	s25 =	simm.s32 $0x1020;
	(pc) =	sbr.rel .LBB2_6-.Ltmp3, $4  }
0x43f: {  	s24 =	simm.s32 $0x620;
	s23 =	simm.s32 $0x11A0;
	s22 =	simm.s32 $0x7A0  }
0x440: {  	s21 =	simm.s32 $0x1120;
	s20 =	simm.s32 $0x720;
	s19 =	simm.s32 $0x12A0  }
0x441: {  	s18 =	simm.s32 $0x8A0;
	s17 =	simm.s32 $0x1220;
	s16 =	simm.s32 $0x820  }
0x442: {  	v2 =	vld [tilespmem:$0x1FFD0];
	s14 =	simm.s32 $0x9A0;
	s13 =	simm.s32 $0x1320;
	s12 =	simm.s32 $0x920  }
.LBB2_7:
0x443: {  	v2 =	vld [tilespmem:$0x1FFD0]  }
0x444: {  	v36 =	vld [tilespmem:$0x1FD60]  }
0x445: {  	v6 =	vld [tilespmem:$0x1FD70]  }
0x446: {  	v44 =	vld [tilespmem:$0x1FD80]  }
0x447: {  	v23 =	vld [tilespmem:$0x1FD90]  }
0x448: {  	v38 =	vld [tilespmem:$0x1FDA0]  }
0x449: {  	v8 =	vld [tilespmem:$0x1F9F0]  }
0x44a: {  	v29 =	vld [tilespmem:$0x1FDB0]  }
0x44b: {  	v21 =	vld [tilespmem:$0x1FDC0]  }
0x44c: {  	v24 =	vld [tilespmem:$0x1FDD0]  }
0x44d: {  	v25 =	vld [tilespmem:$0x1FDE0]  }
0x44e: {  	v19 =	vld [tilespmem:$0x1FDF0]  }
0x44f: {  	v27 =	vld [tilespmem:$0x1FE00]  }
0x450: {  	v28 =	vld [tilespmem:$0x1FE10]  }
0x451: {  	v30 =	vld [tilespmem:$0x1FE20]  }
0x452: {  	v20 =	vld [tilespmem:$0x1FE30]  }
0x453: {  	v31 =	vld [tilespmem:$0x1FE40]  }
0x454: {  	v34 =	vld [tilespmem:$0x1FE50]  }
0x455: {  	v17 =	vld [tilespmem:$0x1FE60]  }
0x456: {  	v63 =	vmov v62;
	v62 =	vld [tilespmem:$0x1FE70]  }
0x457: {  	v0 =	vld [tilespmem:$0x1FE80]  }
0x458: {  	v32 =	vld [tilespmem:$0x1FE90]  }
0x459: {  	v13 =	vld [tilespmem:$0x1FEA0]  }
0x45a: {  	v22 =	vld [tilespmem:$0x1FEB0]  }
0x45b: {  	v5 =	vld [tilespmem:$0x1FEC0]  }
0x45c: {  	v40 =	vld [tilespmem:$0x1FED0]  }
0x45d: {  	v43 =	vld [tilespmem:$0x1FEE0]  }
0x45e: {  	v18 =	vld [tilespmem:$0x1FEF0]  }
0x45f: {  	v10 =	vld [tilespmem:$0x1FF00]  }
0x460: {  	v39 =	vld [tilespmem:$0x1FF10]  }
0x461: {  	v4 =	vld [tilespmem:$0x1F9C0]  }
0x462: {  	v16 =	vld [tilespmem:$0x1FF30]  }
0x463: {  	v14 =	vld [tilespmem:$0x1FF20]  }
0x464: {  	v41 =	vld [tilespmem:$0x1F970]  }
0x465: {  	v11 =	vld [tilespmem:$0x1F990]  }
0x466: {  	v37 =	vld [tilespmem:$0x1F9A0]  }
0x467: {  	v42 =	vld [tilespmem:$0x1F9B0]  }
0x468: {  	s15 =	simm.s32 $0xFA0;
	s31 =	simm.s32 $0x5A0;
	s30 =	simm.s32 $0xF20;
	v35 =	vld [tilespmem:$0x1F950]  }
0x469: {  	s29 =	simm.s32 $0x520;
	s28 =	simm.s32 $0x10A0;
	s26 =	simm.s32 $0x6A0;
	v3 =	vld [tilespmem:$0x1F960]  }
.Ltmp4:
0x46a: {  	s25 =	simm.s32 $0x1020;
	s24 =	simm.s32 $0x620;
	v12 =	vld [tilespmem:$0x1F980];
	(pc) =	sbr.rel .LBB2_6-.Ltmp4, $4  }
0x46b: {  	s23 =	simm.s32 $0x11A0;
	s22 =	simm.s32 $0x7A0;
	s21 =	simm.s32 $0x1120;
	v26 =	vld [tilespmem:$0x1FF40]  }
0x46c: {  	s20 =	simm.s32 $0x720;
	s19 =	simm.s32 $0x12A0;
	s18 =	simm.s32 $0x8A0;
	v15 =	vld [tilespmem:$0x1FD40]  }
0x46d: {  	s17 =	simm.s32 $0x1220;
	s16 =	simm.s32 $0x820;
	s14 =	simm.s32 $0x9A0;
	v7 =	vld [tilespmem:$0x1F9D0]  }
0x46e: {  	s13 =	simm.s32 $0x1320;
	s12 =	simm.s32 $0x920;
	s11 =	stileid.u32;
	v9 =	vmovc v51;
	v51 =	vmov v52;
	v52 =	vmov v53;
	v45 =	vld [tilespmem:$0x1FD50];
	v53 =	vmov v0  }
.Lfunc_end2:
_tile_overlayer_lowered:
.L_overlay_start_2:
0x46f: {  	(tag) =	ssettag $0x2  }
0x470: {  	s0 =	rddreg [dreg:$0x0];
	s2 =	stileid.u32  }
0x471: {  	s1 =	rddreg [dreg:$0x1];
	p0 =	sne.s32 s2, $0x0  }
0x472: {  	s3 =	rddreg [dreg:$0x2];
	[bflag:$0x3] =	sbarrier.arrive $0xFFFF;
	s2 =	simm.s32 @!p0 $0x1C02  }
0x473: {  	[timem:s3], [sflag:s2] =	dma.local @!p0 [hbm:s0], s1  }
0x474: {  	s0 =	simm.s32 @!p0 $0x2  }
0x475: {  	_ =	swait.ge @!p0 [sflag:s0], s1  }
0x476: {  	s1 =	ssub.s32 @!p0 $0x0, s1;
	[sflag:s0] =	ssyncset.done @!p0 $0x0  }
0x477: {  	[sflag:s0] =	ssyncadd.s32 @!p0 s1  }
0x478: {  	[bflag:$0x3] =	sbarrier.arrive $0xFFFF  }
0x479: {  	_ =	shalt  }

</sc_bundles>
